<compile_context>
chip_gen: v7x
topology: tpu7x:2x2x1
jax: 0.10.2.dev20260603
libtpu: 0.0.44.dev20260713+nightly
codegen_flags: <defaults>
</compile_context>

<pallas_src>
import functools

import jax
import jax.numpy as jnp
from jax import lax
from jax.experimental import pallas as pl
from jax.experimental.pallas import tpu as pltpu
from jax.experimental.pallas import tpu_sc as plsc

_B = 4096
_NNEG = 50
_EMB = 128
_NROWS_NEG = _B * _NNEG

_NC = 2
_NS = 16
_NW = _NC * _NS

_UB = _B // _NW
_NBUF = 2
_T = _NNEG // _NBUF


def _sc_gather_all(users, items, neg_flat,
                   U_mlp, U_mf, U_mlp_g, U_mf_g, V_mlp, V_mf):
  mesh = plsc.VectorSubcoreMesh(core_axis_name="c", subcore_axis_name="s")

  out_type = tuple(
      jax.ShapeDtypeStruct((_B, _EMB), jnp.float32) for _ in range(6)
  ) + (
      jax.ShapeDtypeStruct((_NROWS_NEG, _EMB), jnp.float32),
      jax.ShapeDtypeStruct((_NROWS_NEG, _EMB), jnp.float32),
  )

  scratch = (
      [
          pltpu.VMEM((_UB,), jnp.int32),
          pltpu.VMEM((_UB,), jnp.int32),
          pltpu.VMEM((_NNEG * _UB,), jnp.int32),
          pltpu.VMEM((_UB, _EMB), jnp.float32),
      ]
      + [pltpu.VMEM((_UB, _EMB), jnp.float32)] * (2 * _NBUF)
      + [pltpu.SemaphoreType.DMA] * (4 * _NBUF + 1)
  )

  def body(users_h, items_h, neg_h, Um_h, Uf_h, Umg_h, Ufg_h, Vm_h, Vf_h,
           o_um, o_uf, o_umg, o_ufg, o_vm, o_vf, o_nm, o_nf,
           idx_u, idx_i, idx_all, ubuf, *rest):
    bufA = rest[0:_NBUF]
    bufB = rest[_NBUF:2 * _NBUF]
    gA = rest[2 * _NBUF:3 * _NBUF]
    gB = rest[3 * _NBUF:4 * _NBUF]
    sA = rest[4 * _NBUF:5 * _NBUF]
    sB = rest[5 * _NBUF:6 * _NBUF]
    sem_u = rest[6 * _NBUF]

    wid = lax.axis_index("s") * _NC + lax.axis_index("c")
    b0 = wid * _UB

    pltpu.sync_copy(users_h.at[pl.ds(b0, _UB)], idx_u)
    pltpu.sync_copy(items_h.at[pl.ds(b0, _UB)], idx_i)
    pltpu.async_copy(Uf_h.at[idx_u], ubuf, sem_u)
    six = list(zip(
        (Um_h, Uf_h, Umg_h, Ufg_h, Vm_h, Vf_h),
        (o_um, o_uf, o_umg, o_ufg, o_vm, o_vf),
        (idx_u, idx_u, idx_u, idx_u, idx_i, idx_i)))
    bufs4, sems4 = bufA + bufB, gA + gB
    for lo in (0, 4):
      wave = [(t, o, i, bufs4[k], sems4[k])
              for k, (t, o, i) in enumerate(six[lo:lo + 4])]
      for tbl, _, idx, buf, sem in wave:
        pltpu.async_copy(tbl.at[idx], buf, sem)
      for tbl, _, idx, buf, sem in wave:
        pltpu.make_async_copy(tbl.at[idx], buf, sem).wait()
      for _, out, _, buf, sem in wave:
        pltpu.async_copy(buf, out.at[pl.ds(b0, _UB)], sem)
      for _, out, _, buf, sem in wave:
        pltpu.make_async_copy(buf, out.at[pl.ds(b0, _UB)], sem).wait()
    pltpu.make_async_copy(Uf_h.at[idx_u], ubuf, sem_u).wait()

    for n in range(_NNEG):
      pltpu.async_copy(neg_h.at[pl.ds(n * _B + b0, _UB)],
                       idx_all.at[pl.ds(n * _UB, _UB)], sem_u)
    for n in range(_NNEG):
      pltpu.make_async_copy(neg_h.at[pl.ds(n * _B + b0, _UB)],
                            idx_all.at[pl.ds(n * _UB, _UB)], sem_u).wait()

    def g_start(c, j):
      idx = idx_all.at[pl.ds(c * _UB, _UB)]
      pltpu.async_copy(Vm_h.at[idx], bufA[j], gA[j])
      pltpu.async_copy(Vf_h.at[idx], bufB[j], gB[j])

    def g_wait_A(c, j):
      idx = idx_all.at[pl.ds(c * _UB, _UB)]
      pltpu.make_async_copy(Vm_h.at[idx], bufA[j], gA[j]).wait()

    def g_wait_B(c, j):
      idx = idx_all.at[pl.ds(c * _UB, _UB)]
      pltpu.make_async_copy(Vf_h.at[idx], bufB[j], gB[j]).wait()

    def s_start_A(base, j):
      pltpu.async_copy(bufA[j], o_nm.at[pl.ds(base, _UB)], sA[j])

    def s_start_B(base, j):
      pltpu.async_copy(bufB[j], o_nf.at[pl.ds(base, _UB)], sB[j])

    def s_wait(base, j):
      pltpu.make_async_copy(bufA[j], o_nm.at[pl.ds(base, _UB)], sA[j]).wait()
      pltpu.make_async_copy(bufB[j], o_nf.at[pl.ds(base, _UB)], sB[j]).wait()

    def mul_rows(j):
      buf = bufB[j]
      def row(i, carry):
        for k in range(_EMB // 16):
          s = pl.ds(k * 16, 16)
          buf[i, s] = buf[i, s] * ubuf[i, s]
        return carry
      lax.fori_loop(0, _UB, row, 0)

    g_start(0, 0)

    def step(t, carry):
      for j in range(_NBUF):
        c = t * _NBUF + j
        base = c * _B + b0
        jn = (j - 1) % _NBUF
        g_wait_A(c, j)
        s_start_A(base, j)
        g_wait_B(c, j)
        if j == 0:
          @pl.when(t > 0)
          def _():
            s_wait(base - _B, jn)
          g_start(c + 1, jn)
        else:
          s_wait(base - _B, jn)
          @pl.when(t < _T - 1)
          def _():
            g_start(c + 1, jn)
        mul_rows(j)
        s_start_B(base, j)
      return carry

    lax.fori_loop(0, _T, step, 0)
    s_wait((_NNEG - 1) * _B + b0, _NBUF - 1)

  return functools.partial(
      pl.kernel, mesh=mesh, out_type=out_type,
      compiler_params=pltpu.CompilerParams(use_tc_tiling_on_sc=True),
      scratch_types=scratch,
  )(body)(users, items, neg_flat, U_mlp, U_mf, U_mlp_g, U_mf_g, V_mlp, V_mf)


def _tc_mlp_kernel(u_mlp_r, v_mlp_r, u_mf_r, v_mf_r, nvm_r,
                   W1u_r, W1v_r, b1_r, W2_r, b2_r,
                   o_mlp, o_mf, o_nmlp, preu_s):
  f32 = jnp.float32
  bf16 = jnp.bfloat16
  dot = lambda a, b: jax.lax.dot_general(
      a.astype(bf16), b, (((1,), (0,)), ((), ())), preferred_element_type=f32)
  i = pl.program_id(0)
  W1v = W1v_r[...].astype(bf16)
  W2 = W2_r[...].astype(bf16)

  @pl.when(i == 0)
  def _():
    pre_u = dot(u_mlp_r[...], W1u_r[...].astype(bf16)) + b1_r[...]
    preu_s[...] = pre_u
    pre_v = dot(v_mlp_r[...], W1v)
    h = jax.nn.relu(pre_u + pre_v)
    o_mlp[...] = dot(h, W2) + b2_r[...]
    o_mf[...] = u_mf_r[...] * v_mf_r[...]

  @pl.when(i > 0)
  def _():
    pre_nv = dot(nvm_r[...], W1v)
    h = jax.nn.relu(preu_s[...] + pre_nv)
    o_nmlp[...] = dot(h, W2) + b2_r[...]


def _tc_mlp(u_mlp, v_mlp, u_mf, v_mf, nm, W1u, W1v, b1, W2, b2):
  blk0 = pl.BlockSpec((_B, _EMB), lambda i: (0, 0))
  nblk = pl.BlockSpec((_B, _EMB), lambda i: (jnp.maximum(i - 1, 0), 0))
  rep = lambda r: pl.BlockSpec((r, _EMB), lambda i: (0, 0))
  return pl.pallas_call(
      _tc_mlp_kernel,
      grid=(_NNEG + 1,),
      in_specs=[blk0, blk0, blk0, blk0, nblk,
                rep(_EMB), rep(_EMB), rep(1), rep(_EMB), rep(1)],
      out_specs=[blk0, blk0, nblk],
      out_shape=[
          jax.ShapeDtypeStruct((_B, _EMB), jnp.float32),
          jax.ShapeDtypeStruct((_B, _EMB), jnp.float32),
          jax.ShapeDtypeStruct((_NROWS_NEG, _EMB), jnp.float32),
      ],
      scratch_shapes=[pltpu.VMEM((_B, _EMB), jnp.float32)],
  )(u_mlp, v_mlp, u_mf, v_mf, nm, W1u, W1v, b1, W2, b2)


def kernel(users, items, neg_items, U_mlp, U_mf, V_mlp, V_mf,
           U_mlp_g, U_mf_g, W1, b1, W2, b2):
  users = users.astype(jnp.int32)
  items = items.astype(jnp.int32)
  neg_flat = neg_items.astype(jnp.int32).T.reshape(-1)

  (u_mlp, u_mf, u_mlp_g, u_mf_g, v_mlp, v_mf, nm, neg_mf_flat) = \
      _sc_gather_all(users, items, neg_flat, U_mlp, U_mf, U_mlp_g, U_mf_g,
                     V_mlp, V_mf)

  W1u = W1[:_EMB]
  W1v = W1[_EMB:]
  b1r = b1.reshape(1, _EMB)
  b2r = b2.reshape(1, _EMB)

  mlp_vec, mf_vec, neg_mlp = _tc_mlp(
      u_mlp, v_mlp, u_mf, v_mf, nm, W1u, W1v, b1r, W2, b2r)

  neg_mlp = jnp.transpose(neg_mlp.reshape(_NNEG, _B, _EMB), (1, 0, 2))
  neg_mf = jnp.transpose(neg_mf_flat.reshape(_NNEG, _B, _EMB), (1, 0, 2))

  return (mlp_vec, mf_vec, u_mlp, u_mf, u_mlp_g, u_mf_g, neg_mlp, neg_mf)

# --- scband reference (transcript-rebuilt; emitter-appended) ---
"""Pipeline reference for scband-pri-cdr-6665789243894 (READ-ONLY COPY).

The authoritative reference and input builder live on the scoring server;
editing this copy changes nothing except your own understanding.
"""

import jax, jax.numpy as jnp
import numpy as np

NUM_USERS = 100000
NUM_ITEMS = 100000
EMB = 128
B = 4096
NNEG = 50


def my_index_select(memory, index):
    tmp = list(index.shape) + [-1]
    flat = index.reshape(-1)
    ans = jnp.take(memory, flat, axis=0)
    return ans.reshape(tmp)


def mlp_apply(x, W1, b1, W2, b2):
    h = jax.nn.relu(jnp.dot(x, W1) + b1)
    return jnp.dot(h, W2) + b2


def setup_inputs(seed: int = 0) -> dict:
    key = jax.random.key(seed)
    ks = jax.random.split(key, 13)
    return {
        "users": jax.random.randint(ks[0], (B,), 0, NUM_USERS, dtype=jnp.int64 if jax.config.jax_enable_x64 else jnp.int32),
        "items": jax.random.randint(ks[1], (B,), 0, NUM_ITEMS, dtype=jnp.int64 if jax.config.jax_enable_x64 else jnp.int32),
        "neg_items": jax.random.randint(ks[2], (B, NNEG), 0, NUM_ITEMS, dtype=jnp.int64 if jax.config.jax_enable_x64 else jnp.int32),
        "U_mlp": jax.random.normal(ks[3], (NUM_USERS, EMB), dtype=jnp.float32) * 0.05,
        "U_mf": jax.random.normal(ks[4], (NUM_USERS, EMB), dtype=jnp.float32) * 0.05,
        "V_mlp": jax.random.normal(ks[5], (NUM_ITEMS, EMB), dtype=jnp.float32) * 0.05,
        "V_mf": jax.random.normal(ks[6], (NUM_ITEMS, EMB), dtype=jnp.float32) * 0.05,
        "U_mlp_g": jax.random.normal(ks[7], (NUM_USERS, EMB), dtype=jnp.float32) * 0.05,
        "U_mf_g": jax.random.normal(ks[8], (NUM_USERS, EMB), dtype=jnp.float32) * 0.05,
        "W1": jax.random.normal(ks[9], (2 * EMB, EMB), dtype=jnp.float32) * 0.05,
        "b1": jnp.zeros((EMB,), dtype=jnp.float32),
        "W2": jax.random.normal(ks[10], (EMB, EMB), dtype=jnp.float32) * 0.05,
        "b2": jnp.zeros((EMB,), dtype=jnp.float32),
    }


def reference(users, items, neg_items, U_mlp, U_mf, V_mlp, V_mf, U_mlp_g, U_mf_g, W1, b1, W2, b2):
    # training-mode forward of PriCDR
    u_mlp = my_index_select(U_mlp, users)            # [B, EMB]
    u_mf = my_index_select(U_mf, users)              # [B, EMB]
    u_mlp_aligned = my_index_select(U_mlp, users)
    u_mf_aligned = my_index_select(U_mf, users)
    u_mlp_g = my_index_select(U_mlp_g, users)
    u_mf_g = my_index_select(U_mf_g, users)
    v_mlp = my_index_select(V_mlp, items)            # [B, EMB]
    v_mf = my_index_select(V_mf, items)              # [B, EMB]

    mlp_vector = jnp.concatenate([u_mlp, v_mlp], axis=-1)   # [B, 2*EMB]
    mf_vector = u_mlp * 0 + u_mf * v_mf                      # torch.mul(u_mf, v_mf)
    mf_vector = u_mf * v_mf
    mlp_vector = mlp_apply(mlp_vector, W1, b1, W2, b2)       # [B, EMB]

    neg_v_mlp = my_index_select(V_mlp, neg_items)    # [B, NNEG, EMB]
    neg_v_mf = my_index_select(V_mf, neg_items)      # [B, NNEG, EMB]
    u_mlp_r = jnp.repeat(u_mlp[:, None, :], neg_v_mlp.shape[1], axis=1)
    u_mf_r = jnp.repeat(u_mf[:, None, :], neg_v_mf.shape[1], axis=1)
    neg_mlp_vector = jnp.concatenate([u_mlp_r, neg_v_mlp], axis=-1)  # [B, NNEG, 2*EMB]
    neg_mf_vector = u_mf_r * neg_v_mf                                  # [B, NNEG, EMB]
    neg_mlp_vector = mlp_apply(neg_mlp_vector, W1, b1, W2, b2)         # [B, NNEG, EMB]

    return (mlp_vector, mf_vector, u_mlp_aligned, u_mf_aligned,
            u_mlp_g, u_mf_g, neg_mlp_vector, neg_mf_vector)

if __name__ == "__main__":
    import jax
    _d = setup_inputs()
    print(jax.jit(kernel)(*tuple(_d.values())))

</pallas_src>

<mosaic_0001>
#map = affine_map<(d0, d1) -> (0)>
#map1 = affine_map<(d0, d1) -> (0, 0)>
module attributes {stable_mosaic.version = 14 : i64} {
  func.func @body(%arg0: i32, %arg1: i32, %arg2: memref<4096xi32, #tpu.memory_space<hbm>>, %arg3: memref<4096xi32, #tpu.memory_space<hbm>>, %arg4: memref<204800xi32, #tpu.memory_space<hbm>>, %arg5: memref<100000x128xf32, #tpu.memory_space<hbm>>, %arg6: memref<100000x128xf32, #tpu.memory_space<hbm>>, %arg7: memref<100000x128xf32, #tpu.memory_space<hbm>>, %arg8: memref<100000x128xf32, #tpu.memory_space<hbm>>, %arg9: memref<100000x128xf32, #tpu.memory_space<hbm>>, %arg10: memref<100000x128xf32, #tpu.memory_space<hbm>>, %arg11: memref<4096x128xf32, #tpu.memory_space<hbm>>, %arg12: memref<4096x128xf32, #tpu.memory_space<hbm>>, %arg13: memref<4096x128xf32, #tpu.memory_space<hbm>>, %arg14: memref<4096x128xf32, #tpu.memory_space<hbm>>, %arg15: memref<4096x128xf32, #tpu.memory_space<hbm>>, %arg16: memref<4096x128xf32, #tpu.memory_space<hbm>>, %arg17: memref<204800x128xf32, #tpu.memory_space<hbm>>, %arg18: memref<204800x128xf32, #tpu.memory_space<hbm>>, %arg19: memref<128xi32, #tpu.memory_space<vmem>>, %arg20: memref<128xi32, #tpu.memory_space<vmem>>, %arg21: memref<6400xi32, #tpu.memory_space<vmem>>, %arg22: memref<128x128xf32, #tpu.memory_space<vmem>>, %arg23: memref<128x128xf32, #tpu.memory_space<vmem>>, %arg24: memref<128x128xf32, #tpu.memory_space<vmem>>, %arg25: memref<128x128xf32, #tpu.memory_space<vmem>>, %arg26: memref<128x128xf32, #tpu.memory_space<vmem>>, %arg27: memref<!tpu.dma_semaphore, #tpu.memory_space<semaphore_mem>>, %arg28: memref<!tpu.dma_semaphore, #tpu.memory_space<semaphore_mem>>, %arg29: memref<!tpu.dma_semaphore, #tpu.memory_space<semaphore_mem>>, %arg30: memref<!tpu.dma_semaphore, #tpu.memory_space<semaphore_mem>>, %arg31: memref<!tpu.dma_semaphore, #tpu.memory_space<semaphore_mem>>, %arg32: memref<!tpu.dma_semaphore, #tpu.memory_space<semaphore_mem>>, %arg33: memref<!tpu.dma_semaphore, #tpu.memory_space<semaphore_mem>>, %arg34: memref<!tpu.dma_semaphore, #tpu.memory_space<semaphore_mem>>, %arg35: memref<!tpu.dma_semaphore, #tpu.memory_space<semaphore_mem>>) attributes {dimension_semantics = [#tpu.dimension_semantics<core_parallel>, #tpu.dimension_semantics<subcore_parallel>], iteration_bounds = array<i64: 2, 16>, scalar_prefetch = 0 : i64, scratch_operands = 17 : i64, tpu.core_type = #tpu.core_type<sc_vector_subcore>, window_params = [{transform_indices = #map}, {transform_indices = #map}, {transform_indices = #map}, {transform_indices = #map1}, {transform_indices = #map1}, {transform_indices = #map1}, {transform_indices = #map1}, {transform_indices = #map1}, {transform_indices = #map1}, {transform_indices = #map1}, {transform_indices = #map1}, {transform_indices = #map1}, {transform_indices = #map1}, {transform_indices = #map1}, {transform_indices = #map1}, {transform_indices = #map1}, {transform_indices = #map1}]} {
    %mul3A = arith.constant 2 : i32
    %mul3A_0 = arith.muli %arg1, %mul3A : i32
    %add3A = arith.addi %mul3A_0, %arg0 : i32
    %mul3A_1 = arith.constant 128 : i32
    %mul3A_2 = arith.muli %add3A, %mul3A_1 : i32
    "tpu.region"() ({
      %run_scoped3A = tpu.sem_alloc : memref<!tpu.dma_semaphore, #tpu.memory_space<semaphore_mem>>
      %dma_start3A_916 = tpu.memref_slice %arg2[%mul3A_2] : memref<4096xi32, #tpu.memory_space<hbm>> -> memref<128xi32, #tpu.memory_space<hbm>>
      %dma_start3A_917 = tpu.memref_slice %arg2[%mul3A_2] : memref<4096xi32, #tpu.memory_space<hbm>> -> memref<128xi32, #tpu.memory_space<hbm>>
      tpu.enqueue_dma source(%dma_start3A_917 : memref<128xi32, #tpu.memory_space<hbm>>) target(%arg19 : memref<128xi32, #tpu.memory_space<vmem>>) target_semaphore(%run_scoped3A : memref<!tpu.dma_semaphore, #tpu.memory_space<semaphore_mem>>)
      %dma_wait3A_918 = tpu.memref_slice %arg2[%mul3A_2] : memref<4096xi32, #tpu.memory_space<hbm>> -> memref<128xi32, #tpu.memory_space<hbm>>
      %dma_wait3A_919 = tpu.memref_slice %arg2[%mul3A_2] : memref<4096xi32, #tpu.memory_space<hbm>> -> memref<128xi32, #tpu.memory_space<hbm>>
      tpu.wait_dma2 semaphore(%run_scoped3A : memref<!tpu.dma_semaphore, #tpu.memory_space<semaphore_mem>>) src(%dma_wait3A_919 : memref<128xi32, #tpu.memory_space<hbm>>) dst(%arg19 : memref<128xi32, #tpu.memory_space<vmem>>)
      tpu.yield
    }) : () -> ()
    "tpu.region"() ({
      %run_scoped3A = tpu.sem_alloc : memref<!tpu.dma_semaphore, #tpu.memory_space<semaphore_mem>>
      %dma_start3A_916 = tpu.memref_slice %arg3[%mul3A_2] : memref<4096xi32, #tpu.memory_space<hbm>> -> memref<128xi32, #tpu.memory_space<hbm>>
      %dma_start3A_917 = tpu.memref_slice %arg3[%mul3A_2] : memref<4096xi32, #tpu.memory_space<hbm>> -> memref<128xi32, #tpu.memory_space<hbm>>
      tpu.enqueue_dma source(%dma_start3A_917 : memref<128xi32, #tpu.memory_space<hbm>>) target(%arg20 : memref<128xi32, #tpu.memory_space<vmem>>) target_semaphore(%run_scoped3A : memref<!tpu.dma_semaphore, #tpu.memory_space<semaphore_mem>>)
      %dma_wait3A_918 = tpu.memref_slice %arg3[%mul3A_2] : memref<4096xi32, #tpu.memory_space<hbm>> -> memref<128xi32, #tpu.memory_space<hbm>>
      %dma_wait3A_919 = tpu.memref_slice %arg3[%mul3A_2] : memref<4096xi32, #tpu.memory_space<hbm>> -> memref<128xi32, #tpu.memory_space<hbm>>
      tpu.wait_dma2 semaphore(%run_scoped3A : memref<!tpu.dma_semaphore, #tpu.memory_space<semaphore_mem>>) src(%dma_wait3A_919 : memref<128xi32, #tpu.memory_space<hbm>>) dst(%arg20 : memref<128xi32, #tpu.memory_space<vmem>>)
      tpu.yield
    }) : () -> ()
    %dma_start3A = arith.constant 0 : i32
    %dma_start3A_3 = arith.constant 0 : i32
    %dma_start3A_4 = tpu.memref_slice %arg6[%dma_start3A, %dma_start3A_3] : memref<100000x128xf32, #tpu.memory_space<hbm>> -> memref<100000x128xf32, #tpu.memory_space<hbm>>
    tpu.enqueue_indirect_dma source(%dma_start3A_4 : memref<100000x128xf32, #tpu.memory_space<hbm>>) target(%arg22 : memref<128x128xf32, #tpu.memory_space<vmem>>) offsets(%arg19 : memref<128xi32, #tpu.memory_space<vmem>>) semaphore(%arg35 : memref<!tpu.dma_semaphore, #tpu.memory_space<semaphore_mem>>)
    %dma_start3A_5 = arith.constant 0 : i32
    %dma_start3A_6 = arith.constant 0 : i32
    %dma_start3A_7 = tpu.memref_slice %arg5[%dma_start3A_5, %dma_start3A_6] : memref<100000x128xf32, #tpu.memory_space<hbm>> -> memref<100000x128xf32, #tpu.memory_space<hbm>>
    tpu.enqueue_indirect_dma source(%dma_start3A_7 : memref<100000x128xf32, #tpu.memory_space<hbm>>) target(%arg23 : memref<128x128xf32, #tpu.memory_space<vmem>>) offsets(%arg19 : memref<128xi32, #tpu.memory_space<vmem>>) semaphore(%arg27 : memref<!tpu.dma_semaphore, #tpu.memory_space<semaphore_mem>>)
    %dma_start3A_8 = arith.constant 0 : i32
    %dma_start3A_9 = arith.constant 0 : i32
    %dma_start3A_10 = tpu.memref_slice %arg6[%dma_start3A_8, %dma_start3A_9] : memref<100000x128xf32, #tpu.memory_space<hbm>> -> memref<100000x128xf32, #tpu.memory_space<hbm>>
    tpu.enqueue_indirect_dma source(%dma_start3A_10 : memref<100000x128xf32, #tpu.memory_space<hbm>>) target(%arg24 : memref<128x128xf32, #tpu.memory_space<vmem>>) offsets(%arg19 : memref<128xi32, #tpu.memory_space<vmem>>) semaphore(%arg28 : memref<!tpu.dma_semaphore, #tpu.memory_space<semaphore_mem>>)
    %dma_start3A_11 = arith.constant 0 : i32
    %dma_start3A_12 = arith.constant 0 : i32
    %dma_start3A_13 = tpu.memref_slice %arg7[%dma_start3A_11, %dma_start3A_12] : memref<100000x128xf32, #tpu.memory_space<hbm>> -> memref<100000x128xf32, #tpu.memory_space<hbm>>
    tpu.enqueue_indirect_dma source(%dma_start3A_13 : memref<100000x128xf32, #tpu.memory_space<hbm>>) target(%arg25 : memref<128x128xf32, #tpu.memory_space<vmem>>) offsets(%arg19 : memref<128xi32, #tpu.memory_space<vmem>>) semaphore(%arg29 : memref<!tpu.dma_semaphore, #tpu.memory_space<semaphore_mem>>)
    %dma_start3A_14 = arith.constant 0 : i32
    %dma_start3A_15 = arith.constant 0 : i32
    %dma_start3A_16 = tpu.memref_slice %arg8[%dma_start3A_14, %dma_start3A_15] : memref<100000x128xf32, #tpu.memory_space<hbm>> -> memref<100000x128xf32, #tpu.memory_space<hbm>>
    tpu.enqueue_indirect_dma source(%dma_start3A_16 : memref<100000x128xf32, #tpu.memory_space<hbm>>) target(%arg26 : memref<128x128xf32, #tpu.memory_space<vmem>>) offsets(%arg19 : memref<128xi32, #tpu.memory_space<vmem>>) semaphore(%arg30 : memref<!tpu.dma_semaphore, #tpu.memory_space<semaphore_mem>>)
    %dma_wait3A = arith.constant 0 : i32
    %dma_wait3A_17 = arith.constant 0 : i32
    %dma_wait3A_18 = tpu.memref_slice %arg5[%dma_wait3A, %dma_wait3A_17] : memref<100000x128xf32, #tpu.memory_space<hbm>> -> memref<100000x128xf32, #tpu.memory_space<hbm>>
    tpu.wait_indirect_dma semaphore(%arg27 : memref<!tpu.dma_semaphore, #tpu.memory_space<semaphore_mem>>) src(%dma_wait3A_18 : memref<100000x128xf32, #tpu.memory_space<hbm>>) dst(%arg23 : memref<128x128xf32, #tpu.memory_space<vmem>>)
    %dma_wait3A_19 = arith.constant 0 : i32
    %dma_wait3A_20 = arith.constant 0 : i32
    %dma_wait3A_21 = tpu.memref_slice %arg6[%dma_wait3A_19, %dma_wait3A_20] : memref<100000x128xf32, #tpu.memory_space<hbm>> -> memref<100000x128xf32, #tpu.memory_space<hbm>>
    tpu.wait_indirect_dma semaphore(%arg28 : memref<!tpu.dma_semaphore, #tpu.memory_space<semaphore_mem>>) src(%dma_wait3A_21 : memref<100000x128xf32, #tpu.memory_space<hbm>>) dst(%arg24 : memref<128x128xf32, #tpu.memory_space<vmem>>)
    %dma_wait3A_22 = arith.constant 0 : i32
    %dma_wait3A_23 = arith.constant 0 : i32
    %dma_wait3A_24 = tpu.memref_slice %arg7[%dma_wait3A_22, %dma_wait3A_23] : memref<100000x128xf32, #tpu.memory_space<hbm>> -> memref<100000x128xf32, #tpu.memory_space<hbm>>
    tpu.wait_indirect_dma semaphore(%arg29 : memref<!tpu.dma_semaphore, #tpu.memory_space<semaphore_mem>>) src(%dma_wait3A_24 : memref<100000x128xf32, #tpu.memory_space<hbm>>) dst(%arg25 : memref<128x128xf32, #tpu.memory_space<vmem>>)
    %dma_wait3A_25 = arith.constant 0 : i32
    %dma_wait3A_26 = arith.constant 0 : i32
    %dma_wait3A_27 = tpu.memref_slice %arg8[%dma_wait3A_25, %dma_wait3A_26] : memref<100000x128xf32, #tpu.memory_space<hbm>> -> memref<100000x128xf32, #tpu.memory_space<hbm>>
    tpu.wait_indirect_dma semaphore(%arg30 : memref<!tpu.dma_semaphore, #tpu.memory_space<semaphore_mem>>) src(%dma_wait3A_27 : memref<100000x128xf32, #tpu.memory_space<hbm>>) dst(%arg26 : memref<128x128xf32, #tpu.memory_space<vmem>>)
    %dma_start3A_28 = arith.constant 0 : i32
    %dma_start3A_29 = tpu.memref_slice %arg11[%mul3A_2, %dma_start3A_28] : memref<4096x128xf32, #tpu.memory_space<hbm>> -> memref<128x128xf32, #tpu.memory_space<hbm>>
    %dma_start3A_30 = arith.constant 0 : i32
    %dma_start3A_31 = tpu.memref_slice %arg11[%mul3A_2, %dma_start3A_30] : memref<4096x128xf32, #tpu.memory_space<hbm>> -> memref<128x128xf32, #tpu.memory_space<hbm>>
    tpu.enqueue_dma source(%arg23 : memref<128x128xf32, #tpu.memory_space<vmem>>) target(%dma_start3A_31 : memref<128x128xf32, #tpu.memory_space<hbm>>) target_semaphore(%arg27 : memref<!tpu.dma_semaphore, #tpu.memory_space<semaphore_mem>>)
    %dma_start3A_32 = arith.constant 0 : i32
    %dma_start3A_33 = tpu.memref_slice %arg12[%mul3A_2, %dma_start3A_32] : memref<4096x128xf32, #tpu.memory_space<hbm>> -> memref<128x128xf32, #tpu.memory_space<hbm>>
    %dma_start3A_34 = arith.constant 0 : i32
    %dma_start3A_35 = tpu.memref_slice %arg12[%mul3A_2, %dma_start3A_34] : memref<4096x128xf32, #tpu.memory_space<hbm>> -> memref<128x128xf32, #tpu.memory_space<hbm>>
    tpu.enqueue_dma source(%arg24 : memref<128x128xf32, #tpu.memory_space<vmem>>) target(%dma_start3A_35 : memref<128x128xf32, #tpu.memory_space<hbm>>) target_semaphore(%arg28 : memref<!tpu.dma_semaphore, #tpu.memory_space<semaphore_mem>>)
    %dma_start3A_36 = arith.constant 0 : i32
    %dma_start3A_37 = tpu.memref_slice %arg13[%mul3A_2, %dma_start3A_36] : memref<4096x128xf32, #tpu.memory_space<hbm>> -> memref<128x128xf32, #tpu.memory_space<hbm>>
    %dma_start3A_38 = arith.constant 0 : i32
    %dma_start3A_39 = tpu.memref_slice %arg13[%mul3A_2, %dma_start3A_38] : memref<4096x128xf32, #tpu.memory_space<hbm>> -> memref<128x128xf32, #tpu.memory_space<hbm>>
    tpu.enqueue_dma source(%arg25 : memref<128x128xf32, #tpu.memory_space<vmem>>) target(%dma_start3A_39 : memref<128x128xf32, #tpu.memory_space<hbm>>) target_semaphore(%arg29 : memref<!tpu.dma_semaphore, #tpu.memory_space<semaphore_mem>>)
    %dma_start3A_40 = arith.constant 0 : i32
    %dma_start3A_41 = tpu.memref_slice %arg14[%mul3A_2, %dma_start3A_40] : memref<4096x128xf32, #tpu.memory_space<hbm>> -> memref<128x128xf32, #tpu.memory_space<hbm>>
    %dma_start3A_42 = arith.constant 0 : i32
    %dma_start3A_43 = tpu.memref_slice %arg14[%mul3A_2, %dma_start3A_42] : memref<4096x128xf32, #tpu.memory_space<hbm>> -> memref<128x128xf32, #tpu.memory_space<hbm>>
    tpu.enqueue_dma source(%arg26 : memref<128x128xf32, #tpu.memory_space<vmem>>) target(%dma_start3A_43 : memref<128x128xf32, #tpu.memory_space<hbm>>) target_semaphore(%arg30 : memref<!tpu.dma_semaphore, #tpu.memory_space<semaphore_mem>>)
    %dma_wait3A_44 = arith.constant 0 : i32
    %dma_wait3A_45 = tpu.memref_slice %arg11[%mul3A_2, %dma_wait3A_44] : memref<4096x128xf32, #tpu.memory_space<hbm>> -> memref<128x128xf32, #tpu.memory_space<hbm>>
    %dma_wait3A_46 = arith.constant 0 : i32
    %dma_wait3A_47 = tpu.memref_slice %arg11[%mul3A_2, %dma_wait3A_46] : memref<4096x128xf32, #tpu.memory_space<hbm>> -> memref<128x128xf32, #tpu.memory_space<hbm>>
    tpu.wait_dma2 semaphore(%arg27 : memref<!tpu.dma_semaphore, #tpu.memory_space<semaphore_mem>>) src(%arg23 : memref<128x128xf32, #tpu.memory_space<vmem>>) dst(%dma_wait3A_47 : memref<128x128xf32, #tpu.memory_space<hbm>>)
    %dma_wait3A_48 = arith.constant 0 : i32
    %dma_wait3A_49 = tpu.memref_slice %arg12[%mul3A_2, %dma_wait3A_48] : memref<4096x128xf32, #tpu.memory_space<hbm>> -> memref<128x128xf32, #tpu.memory_space<hbm>>
    %dma_wait3A_50 = arith.constant 0 : i32
    %dma_wait3A_51 = tpu.memref_slice %arg12[%mul3A_2, %dma_wait3A_50] : memref<4096x128xf32, #tpu.memory_space<hbm>> -> memref<128x128xf32, #tpu.memory_space<hbm>>
    tpu.wait_dma2 semaphore(%arg28 : memref<!tpu.dma_semaphore, #tpu.memory_space<semaphore_mem>>) src(%arg24 : memref<128x128xf32, #tpu.memory_space<vmem>>) dst(%dma_wait3A_51 : memref<128x128xf32, #tpu.memory_space<hbm>>)
    %dma_wait3A_52 = arith.constant 0 : i32
    %dma_wait3A_53 = tpu.memref_slice %arg13[%mul3A_2, %dma_wait3A_52] : memref<4096x128xf32, #tpu.memory_space<hbm>> -> memref<128x128xf32, #tpu.memory_space<hbm>>
    %dma_wait3A_54 = arith.constant 0 : i32
    %dma_wait3A_55 = tpu.memref_slice %arg13[%mul3A_2, %dma_wait3A_54] : memref<4096x128xf32, #tpu.memory_space<hbm>> -> memref<128x128xf32, #tpu.memory_space<hbm>>
    tpu.wait_dma2 semaphore(%arg29 : memref<!tpu.dma_semaphore, #tpu.memory_space<semaphore_mem>>) src(%arg25 : memref<128x128xf32, #tpu.memory_space<vmem>>) dst(%dma_wait3A_55 : memref<128x128xf32, #tpu.memory_space<hbm>>)
    %dma_wait3A_56 = arith.constant 0 : i32
    %dma_wait3A_57 = tpu.memref_slice %arg14[%mul3A_2, %dma_wait3A_56] : memref<4096x128xf32, #tpu.memory_space<hbm>> -> memref<128x128xf32, #tpu.memory_space<hbm>>
    %dma_wait3A_58 = arith.constant 0 : i32
    %dma_wait3A_59 = tpu.memref_slice %arg14[%mul3A_2, %dma_wait3A_58] : memref<4096x128xf32, #tpu.memory_space<hbm>> -> memref<128x128xf32, #tpu.memory_space<hbm>>
    tpu.wait_dma2 semaphore(%arg30 : memref<!tpu.dma_semaphore, #tpu.memory_space<semaphore_mem>>) src(%arg26 : memref<128x128xf32, #tpu.memory_space<vmem>>) dst(%dma_wait3A_59 : memref<128x128xf32, #tpu.memory_space<hbm>>)
    %dma_start3A_60 = arith.constant 0 : i32
    %dma_start3A_61 = arith.constant 0 : i32
    %dma_start3A_62 = tpu.memref_slice %arg9[%dma_start3A_60, %dma_start3A_61] : memref<100000x128xf32, #tpu.memory_space<hbm>> -> memref<100000x128xf32, #tpu.memory_space<hbm>>
    tpu.enqueue_indirect_dma source(%dma_start3A_62 : memref<100000x128xf32, #tpu.memory_space<hbm>>) target(%arg23 : memref<128x128xf32, #tpu.memory_space<vmem>>) offsets(%arg20 : memref<128xi32, #tpu.memory_space<vmem>>) semaphore(%arg27 : memref<!tpu.dma_semaphore, #tpu.memory_space<semaphore_mem>>)
    %dma_start3A_63 = arith.constant 0 : i32
    %dma_start3A_64 = arith.constant 0 : i32
    %dma_start3A_65 = tpu.memref_slice %arg10[%dma_start3A_63, %dma_start3A_64] : memref<100000x128xf32, #tpu.memory_space<hbm>> -> memref<100000x128xf32, #tpu.memory_space<hbm>>
    tpu.enqueue_indirect_dma source(%dma_start3A_65 : memref<100000x128xf32, #tpu.memory_space<hbm>>) target(%arg24 : memref<128x128xf32, #tpu.memory_space<vmem>>) offsets(%arg20 : memref<128xi32, #tpu.memory_space<vmem>>) semaphore(%arg28 : memref<!tpu.dma_semaphore, #tpu.memory_space<semaphore_mem>>)
    %dma_wait3A_66 = arith.constant 0 : i32
    %dma_wait3A_67 = arith.constant 0 : i32
    %dma_wait3A_68 = tpu.memref_slice %arg9[%dma_wait3A_66, %dma_wait3A_67] : memref<100000x128xf32, #tpu.memory_space<hbm>> -> memref<100000x128xf32, #tpu.memory_space<hbm>>
    tpu.wait_indirect_dma semaphore(%arg27 : memref<!tpu.dma_semaphore, #tpu.memory_space<semaphore_mem>>) src(%dma_wait3A_68 : memref<100000x128xf32, #tpu.memory_space<hbm>>) dst(%arg23 : memref<128x128xf32, #tpu.memory_space<vmem>>)
    %dma_wait3A_69 = arith.constant 0 : i32
    %dma_wait3A_70 = arith.constant 0 : i32
    %dma_wait3A_71 = tpu.memref_slice %arg10[%dma_wait3A_69, %dma_wait3A_70] : memref<100000x128xf32, #tpu.memory_space<hbm>> -> memref<100000x128xf32, #tpu.memory_space<hbm>>
    tpu.wait_indirect_dma semaphore(%arg28 : memref<!tpu.dma_semaphore, #tpu.memory_space<semaphore_mem>>) src(%dma_wait3A_71 : memref<100000x128xf32, #tpu.memory_space<hbm>>) dst(%arg24 : memref<128x128xf32, #tpu.memory_space<vmem>>)
    %dma_start3A_72 = arith.constant 0 : i32
    %dma_start3A_73 = tpu.memref_slice %arg15[%mul3A_2, %dma_start3A_72] : memref<4096x128xf32, #tpu.memory_space<hbm>> -> memref<128x128xf32, #tpu.memory_space<hbm>>
    %dma_start3A_74 = arith.constant 0 : i32
    %dma_start3A_75 = tpu.memref_slice %arg15[%mul3A_2, %dma_start3A_74] : memref<4096x128xf32, #tpu.memory_space<hbm>> -> memref<128x128xf32, #tpu.memory_space<hbm>>
    tpu.enqueue_dma source(%arg23 : memref<128x128xf32, #tpu.memory_space<vmem>>) target(%dma_start3A_75 : memref<128x128xf32, #tpu.memory_space<hbm>>) target_semaphore(%arg27 : memref<!tpu.dma_semaphore, #tpu.memory_space<semaphore_mem>>)
    %dma_start3A_76 = arith.constant 0 : i32
    %dma_start3A_77 = tpu.memref_slice %arg16[%mul3A_2, %dma_start3A_76] : memref<4096x128xf32, #tpu.memory_space<hbm>> -> memref<128x128xf32, #tpu.memory_space<hbm>>
    %dma_start3A_78 = arith.constant 0 : i32
    %dma_start3A_79 = tpu.memref_slice %arg16[%mul3A_2, %dma_start3A_78] : memref<4096x128xf32, #tpu.memory_space<hbm>> -> memref<128x128xf32, #tpu.memory_space<hbm>>
    tpu.enqueue_dma source(%arg24 : memref<128x128xf32, #tpu.memory_space<vmem>>) target(%dma_start3A_79 : memref<128x128xf32, #tpu.memory_space<hbm>>) target_semaphore(%arg28 : memref<!tpu.dma_semaphore, #tpu.memory_space<semaphore_mem>>)
    %dma_wait3A_80 = arith.constant 0 : i32
    %dma_wait3A_81 = tpu.memref_slice %arg15[%mul3A_2, %dma_wait3A_80] : memref<4096x128xf32, #tpu.memory_space<hbm>> -> memref<128x128xf32, #tpu.memory_space<hbm>>
    %dma_wait3A_82 = arith.constant 0 : i32
    %dma_wait3A_83 = tpu.memref_slice %arg15[%mul3A_2, %dma_wait3A_82] : memref<4096x128xf32, #tpu.memory_space<hbm>> -> memref<128x128xf32, #tpu.memory_space<hbm>>
    tpu.wait_dma2 semaphore(%arg27 : memref<!tpu.dma_semaphore, #tpu.memory_space<semaphore_mem>>) src(%arg23 : memref<128x128xf32, #tpu.memory_space<vmem>>) dst(%dma_wait3A_83 : memref<128x128xf32, #tpu.memory_space<hbm>>)
    %dma_wait3A_84 = arith.constant 0 : i32
    %dma_wait3A_85 = tpu.memref_slice %arg16[%mul3A_2, %dma_wait3A_84] : memref<4096x128xf32, #tpu.memory_space<hbm>> -> memref<128x128xf32, #tpu.memory_space<hbm>>
    %dma_wait3A_86 = arith.constant 0 : i32
    %dma_wait3A_87 = tpu.memref_slice %arg16[%mul3A_2, %dma_wait3A_86] : memref<4096x128xf32, #tpu.memory_space<hbm>> -> memref<128x128xf32, #tpu.memory_space<hbm>>
    tpu.wait_dma2 semaphore(%arg28 : memref<!tpu.dma_semaphore, #tpu.memory_space<semaphore_mem>>) src(%arg24 : memref<128x128xf32, #tpu.memory_space<vmem>>) dst(%dma_wait3A_87 : memref<128x128xf32, #tpu.memory_space<hbm>>)
    %dma_wait3A_88 = arith.constant 0 : i32
    %dma_wait3A_89 = arith.constant 0 : i32
    %dma_wait3A_90 = tpu.memref_slice %arg6[%dma_wait3A_88, %dma_wait3A_89] : memref<100000x128xf32, #tpu.memory_space<hbm>> -> memref<100000x128xf32, #tpu.memory_space<hbm>>
    tpu.wait_indirect_dma semaphore(%arg35 : memref<!tpu.dma_semaphore, #tpu.memory_space<semaphore_mem>>) src(%dma_wait3A_90 : memref<100000x128xf32, #tpu.memory_space<hbm>>) dst(%arg22 : memref<128x128xf32, #tpu.memory_space<vmem>>)
    %add3A_91 = arith.constant 0 : i32
    %add3A_92 = arith.addi %add3A_91, %mul3A_2 : i32
    %dma_start3A_93 = arith.constant 0 : i32
    %dma_start3A_94 = tpu.memref_slice %arg21[%dma_start3A_93] : memref<6400xi32, #tpu.memory_space<vmem>> -> memref<128xi32, #tpu.memory_space<vmem>>
    %dma_start3A_95 = tpu.memref_slice %arg4[%add3A_92] : memref<204800xi32, #tpu.memory_space<hbm>> -> memref<128xi32, #tpu.memory_space<hbm>>
    %dma_start3A_96 = arith.constant 0 : i32
    %dma_start3A_97 = tpu.memref_slice %arg21[%dma_start3A_96] : memref<6400xi32, #tpu.memory_space<vmem>> -> memref<128xi32, #tpu.memory_space<vmem>>
    %dma_start3A_98 = tpu.memref_slice %arg4[%add3A_92] : memref<204800xi32, #tpu.memory_space<hbm>> -> memref<128xi32, #tpu.memory_space<hbm>>
    tpu.enqueue_dma source(%dma_start3A_98 : memref<128xi32, #tpu.memory_space<hbm>>) target(%dma_start3A_97 : memref<128xi32, #tpu.memory_space<vmem>>) target_semaphore(%arg35 : memref<!tpu.dma_semaphore, #tpu.memory_space<semaphore_mem>>)
    %add3A_99 = arith.constant 4096 : i32
    %add3A_100 = arith.addi %add3A_99, %mul3A_2 : i32
    %dma_start3A_101 = arith.constant 128 : i32
    %dma_start3A_102 = tpu.memref_slice %arg21[%dma_start3A_101] : memref<6400xi32, #tpu.memory_space<vmem>> -> memref<128xi32, #tpu.memory_space<vmem>>
    %dma_start3A_103 = tpu.memref_slice %arg4[%add3A_100] : memref<204800xi32, #tpu.memory_space<hbm>> -> memref<128xi32, #tpu.memory_space<hbm>>
    %dma_start3A_104 = arith.constant 128 : i32
    %dma_start3A_105 = tpu.memref_slice %arg21[%dma_start3A_104] : memref<6400xi32, #tpu.memory_space<vmem>> -> memref<128xi32, #tpu.memory_space<vmem>>
    %dma_start3A_106 = tpu.memref_slice %arg4[%add3A_100] : memref<204800xi32, #tpu.memory_space<hbm>> -> memref<128xi32, #tpu.memory_space<hbm>>
    tpu.enqueue_dma source(%dma_start3A_106 : memref<128xi32, #tpu.memory_space<hbm>>) target(%dma_start3A_105 : memref<128xi32, #tpu.memory_space<vmem>>) target_semaphore(%arg35 : memref<!tpu.dma_semaphore, #tpu.memory_space<semaphore_mem>>)
    %add3A_107 = arith.constant 8192 : i32
    %add3A_108 = arith.addi %add3A_107, %mul3A_2 : i32
    %dma_start3A_109 = arith.constant 256 : i32
    %dma_start3A_110 = tpu.memref_slice %arg21[%dma_start3A_109] : memref<6400xi32, #tpu.memory_space<vmem>> -> memref<128xi32, #tpu.memory_space<vmem>>
    %dma_start3A_111 = tpu.memref_slice %arg4[%add3A_108] : memref<204800xi32, #tpu.memory_space<hbm>> -> memref<128xi32, #tpu.memory_space<hbm>>
    %dma_start3A_112 = arith.constant 256 : i32
    %dma_start3A_113 = tpu.memref_slice %arg21[%dma_start3A_112] : memref<6400xi32, #tpu.memory_space<vmem>> -> memref<128xi32, #tpu.memory_space<vmem>>
    %dma_start3A_114 = tpu.memref_slice %arg4[%add3A_108] : memref<204800xi32, #tpu.memory_space<hbm>> -> memref<128xi32, #tpu.memory_space<hbm>>
    tpu.enqueue_dma source(%dma_start3A_114 : memref<128xi32, #tpu.memory_space<hbm>>) target(%dma_start3A_113 : memref<128xi32, #tpu.memory_space<vmem>>) target_semaphore(%arg35 : memref<!tpu.dma_semaphore, #tpu.memory_space<semaphore_mem>>)
    %add3A_115 = arith.constant 12288 : i32
    %add3A_116 = arith.addi %add3A_115, %mul3A_2 : i32
    %dma_start3A_117 = arith.constant 384 : i32
    %dma_start3A_118 = tpu.memref_slice %arg21[%dma_start3A_117] : memref<6400xi32, #tpu.memory_space<vmem>> -> memref<128xi32, #tpu.memory_space<vmem>>
    %dma_start3A_119 = tpu.memref_slice %arg4[%add3A_116] : memref<204800xi32, #tpu.memory_space<hbm>> -> memref<128xi32, #tpu.memory_space<hbm>>
    %dma_start3A_120 = arith.constant 384 : i32
    %dma_start3A_121 = tpu.memref_slice %arg21[%dma_start3A_120] : memref<6400xi32, #tpu.memory_space<vmem>> -> memref<128xi32, #tpu.memory_space<vmem>>
    %dma_start3A_122 = tpu.memref_slice %arg4[%add3A_116] : memref<204800xi32, #tpu.memory_space<hbm>> -> memref<128xi32, #tpu.memory_space<hbm>>
    tpu.enqueue_dma source(%dma_start3A_122 : memref<128xi32, #tpu.memory_space<hbm>>) target(%dma_start3A_121 : memref<128xi32, #tpu.memory_space<vmem>>) target_semaphore(%arg35 : memref<!tpu.dma_semaphore, #tpu.memory_space<semaphore_mem>>)
    %add3A_123 = arith.constant 16384 : i32
    %add3A_124 = arith.addi %add3A_123, %mul3A_2 : i32
    %dma_start3A_125 = arith.constant 512 : i32
    %dma_start3A_126 = tpu.memref_slice %arg21[%dma_start3A_125] : memref<6400xi32, #tpu.memory_space<vmem>> -> memref<128xi32, #tpu.memory_space<vmem>>
    %dma_start3A_127 = tpu.memref_slice %arg4[%add3A_124] : memref<204800xi32, #tpu.memory_space<hbm>> -> memref<128xi32, #tpu.memory_space<hbm>>
    %dma_start3A_128 = arith.constant 512 : i32
    %dma_start3A_129 = tpu.memref_slice %arg21[%dma_start3A_128] : memref<6400xi32, #tpu.memory_space<vmem>> -> memref<128xi32, #tpu.memory_space<vmem>>
    %dma_start3A_130 = tpu.memref_slice %arg4[%add3A_124] : memref<204800xi32, #tpu.memory_space<hbm>> -> memref<128xi32, #tpu.memory_space<hbm>>
    tpu.enqueue_dma source(%dma_start3A_130 : memref<128xi32, #tpu.memory_space<hbm>>) target(%dma_start3A_129 : memref<128xi32, #tpu.memory_space<vmem>>) target_semaphore(%arg35 : memref<!tpu.dma_semaphore, #tpu.memory_space<semaphore_mem>>)
    %add3A_131 = arith.constant 20480 : i32
    %add3A_132 = arith.addi %add3A_131, %mul3A_2 : i32
    %dma_start3A_133 = arith.constant 640 : i32
    %dma_start3A_134 = tpu.memref_slice %arg21[%dma_start3A_133] : memref<6400xi32, #tpu.memory_space<vmem>> -> memref<128xi32, #tpu.memory_space<vmem>>
    %dma_start3A_135 = tpu.memref_slice %arg4[%add3A_132] : memref<204800xi32, #tpu.memory_space<hbm>> -> memref<128xi32, #tpu.memory_space<hbm>>
    %dma_start3A_136 = arith.constant 640 : i32
    %dma_start3A_137 = tpu.memref_slice %arg21[%dma_start3A_136] : memref<6400xi32, #tpu.memory_space<vmem>> -> memref<128xi32, #tpu.memory_space<vmem>>
    %dma_start3A_138 = tpu.memref_slice %arg4[%add3A_132] : memref<204800xi32, #tpu.memory_space<hbm>> -> memref<128xi32, #tpu.memory_space<hbm>>
    tpu.enqueue_dma source(%dma_start3A_138 : memref<128xi32, #tpu.memory_space<hbm>>) target(%dma_start3A_137 : memref<128xi32, #tpu.memory_space<vmem>>) target_semaphore(%arg35 : memref<!tpu.dma_semaphore, #tpu.memory_space<semaphore_mem>>)
    %add3A_139 = arith.constant 24576 : i32
    %add3A_140 = arith.addi %add3A_139, %mul3A_2 : i32
    %dma_start3A_141 = arith.constant 768 : i32
    %dma_start3A_142 = tpu.memref_slice %arg21[%dma_start3A_141] : memref<6400xi32, #tpu.memory_space<vmem>> -> memref<128xi32, #tpu.memory_space<vmem>>
    %dma_start3A_143 = tpu.memref_slice %arg4[%add3A_140] : memref<204800xi32, #tpu.memory_space<hbm>> -> memref<128xi32, #tpu.memory_space<hbm>>
    %dma_start3A_144 = arith.constant 768 : i32
    %dma_start3A_145 = tpu.memref_slice %arg21[%dma_start3A_144] : memref<6400xi32, #tpu.memory_space<vmem>> -> memref<128xi32, #tpu.memory_space<vmem>>
    %dma_start3A_146 = tpu.memref_slice %arg4[%add3A_140] : memref<204800xi32, #tpu.memory_space<hbm>> -> memref<128xi32, #tpu.memory_space<hbm>>
    tpu.enqueue_dma source(%dma_start3A_146 : memref<128xi32, #tpu.memory_space<hbm>>) target(%dma_start3A_145 : memref<128xi32, #tpu.memory_space<vmem>>) target_semaphore(%arg35 : memref<!tpu.dma_semaphore, #tpu.memory_space<semaphore_mem>>)
    %add3A_147 = arith.constant 28672 : i32
    %add3A_148 = arith.addi %add3A_147, %mul3A_2 : i32
    %dma_start3A_149 = arith.constant 896 : i32
    %dma_start3A_150 = tpu.memref_slice %arg21[%dma_start3A_149] : memref<6400xi32, #tpu.memory_space<vmem>> -> memref<128xi32, #tpu.memory_space<vmem>>
    %dma_start3A_151 = tpu.memref_slice %arg4[%add3A_148] : memref<204800xi32, #tpu.memory_space<hbm>> -> memref<128xi32, #tpu.memory_space<hbm>>
    %dma_start3A_152 = arith.constant 896 : i32
    %dma_start3A_153 = tpu.memref_slice %arg21[%dma_start3A_152] : memref<6400xi32, #tpu.memory_space<vmem>> -> memref<128xi32, #tpu.memory_space<vmem>>
    %dma_start3A_154 = tpu.memref_slice %arg4[%add3A_148] : memref<204800xi32, #tpu.memory_space<hbm>> -> memref<128xi32, #tpu.memory_space<hbm>>
    tpu.enqueue_dma source(%dma_start3A_154 : memref<128xi32, #tpu.memory_space<hbm>>) target(%dma_start3A_153 : memref<128xi32, #tpu.memory_space<vmem>>) target_semaphore(%arg35 : memref<!tpu.dma_semaphore, #tpu.memory_space<semaphore_mem>>)
    %add3A_155 = arith.constant 32768 : i32
    %add3A_156 = arith.addi %add3A_155, %mul3A_2 : i32
    %dma_start3A_157 = arith.constant 1024 : i32
    %dma_start3A_158 = tpu.memref_slice %arg21[%dma_start3A_157] : memref<6400xi32, #tpu.memory_space<vmem>> -> memref<128xi32, #tpu.memory_space<vmem>>
    %dma_start3A_159 = tpu.memref_slice %arg4[%add3A_156] : memref<204800xi32, #tpu.memory_space<hbm>> -> memref<128xi32, #tpu.memory_space<hbm>>
    %dma_start3A_160 = arith.constant 1024 : i32
    %dma_start3A_161 = tpu.memref_slice %arg21[%dma_start3A_160] : memref<6400xi32, #tpu.memory_space<vmem>> -> memref<128xi32, #tpu.memory_space<vmem>>
    %dma_start3A_162 = tpu.memref_slice %arg4[%add3A_156] : memref<204800xi32, #tpu.memory_space<hbm>> -> memref<128xi32, #tpu.memory_space<hbm>>
    tpu.enqueue_dma source(%dma_start3A_162 : memref<128xi32, #tpu.memory_space<hbm>>) target(%dma_start3A_161 : memref<128xi32, #tpu.memory_space<vmem>>) target_semaphore(%arg35 : memref<!tpu.dma_semaphore, #tpu.memory_space<semaphore_mem>>)
    %add3A_163 = arith.constant 36864 : i32
    %add3A_164 = arith.addi %add3A_163, %mul3A_2 : i32
    %dma_start3A_165 = arith.constant 1152 : i32
    %dma_start3A_166 = tpu.memref_slice %arg21[%dma_start3A_165] : memref<6400xi32, #tpu.memory_space<vmem>> -> memref<128xi32, #tpu.memory_space<vmem>>
    %dma_start3A_167 = tpu.memref_slice %arg4[%add3A_164] : memref<204800xi32, #tpu.memory_space<hbm>> -> memref<128xi32, #tpu.memory_space<hbm>>
    %dma_start3A_168 = arith.constant 1152 : i32
    %dma_start3A_169 = tpu.memref_slice %arg21[%dma_start3A_168] : memref<6400xi32, #tpu.memory_space<vmem>> -> memref<128xi32, #tpu.memory_space<vmem>>
    %dma_start3A_170 = tpu.memref_slice %arg4[%add3A_164] : memref<204800xi32, #tpu.memory_space<hbm>> -> memref<128xi32, #tpu.memory_space<hbm>>
    tpu.enqueue_dma source(%dma_start3A_170 : memref<128xi32, #tpu.memory_space<hbm>>) target(%dma_start3A_169 : memref<128xi32, #tpu.memory_space<vmem>>) target_semaphore(%arg35 : memref<!tpu.dma_semaphore, #tpu.memory_space<semaphore_mem>>)
    %add3A_171 = arith.constant 40960 : i32
    %add3A_172 = arith.addi %add3A_171, %mul3A_2 : i32
    %dma_start3A_173 = arith.constant 1280 : i32
    %dma_start3A_174 = tpu.memref_slice %arg21[%dma_start3A_173] : memref<6400xi32, #tpu.memory_space<vmem>> -> memref<128xi32, #tpu.memory_space<vmem>>
    %dma_start3A_175 = tpu.memref_slice %arg4[%add3A_172] : memref<204800xi32, #tpu.memory_space<hbm>> -> memref<128xi32, #tpu.memory_space<hbm>>
    %dma_start3A_176 = arith.constant 1280 : i32
    %dma_start3A_177 = tpu.memref_slice %arg21[%dma_start3A_176] : memref<6400xi32, #tpu.memory_space<vmem>> -> memref<128xi32, #tpu.memory_space<vmem>>
    %dma_start3A_178 = tpu.memref_slice %arg4[%add3A_172] : memref<204800xi32, #tpu.memory_space<hbm>> -> memref<128xi32, #tpu.memory_space<hbm>>
    tpu.enqueue_dma source(%dma_start3A_178 : memref<128xi32, #tpu.memory_space<hbm>>) target(%dma_start3A_177 : memref<128xi32, #tpu.memory_space<vmem>>) target_semaphore(%arg35 : memref<!tpu.dma_semaphore, #tpu.memory_space<semaphore_mem>>)
    %add3A_179 = arith.constant 45056 : i32
    %add3A_180 = arith.addi %add3A_179, %mul3A_2 : i32
    %dma_start3A_181 = arith.constant 1408 : i32
    %dma_start3A_182 = tpu.memref_slice %arg21[%dma_start3A_181] : memref<6400xi32, #tpu.memory_space<vmem>> -> memref<128xi32, #tpu.memory_space<vmem>>
    %dma_start3A_183 = tpu.memref_slice %arg4[%add3A_180] : memref<204800xi32, #tpu.memory_space<hbm>> -> memref<128xi32, #tpu.memory_space<hbm>>
    %dma_start3A_184 = arith.constant 1408 : i32
    %dma_start3A_185 = tpu.memref_slice %arg21[%dma_start3A_184] : memref<6400xi32, #tpu.memory_space<vmem>> -> memref<128xi32, #tpu.memory_space<vmem>>
    %dma_start3A_186 = tpu.memref_slice %arg4[%add3A_180] : memref<204800xi32, #tpu.memory_space<hbm>> -> memref<128xi32, #tpu.memory_space<hbm>>
    tpu.enqueue_dma source(%dma_start3A_186 : memref<128xi32, #tpu.memory_space<hbm>>) target(%dma_start3A_185 : memref<128xi32, #tpu.memory_space<vmem>>) target_semaphore(%arg35 : memref<!tpu.dma_semaphore, #tpu.memory_space<semaphore_mem>>)
    %add3A_187 = arith.constant 49152 : i32
    %add3A_188 = arith.addi %add3A_187, %mul3A_2 : i32
    %dma_start3A_189 = arith.constant 1536 : i32
    %dma_start3A_190 = tpu.memref_slice %arg21[%dma_start3A_189] : memref<6400xi32, #tpu.memory_space<vmem>> -> memref<128xi32, #tpu.memory_space<vmem>>
    %dma_start3A_191 = tpu.memref_slice %arg4[%add3A_188] : memref<204800xi32, #tpu.memory_space<hbm>> -> memref<128xi32, #tpu.memory_space<hbm>>
    %dma_start3A_192 = arith.constant 1536 : i32
    %dma_start3A_193 = tpu.memref_slice %arg21[%dma_start3A_192] : memref<6400xi32, #tpu.memory_space<vmem>> -> memref<128xi32, #tpu.memory_space<vmem>>
    %dma_start3A_194 = tpu.memref_slice %arg4[%add3A_188] : memref<204800xi32, #tpu.memory_space<hbm>> -> memref<128xi32, #tpu.memory_space<hbm>>
    tpu.enqueue_dma source(%dma_start3A_194 : memref<128xi32, #tpu.memory_space<hbm>>) target(%dma_start3A_193 : memref<128xi32, #tpu.memory_space<vmem>>) target_semaphore(%arg35 : memref<!tpu.dma_semaphore, #tpu.memory_space<semaphore_mem>>)
    %add3A_195 = arith.constant 53248 : i32
    %add3A_196 = arith.addi %add3A_195, %mul3A_2 : i32
    %dma_start3A_197 = arith.constant 1664 : i32
    %dma_start3A_198 = tpu.memref_slice %arg21[%dma_start3A_197] : memref<6400xi32, #tpu.memory_space<vmem>> -> memref<128xi32, #tpu.memory_space<vmem>>
    %dma_start3A_199 = tpu.memref_slice %arg4[%add3A_196] : memref<204800xi32, #tpu.memory_space<hbm>> -> memref<128xi32, #tpu.memory_space<hbm>>
    %dma_start3A_200 = arith.constant 1664 : i32
    %dma_start3A_201 = tpu.memref_slice %arg21[%dma_start3A_200] : memref<6400xi32, #tpu.memory_space<vmem>> -> memref<128xi32, #tpu.memory_space<vmem>>
    %dma_start3A_202 = tpu.memref_slice %arg4[%add3A_196] : memref<204800xi32, #tpu.memory_space<hbm>> -> memref<128xi32, #tpu.memory_space<hbm>>
    tpu.enqueue_dma source(%dma_start3A_202 : memref<128xi32, #tpu.memory_space<hbm>>) target(%dma_start3A_201 : memref<128xi32, #tpu.memory_space<vmem>>) target_semaphore(%arg35 : memref<!tpu.dma_semaphore, #tpu.memory_space<semaphore_mem>>)
    %add3A_203 = arith.constant 57344 : i32
    %add3A_204 = arith.addi %add3A_203, %mul3A_2 : i32
    %dma_start3A_205 = arith.constant 1792 : i32
    %dma_start3A_206 = tpu.memref_slice %arg21[%dma_start3A_205] : memref<6400xi32, #tpu.memory_space<vmem>> -> memref<128xi32, #tpu.memory_space<vmem>>
    %dma_start3A_207 = tpu.memref_slice %arg4[%add3A_204] : memref<204800xi32, #tpu.memory_space<hbm>> -> memref<128xi32, #tpu.memory_space<hbm>>
    %dma_start3A_208 = arith.constant 1792 : i32
    %dma_start3A_209 = tpu.memref_slice %arg21[%dma_start3A_208] : memref<6400xi32, #tpu.memory_space<vmem>> -> memref<128xi32, #tpu.memory_space<vmem>>
    %dma_start3A_210 = tpu.memref_slice %arg4[%add3A_204] : memref<204800xi32, #tpu.memory_space<hbm>> -> memref<128xi32, #tpu.memory_space<hbm>>
    tpu.enqueue_dma source(%dma_start3A_210 : memref<128xi32, #tpu.memory_space<hbm>>) target(%dma_start3A_209 : memref<128xi32, #tpu.memory_space<vmem>>) target_semaphore(%arg35 : memref<!tpu.dma_semaphore, #tpu.memory_space<semaphore_mem>>)
    %add3A_211 = arith.constant 61440 : i32
    %add3A_212 = arith.addi %add3A_211, %mul3A_2 : i32
    %dma_start3A_213 = arith.constant 1920 : i32
    %dma_start3A_214 = tpu.memref_slice %arg21[%dma_start3A_213] : memref<6400xi32, #tpu.memory_space<vmem>> -> memref<128xi32, #tpu.memory_space<vmem>>
    %dma_start3A_215 = tpu.memref_slice %arg4[%add3A_212] : memref<204800xi32, #tpu.memory_space<hbm>> -> memref<128xi32, #tpu.memory_space<hbm>>
    %dma_start3A_216 = arith.constant 1920 : i32
    %dma_start3A_217 = tpu.memref_slice %arg21[%dma_start3A_216] : memref<6400xi32, #tpu.memory_space<vmem>> -> memref<128xi32, #tpu.memory_space<vmem>>
    %dma_start3A_218 = tpu.memref_slice %arg4[%add3A_212] : memref<204800xi32, #tpu.memory_space<hbm>> -> memref<128xi32, #tpu.memory_space<hbm>>
    tpu.enqueue_dma source(%dma_start3A_218 : memref<128xi32, #tpu.memory_space<hbm>>) target(%dma_start3A_217 : memref<128xi32, #tpu.memory_space<vmem>>) target_semaphore(%arg35 : memref<!tpu.dma_semaphore, #tpu.memory_space<semaphore_mem>>)
    %add3A_219 = arith.constant 65536 : i32
    %add3A_220 = arith.addi %add3A_219, %mul3A_2 : i32
    %dma_start3A_221 = arith.constant 2048 : i32
    %dma_start3A_222 = tpu.memref_slice %arg21[%dma_start3A_221] : memref<6400xi32, #tpu.memory_space<vmem>> -> memref<128xi32, #tpu.memory_space<vmem>>
    %dma_start3A_223 = tpu.memref_slice %arg4[%add3A_220] : memref<204800xi32, #tpu.memory_space<hbm>> -> memref<128xi32, #tpu.memory_space<hbm>>
    %dma_start3A_224 = arith.constant 2048 : i32
    %dma_start3A_225 = tpu.memref_slice %arg21[%dma_start3A_224] : memref<6400xi32, #tpu.memory_space<vmem>> -> memref<128xi32, #tpu.memory_space<vmem>>
    %dma_start3A_226 = tpu.memref_slice %arg4[%add3A_220] : memref<204800xi32, #tpu.memory_space<hbm>> -> memref<128xi32, #tpu.memory_space<hbm>>
    tpu.enqueue_dma source(%dma_start3A_226 : memref<128xi32, #tpu.memory_space<hbm>>) target(%dma_start3A_225 : memref<128xi32, #tpu.memory_space<vmem>>) target_semaphore(%arg35 : memref<!tpu.dma_semaphore, #tpu.memory_space<semaphore_mem>>)
    %add3A_227 = arith.constant 69632 : i32
    %add3A_228 = arith.addi %add3A_227, %mul3A_2 : i32
    %dma_start3A_229 = arith.constant 2176 : i32
    %dma_start3A_230 = tpu.memref_slice %arg21[%dma_start3A_229] : memref<6400xi32, #tpu.memory_space<vmem>> -> memref<128xi32, #tpu.memory_space<vmem>>
    %dma_start3A_231 = tpu.memref_slice %arg4[%add3A_228] : memref<204800xi32, #tpu.memory_space<hbm>> -> memref<128xi32, #tpu.memory_space<hbm>>
    %dma_start3A_232 = arith.constant 2176 : i32
    %dma_start3A_233 = tpu.memref_slice %arg21[%dma_start3A_232] : memref<6400xi32, #tpu.memory_space<vmem>> -> memref<128xi32, #tpu.memory_space<vmem>>
    %dma_start3A_234 = tpu.memref_slice %arg4[%add3A_228] : memref<204800xi32, #tpu.memory_space<hbm>> -> memref<128xi32, #tpu.memory_space<hbm>>
    tpu.enqueue_dma source(%dma_start3A_234 : memref<128xi32, #tpu.memory_space<hbm>>) target(%dma_start3A_233 : memref<128xi32, #tpu.memory_space<vmem>>) target_semaphore(%arg35 : memref<!tpu.dma_semaphore, #tpu.memory_space<semaphore_mem>>)
    %add3A_235 = arith.constant 73728 : i32
    %add3A_236 = arith.addi %add3A_235, %mul3A_2 : i32
    %dma_start3A_237 = arith.constant 2304 : i32
    %dma_start3A_238 = tpu.memref_slice %arg21[%dma_start3A_237] : memref<6400xi32, #tpu.memory_space<vmem>> -> memref<128xi32, #tpu.memory_space<vmem>>
    %dma_start3A_239 = tpu.memref_slice %arg4[%add3A_236] : memref<204800xi32, #tpu.memory_space<hbm>> -> memref<128xi32, #tpu.memory_space<hbm>>
    %dma_start3A_240 = arith.constant 2304 : i32
    %dma_start3A_241 = tpu.memref_slice %arg21[%dma_start3A_240] : memref<6400xi32, #tpu.memory_space<vmem>> -> memref<128xi32, #tpu.memory_space<vmem>>
    %dma_start3A_242 = tpu.memref_slice %arg4[%add3A_236] : memref<204800xi32, #tpu.memory_space<hbm>> -> memref<128xi32, #tpu.memory_space<hbm>>
    tpu.enqueue_dma source(%dma_start3A_242 : memref<128xi32, #tpu.memory_space<hbm>>) target(%dma_start3A_241 : memref<128xi32, #tpu.memory_space<vmem>>) target_semaphore(%arg35 : memref<!tpu.dma_semaphore, #tpu.memory_space<semaphore_mem>>)
    %add3A_243 = arith.constant 77824 : i32
    %add3A_244 = arith.addi %add3A_243, %mul3A_2 : i32
    %dma_start3A_245 = arith.constant 2432 : i32
    %dma_start3A_246 = tpu.memref_slice %arg21[%dma_start3A_245] : memref<6400xi32, #tpu.memory_space<vmem>> -> memref<128xi32, #tpu.memory_space<vmem>>
    %dma_start3A_247 = tpu.memref_slice %arg4[%add3A_244] : memref<204800xi32, #tpu.memory_space<hbm>> -> memref<128xi32, #tpu.memory_space<hbm>>
    %dma_start3A_248 = arith.constant 2432 : i32
    %dma_start3A_249 = tpu.memref_slice %arg21[%dma_start3A_248] : memref<6400xi32, #tpu.memory_space<vmem>> -> memref<128xi32, #tpu.memory_space<vmem>>
    %dma_start3A_250 = tpu.memref_slice %arg4[%add3A_244] : memref<204800xi32, #tpu.memory_space<hbm>> -> memref<128xi32, #tpu.memory_space<hbm>>
    tpu.enqueue_dma source(%dma_start3A_250 : memref<128xi32, #tpu.memory_space<hbm>>) target(%dma_start3A_249 : memref<128xi32, #tpu.memory_space<vmem>>) target_semaphore(%arg35 : memref<!tpu.dma_semaphore, #tpu.memory_space<semaphore_mem>>)
    %add3A_251 = arith.constant 81920 : i32
    %add3A_252 = arith.addi %add3A_251, %mul3A_2 : i32
    %dma_start3A_253 = arith.constant 2560 : i32
    %dma_start3A_254 = tpu.memref_slice %arg21[%dma_start3A_253] : memref<6400xi32, #tpu.memory_space<vmem>> -> memref<128xi32, #tpu.memory_space<vmem>>
    %dma_start3A_255 = tpu.memref_slice %arg4[%add3A_252] : memref<204800xi32, #tpu.memory_space<hbm>> -> memref<128xi32, #tpu.memory_space<hbm>>
    %dma_start3A_256 = arith.constant 2560 : i32
    %dma_start3A_257 = tpu.memref_slice %arg21[%dma_start3A_256] : memref<6400xi32, #tpu.memory_space<vmem>> -> memref<128xi32, #tpu.memory_space<vmem>>
    %dma_start3A_258 = tpu.memref_slice %arg4[%add3A_252] : memref<204800xi32, #tpu.memory_space<hbm>> -> memref<128xi32, #tpu.memory_space<hbm>>
    tpu.enqueue_dma source(%dma_start3A_258 : memref<128xi32, #tpu.memory_space<hbm>>) target(%dma_start3A_257 : memref<128xi32, #tpu.memory_space<vmem>>) target_semaphore(%arg35 : memref<!tpu.dma_semaphore, #tpu.memory_space<semaphore_mem>>)
    %add3A_259 = arith.constant 86016 : i32
    %add3A_260 = arith.addi %add3A_259, %mul3A_2 : i32
    %dma_start3A_261 = arith.constant 2688 : i32
    %dma_start3A_262 = tpu.memref_slice %arg21[%dma_start3A_261] : memref<6400xi32, #tpu.memory_space<vmem>> -> memref<128xi32, #tpu.memory_space<vmem>>
    %dma_start3A_263 = tpu.memref_slice %arg4[%add3A_260] : memref<204800xi32, #tpu.memory_space<hbm>> -> memref<128xi32, #tpu.memory_space<hbm>>
    %dma_start3A_264 = arith.constant 2688 : i32
    %dma_start3A_265 = tpu.memref_slice %arg21[%dma_start3A_264] : memref<6400xi32, #tpu.memory_space<vmem>> -> memref<128xi32, #tpu.memory_space<vmem>>
    %dma_start3A_266 = tpu.memref_slice %arg4[%add3A_260] : memref<204800xi32, #tpu.memory_space<hbm>> -> memref<128xi32, #tpu.memory_space<hbm>>
    tpu.enqueue_dma source(%dma_start3A_266 : memref<128xi32, #tpu.memory_space<hbm>>) target(%dma_start3A_265 : memref<128xi32, #tpu.memory_space<vmem>>) target_semaphore(%arg35 : memref<!tpu.dma_semaphore, #tpu.memory_space<semaphore_mem>>)
    %add3A_267 = arith.constant 90112 : i32
    %add3A_268 = arith.addi %add3A_267, %mul3A_2 : i32
    %dma_start3A_269 = arith.constant 2816 : i32
    %dma_start3A_270 = tpu.memref_slice %arg21[%dma_start3A_269] : memref<6400xi32, #tpu.memory_space<vmem>> -> memref<128xi32, #tpu.memory_space<vmem>>
    %dma_start3A_271 = tpu.memref_slice %arg4[%add3A_268] : memref<204800xi32, #tpu.memory_space<hbm>> -> memref<128xi32, #tpu.memory_space<hbm>>
    %dma_start3A_272 = arith.constant 2816 : i32
    %dma_start3A_273 = tpu.memref_slice %arg21[%dma_start3A_272] : memref<6400xi32, #tpu.memory_space<vmem>> -> memref<128xi32, #tpu.memory_space<vmem>>
    %dma_start3A_274 = tpu.memref_slice %arg4[%add3A_268] : memref<204800xi32, #tpu.memory_space<hbm>> -> memref<128xi32, #tpu.memory_space<hbm>>
    tpu.enqueue_dma source(%dma_start3A_274 : memref<128xi32, #tpu.memory_space<hbm>>) target(%dma_start3A_273 : memref<128xi32, #tpu.memory_space<vmem>>) target_semaphore(%arg35 : memref<!tpu.dma_semaphore, #tpu.memory_space<semaphore_mem>>)
    %add3A_275 = arith.constant 94208 : i32
    %add3A_276 = arith.addi %add3A_275, %mul3A_2 : i32
    %dma_start3A_277 = arith.constant 2944 : i32
    %dma_start3A_278 = tpu.memref_slice %arg21[%dma_start3A_277] : memref<6400xi32, #tpu.memory_space<vmem>> -> memref<128xi32, #tpu.memory_space<vmem>>
    %dma_start3A_279 = tpu.memref_slice %arg4[%add3A_276] : memref<204800xi32, #tpu.memory_space<hbm>> -> memref<128xi32, #tpu.memory_space<hbm>>
    %dma_start3A_280 = arith.constant 2944 : i32
    %dma_start3A_281 = tpu.memref_slice %arg21[%dma_start3A_280] : memref<6400xi32, #tpu.memory_space<vmem>> -> memref<128xi32, #tpu.memory_space<vmem>>
    %dma_start3A_282 = tpu.memref_slice %arg4[%add3A_276] : memref<204800xi32, #tpu.memory_space<hbm>> -> memref<128xi32, #tpu.memory_space<hbm>>
    tpu.enqueue_dma source(%dma_start3A_282 : memref<128xi32, #tpu.memory_space<hbm>>) target(%dma_start3A_281 : memref<128xi32, #tpu.memory_space<vmem>>) target_semaphore(%arg35 : memref<!tpu.dma_semaphore, #tpu.memory_space<semaphore_mem>>)
    %add3A_283 = arith.constant 98304 : i32
    %add3A_284 = arith.addi %add3A_283, %mul3A_2 : i32
    %dma_start3A_285 = arith.constant 3072 : i32
    %dma_start3A_286 = tpu.memref_slice %arg21[%dma_start3A_285] : memref<6400xi32, #tpu.memory_space<vmem>> -> memref<128xi32, #tpu.memory_space<vmem>>
    %dma_start3A_287 = tpu.memref_slice %arg4[%add3A_284] : memref<204800xi32, #tpu.memory_space<hbm>> -> memref<128xi32, #tpu.memory_space<hbm>>
    %dma_start3A_288 = arith.constant 3072 : i32
    %dma_start3A_289 = tpu.memref_slice %arg21[%dma_start3A_288] : memref<6400xi32, #tpu.memory_space<vmem>> -> memref<128xi32, #tpu.memory_space<vmem>>
    %dma_start3A_290 = tpu.memref_slice %arg4[%add3A_284] : memref<204800xi32, #tpu.memory_space<hbm>> -> memref<128xi32, #tpu.memory_space<hbm>>
    tpu.enqueue_dma source(%dma_start3A_290 : memref<128xi32, #tpu.memory_space<hbm>>) target(%dma_start3A_289 : memref<128xi32, #tpu.memory_space<vmem>>) target_semaphore(%arg35 : memref<!tpu.dma_semaphore, #tpu.memory_space<semaphore_mem>>)
    %add3A_291 = arith.constant 102400 : i32
    %add3A_292 = arith.addi %add3A_291, %mul3A_2 : i32
    %dma_start3A_293 = arith.constant 3200 : i32
    %dma_start3A_294 = tpu.memref_slice %arg21[%dma_start3A_293] : memref<6400xi32, #tpu.memory_space<vmem>> -> memref<128xi32, #tpu.memory_space<vmem>>
    %dma_start3A_295 = tpu.memref_slice %arg4[%add3A_292] : memref<204800xi32, #tpu.memory_space<hbm>> -> memref<128xi32, #tpu.memory_space<hbm>>
    %dma_start3A_296 = arith.constant 3200 : i32
    %dma_start3A_297 = tpu.memref_slice %arg21[%dma_start3A_296] : memref<6400xi32, #tpu.memory_space<vmem>> -> memref<128xi32, #tpu.memory_space<vmem>>
    %dma_start3A_298 = tpu.memref_slice %arg4[%add3A_292] : memref<204800xi32, #tpu.memory_space<hbm>> -> memref<128xi32, #tpu.memory_space<hbm>>
    tpu.enqueue_dma source(%dma_start3A_298 : memref<128xi32, #tpu.memory_space<hbm>>) target(%dma_start3A_297 : memref<128xi32, #tpu.memory_space<vmem>>) target_semaphore(%arg35 : memref<!tpu.dma_semaphore, #tpu.memory_space<semaphore_mem>>)
    %add3A_299 = arith.constant 106496 : i32
    %add3A_300 = arith.addi %add3A_299, %mul3A_2 : i32
    %dma_start3A_301 = arith.constant 3328 : i32
    %dma_start3A_302 = tpu.memref_slice %arg21[%dma_start3A_301] : memref<6400xi32, #tpu.memory_space<vmem>> -> memref<128xi32, #tpu.memory_space<vmem>>
    %dma_start3A_303 = tpu.memref_slice %arg4[%add3A_300] : memref<204800xi32, #tpu.memory_space<hbm>> -> memref<128xi32, #tpu.memory_space<hbm>>
    %dma_start3A_304 = arith.constant 3328 : i32
    %dma_start3A_305 = tpu.memref_slice %arg21[%dma_start3A_304] : memref<6400xi32, #tpu.memory_space<vmem>> -> memref<128xi32, #tpu.memory_space<vmem>>
    %dma_start3A_306 = tpu.memref_slice %arg4[%add3A_300] : memref<204800xi32, #tpu.memory_space<hbm>> -> memref<128xi32, #tpu.memory_space<hbm>>
    tpu.enqueue_dma source(%dma_start3A_306 : memref<128xi32, #tpu.memory_space<hbm>>) target(%dma_start3A_305 : memref<128xi32, #tpu.memory_space<vmem>>) target_semaphore(%arg35 : memref<!tpu.dma_semaphore, #tpu.memory_space<semaphore_mem>>)
    %add3A_307 = arith.constant 110592 : i32
    %add3A_308 = arith.addi %add3A_307, %mul3A_2 : i32
    %dma_start3A_309 = arith.constant 3456 : i32
    %dma_start3A_310 = tpu.memref_slice %arg21[%dma_start3A_309] : memref<6400xi32, #tpu.memory_space<vmem>> -> memref<128xi32, #tpu.memory_space<vmem>>
    %dma_start3A_311 = tpu.memref_slice %arg4[%add3A_308] : memref<204800xi32, #tpu.memory_space<hbm>> -> memref<128xi32, #tpu.memory_space<hbm>>
    %dma_start3A_312 = arith.constant 3456 : i32
    %dma_start3A_313 = tpu.memref_slice %arg21[%dma_start3A_312] : memref<6400xi32, #tpu.memory_space<vmem>> -> memref<128xi32, #tpu.memory_space<vmem>>
    %dma_start3A_314 = tpu.memref_slice %arg4[%add3A_308] : memref<204800xi32, #tpu.memory_space<hbm>> -> memref<128xi32, #tpu.memory_space<hbm>>
    tpu.enqueue_dma source(%dma_start3A_314 : memref<128xi32, #tpu.memory_space<hbm>>) target(%dma_start3A_313 : memref<128xi32, #tpu.memory_space<vmem>>) target_semaphore(%arg35 : memref<!tpu.dma_semaphore, #tpu.memory_space<semaphore_mem>>)
    %add3A_315 = arith.constant 114688 : i32
    %add3A_316 = arith.addi %add3A_315, %mul3A_2 : i32
    %dma_start3A_317 = arith.constant 3584 : i32
    %dma_start3A_318 = tpu.memref_slice %arg21[%dma_start3A_317] : memref<6400xi32, #tpu.memory_space<vmem>> -> memref<128xi32, #tpu.memory_space<vmem>>
    %dma_start3A_319 = tpu.memref_slice %arg4[%add3A_316] : memref<204800xi32, #tpu.memory_space<hbm>> -> memref<128xi32, #tpu.memory_space<hbm>>
    %dma_start3A_320 = arith.constant 3584 : i32
    %dma_start3A_321 = tpu.memref_slice %arg21[%dma_start3A_320] : memref<6400xi32, #tpu.memory_space<vmem>> -> memref<128xi32, #tpu.memory_space<vmem>>
    %dma_start3A_322 = tpu.memref_slice %arg4[%add3A_316] : memref<204800xi32, #tpu.memory_space<hbm>> -> memref<128xi32, #tpu.memory_space<hbm>>
    tpu.enqueue_dma source(%dma_start3A_322 : memref<128xi32, #tpu.memory_space<hbm>>) target(%dma_start3A_321 : memref<128xi32, #tpu.memory_space<vmem>>) target_semaphore(%arg35 : memref<!tpu.dma_semaphore, #tpu.memory_space<semaphore_mem>>)
    %add3A_323 = arith.constant 118784 : i32
    %add3A_324 = arith.addi %add3A_323, %mul3A_2 : i32
    %dma_start3A_325 = arith.constant 3712 : i32
    %dma_start3A_326 = tpu.memref_slice %arg21[%dma_start3A_325] : memref<6400xi32, #tpu.memory_space<vmem>> -> memref<128xi32, #tpu.memory_space<vmem>>
    %dma_start3A_327 = tpu.memref_slice %arg4[%add3A_324] : memref<204800xi32, #tpu.memory_space<hbm>> -> memref<128xi32, #tpu.memory_space<hbm>>
    %dma_start3A_328 = arith.constant 3712 : i32
    %dma_start3A_329 = tpu.memref_slice %arg21[%dma_start3A_328] : memref<6400xi32, #tpu.memory_space<vmem>> -> memref<128xi32, #tpu.memory_space<vmem>>
    %dma_start3A_330 = tpu.memref_slice %arg4[%add3A_324] : memref<204800xi32, #tpu.memory_space<hbm>> -> memref<128xi32, #tpu.memory_space<hbm>>
    tpu.enqueue_dma source(%dma_start3A_330 : memref<128xi32, #tpu.memory_space<hbm>>) target(%dma_start3A_329 : memref<128xi32, #tpu.memory_space<vmem>>) target_semaphore(%arg35 : memref<!tpu.dma_semaphore, #tpu.memory_space<semaphore_mem>>)
    %add3A_331 = arith.constant 122880 : i32
    %add3A_332 = arith.addi %add3A_331, %mul3A_2 : i32
    %dma_start3A_333 = arith.constant 3840 : i32
    %dma_start3A_334 = tpu.memref_slice %arg21[%dma_start3A_333] : memref<6400xi32, #tpu.memory_space<vmem>> -> memref<128xi32, #tpu.memory_space<vmem>>
    %dma_start3A_335 = tpu.memref_slice %arg4[%add3A_332] : memref<204800xi32, #tpu.memory_space<hbm>> -> memref<128xi32, #tpu.memory_space<hbm>>
    %dma_start3A_336 = arith.constant 3840 : i32
    %dma_start3A_337 = tpu.memref_slice %arg21[%dma_start3A_336] : memref<6400xi32, #tpu.memory_space<vmem>> -> memref<128xi32, #tpu.memory_space<vmem>>
    %dma_start3A_338 = tpu.memref_slice %arg4[%add3A_332] : memref<204800xi32, #tpu.memory_space<hbm>> -> memref<128xi32, #tpu.memory_space<hbm>>
    tpu.enqueue_dma source(%dma_start3A_338 : memref<128xi32, #tpu.memory_space<hbm>>) target(%dma_start3A_337 : memref<128xi32, #tpu.memory_space<vmem>>) target_semaphore(%arg35 : memref<!tpu.dma_semaphore, #tpu.memory_space<semaphore_mem>>)
    %add3A_339 = arith.constant 126976 : i32
    %add3A_340 = arith.addi %add3A_339, %mul3A_2 : i32
    %dma_start3A_341 = arith.constant 3968 : i32
    %dma_start3A_342 = tpu.memref_slice %arg21[%dma_start3A_341] : memref<6400xi32, #tpu.memory_space<vmem>> -> memref<128xi32, #tpu.memory_space<vmem>>
    %dma_start3A_343 = tpu.memref_slice %arg4[%add3A_340] : memref<204800xi32, #tpu.memory_space<hbm>> -> memref<128xi32, #tpu.memory_space<hbm>>
    %dma_start3A_344 = arith.constant 3968 : i32
    %dma_start3A_345 = tpu.memref_slice %arg21[%dma_start3A_344] : memref<6400xi32, #tpu.memory_space<vmem>> -> memref<128xi32, #tpu.memory_space<vmem>>
    %dma_start3A_346 = tpu.memref_slice %arg4[%add3A_340] : memref<204800xi32, #tpu.memory_space<hbm>> -> memref<128xi32, #tpu.memory_space<hbm>>
    tpu.enqueue_dma source(%dma_start3A_346 : memref<128xi32, #tpu.memory_space<hbm>>) target(%dma_start3A_345 : memref<128xi32, #tpu.memory_space<vmem>>) target_semaphore(%arg35 : memref<!tpu.dma_semaphore, #tpu.memory_space<semaphore_mem>>)
    %add3A_347 = arith.constant 131072 : i32
    %add3A_348 = arith.addi %add3A_347, %mul3A_2 : i32
    %dma_start3A_349 = arith.constant 4096 : i32
    %dma_start3A_350 = tpu.memref_slice %arg21[%dma_start3A_349] : memref<6400xi32, #tpu.memory_space<vmem>> -> memref<128xi32, #tpu.memory_space<vmem>>
    %dma_start3A_351 = tpu.memref_slice %arg4[%add3A_348] : memref<204800xi32, #tpu.memory_space<hbm>> -> memref<128xi32, #tpu.memory_space<hbm>>
    %dma_start3A_352 = arith.constant 4096 : i32
    %dma_start3A_353 = tpu.memref_slice %arg21[%dma_start3A_352] : memref<6400xi32, #tpu.memory_space<vmem>> -> memref<128xi32, #tpu.memory_space<vmem>>
    %dma_start3A_354 = tpu.memref_slice %arg4[%add3A_348] : memref<204800xi32, #tpu.memory_space<hbm>> -> memref<128xi32, #tpu.memory_space<hbm>>
    tpu.enqueue_dma source(%dma_start3A_354 : memref<128xi32, #tpu.memory_space<hbm>>) target(%dma_start3A_353 : memref<128xi32, #tpu.memory_space<vmem>>) target_semaphore(%arg35 : memref<!tpu.dma_semaphore, #tpu.memory_space<semaphore_mem>>)
    %add3A_355 = arith.constant 135168 : i32
    %add3A_356 = arith.addi %add3A_355, %mul3A_2 : i32
    %dma_start3A_357 = arith.constant 4224 : i32
    %dma_start3A_358 = tpu.memref_slice %arg21[%dma_start3A_357] : memref<6400xi32, #tpu.memory_space<vmem>> -> memref<128xi32, #tpu.memory_space<vmem>>
    %dma_start3A_359 = tpu.memref_slice %arg4[%add3A_356] : memref<204800xi32, #tpu.memory_space<hbm>> -> memref<128xi32, #tpu.memory_space<hbm>>
    %dma_start3A_360 = arith.constant 4224 : i32
    %dma_start3A_361 = tpu.memref_slice %arg21[%dma_start3A_360] : memref<6400xi32, #tpu.memory_space<vmem>> -> memref<128xi32, #tpu.memory_space<vmem>>
    %dma_start3A_362 = tpu.memref_slice %arg4[%add3A_356] : memref<204800xi32, #tpu.memory_space<hbm>> -> memref<128xi32, #tpu.memory_space<hbm>>
    tpu.enqueue_dma source(%dma_start3A_362 : memref<128xi32, #tpu.memory_space<hbm>>) target(%dma_start3A_361 : memref<128xi32, #tpu.memory_space<vmem>>) target_semaphore(%arg35 : memref<!tpu.dma_semaphore, #tpu.memory_space<semaphore_mem>>)
    %add3A_363 = arith.constant 139264 : i32
    %add3A_364 = arith.addi %add3A_363, %mul3A_2 : i32
    %dma_start3A_365 = arith.constant 4352 : i32
    %dma_start3A_366 = tpu.memref_slice %arg21[%dma_start3A_365] : memref<6400xi32, #tpu.memory_space<vmem>> -> memref<128xi32, #tpu.memory_space<vmem>>
    %dma_start3A_367 = tpu.memref_slice %arg4[%add3A_364] : memref<204800xi32, #tpu.memory_space<hbm>> -> memref<128xi32, #tpu.memory_space<hbm>>
    %dma_start3A_368 = arith.constant 4352 : i32
    %dma_start3A_369 = tpu.memref_slice %arg21[%dma_start3A_368] : memref<6400xi32, #tpu.memory_space<vmem>> -> memref<128xi32, #tpu.memory_space<vmem>>
    %dma_start3A_370 = tpu.memref_slice %arg4[%add3A_364] : memref<204800xi32, #tpu.memory_space<hbm>> -> memref<128xi32, #tpu.memory_space<hbm>>
    tpu.enqueue_dma source(%dma_start3A_370 : memref<128xi32, #tpu.memory_space<hbm>>) target(%dma_start3A_369 : memref<128xi32, #tpu.memory_space<vmem>>) target_semaphore(%arg35 : memref<!tpu.dma_semaphore, #tpu.memory_space<semaphore_mem>>)
    %add3A_371 = arith.constant 143360 : i32
    %add3A_372 = arith.addi %add3A_371, %mul3A_2 : i32
    %dma_start3A_373 = arith.constant 4480 : i32
    %dma_start3A_374 = tpu.memref_slice %arg21[%dma_start3A_373] : memref<6400xi32, #tpu.memory_space<vmem>> -> memref<128xi32, #tpu.memory_space<vmem>>
    %dma_start3A_375 = tpu.memref_slice %arg4[%add3A_372] : memref<204800xi32, #tpu.memory_space<hbm>> -> memref<128xi32, #tpu.memory_space<hbm>>
    %dma_start3A_376 = arith.constant 4480 : i32
    %dma_start3A_377 = tpu.memref_slice %arg21[%dma_start3A_376] : memref<6400xi32, #tpu.memory_space<vmem>> -> memref<128xi32, #tpu.memory_space<vmem>>
    %dma_start3A_378 = tpu.memref_slice %arg4[%add3A_372] : memref<204800xi32, #tpu.memory_space<hbm>> -> memref<128xi32, #tpu.memory_space<hbm>>
    tpu.enqueue_dma source(%dma_start3A_378 : memref<128xi32, #tpu.memory_space<hbm>>) target(%dma_start3A_377 : memref<128xi32, #tpu.memory_space<vmem>>) target_semaphore(%arg35 : memref<!tpu.dma_semaphore, #tpu.memory_space<semaphore_mem>>)
    %add3A_379 = arith.constant 147456 : i32
    %add3A_380 = arith.addi %add3A_379, %mul3A_2 : i32
    %dma_start3A_381 = arith.constant 4608 : i32
    %dma_start3A_382 = tpu.memref_slice %arg21[%dma_start3A_381] : memref<6400xi32, #tpu.memory_space<vmem>> -> memref<128xi32, #tpu.memory_space<vmem>>
    %dma_start3A_383 = tpu.memref_slice %arg4[%add3A_380] : memref<204800xi32, #tpu.memory_space<hbm>> -> memref<128xi32, #tpu.memory_space<hbm>>
    %dma_start3A_384 = arith.constant 4608 : i32
    %dma_start3A_385 = tpu.memref_slice %arg21[%dma_start3A_384] : memref<6400xi32, #tpu.memory_space<vmem>> -> memref<128xi32, #tpu.memory_space<vmem>>
    %dma_start3A_386 = tpu.memref_slice %arg4[%add3A_380] : memref<204800xi32, #tpu.memory_space<hbm>> -> memref<128xi32, #tpu.memory_space<hbm>>
    tpu.enqueue_dma source(%dma_start3A_386 : memref<128xi32, #tpu.memory_space<hbm>>) target(%dma_start3A_385 : memref<128xi32, #tpu.memory_space<vmem>>) target_semaphore(%arg35 : memref<!tpu.dma_semaphore, #tpu.memory_space<semaphore_mem>>)
    %add3A_387 = arith.constant 151552 : i32
    %add3A_388 = arith.addi %add3A_387, %mul3A_2 : i32
    %dma_start3A_389 = arith.constant 4736 : i32
    %dma_start3A_390 = tpu.memref_slice %arg21[%dma_start3A_389] : memref<6400xi32, #tpu.memory_space<vmem>> -> memref<128xi32, #tpu.memory_space<vmem>>
    %dma_start3A_391 = tpu.memref_slice %arg4[%add3A_388] : memref<204800xi32, #tpu.memory_space<hbm>> -> memref<128xi32, #tpu.memory_space<hbm>>
    %dma_start3A_392 = arith.constant 4736 : i32
    %dma_start3A_393 = tpu.memref_slice %arg21[%dma_start3A_392] : memref<6400xi32, #tpu.memory_space<vmem>> -> memref<128xi32, #tpu.memory_space<vmem>>
    %dma_start3A_394 = tpu.memref_slice %arg4[%add3A_388] : memref<204800xi32, #tpu.memory_space<hbm>> -> memref<128xi32, #tpu.memory_space<hbm>>
    tpu.enqueue_dma source(%dma_start3A_394 : memref<128xi32, #tpu.memory_space<hbm>>) target(%dma_start3A_393 : memref<128xi32, #tpu.memory_space<vmem>>) target_semaphore(%arg35 : memref<!tpu.dma_semaphore, #tpu.memory_space<semaphore_mem>>)
    %add3A_395 = arith.constant 155648 : i32
    %add3A_396 = arith.addi %add3A_395, %mul3A_2 : i32
    %dma_start3A_397 = arith.constant 4864 : i32
    %dma_start3A_398 = tpu.memref_slice %arg21[%dma_start3A_397] : memref<6400xi32, #tpu.memory_space<vmem>> -> memref<128xi32, #tpu.memory_space<vmem>>
    %dma_start3A_399 = tpu.memref_slice %arg4[%add3A_396] : memref<204800xi32, #tpu.memory_space<hbm>> -> memref<128xi32, #tpu.memory_space<hbm>>
    %dma_start3A_400 = arith.constant 4864 : i32
    %dma_start3A_401 = tpu.memref_slice %arg21[%dma_start3A_400] : memref<6400xi32, #tpu.memory_space<vmem>> -> memref<128xi32, #tpu.memory_space<vmem>>
    %dma_start3A_402 = tpu.memref_slice %arg4[%add3A_396] : memref<204800xi32, #tpu.memory_space<hbm>> -> memref<128xi32, #tpu.memory_space<hbm>>
    tpu.enqueue_dma source(%dma_start3A_402 : memref<128xi32, #tpu.memory_space<hbm>>) target(%dma_start3A_401 : memref<128xi32, #tpu.memory_space<vmem>>) target_semaphore(%arg35 : memref<!tpu.dma_semaphore, #tpu.memory_space<semaphore_mem>>)
    %add3A_403 = arith.constant 159744 : i32
    %add3A_404 = arith.addi %add3A_403, %mul3A_2 : i32
    %dma_start3A_405 = arith.constant 4992 : i32
    %dma_start3A_406 = tpu.memref_slice %arg21[%dma_start3A_405] : memref<6400xi32, #tpu.memory_space<vmem>> -> memref<128xi32, #tpu.memory_space<vmem>>
    %dma_start3A_407 = tpu.memref_slice %arg4[%add3A_404] : memref<204800xi32, #tpu.memory_space<hbm>> -> memref<128xi32, #tpu.memory_space<hbm>>
    %dma_start3A_408 = arith.constant 4992 : i32
    %dma_start3A_409 = tpu.memref_slice %arg21[%dma_start3A_408] : memref<6400xi32, #tpu.memory_space<vmem>> -> memref<128xi32, #tpu.memory_space<vmem>>
    %dma_start3A_410 = tpu.memref_slice %arg4[%add3A_404] : memref<204800xi32, #tpu.memory_space<hbm>> -> memref<128xi32, #tpu.memory_space<hbm>>
    tpu.enqueue_dma source(%dma_start3A_410 : memref<128xi32, #tpu.memory_space<hbm>>) target(%dma_start3A_409 : memref<128xi32, #tpu.memory_space<vmem>>) target_semaphore(%arg35 : memref<!tpu.dma_semaphore, #tpu.memory_space<semaphore_mem>>)
    %add3A_411 = arith.constant 163840 : i32
    %add3A_412 = arith.addi %add3A_411, %mul3A_2 : i32
    %dma_start3A_413 = arith.constant 5120 : i32
    %dma_start3A_414 = tpu.memref_slice %arg21[%dma_start3A_413] : memref<6400xi32, #tpu.memory_space<vmem>> -> memref<128xi32, #tpu.memory_space<vmem>>
    %dma_start3A_415 = tpu.memref_slice %arg4[%add3A_412] : memref<204800xi32, #tpu.memory_space<hbm>> -> memref<128xi32, #tpu.memory_space<hbm>>
    %dma_start3A_416 = arith.constant 5120 : i32
    %dma_start3A_417 = tpu.memref_slice %arg21[%dma_start3A_416] : memref<6400xi32, #tpu.memory_space<vmem>> -> memref<128xi32, #tpu.memory_space<vmem>>
    %dma_start3A_418 = tpu.memref_slice %arg4[%add3A_412] : memref<204800xi32, #tpu.memory_space<hbm>> -> memref<128xi32, #tpu.memory_space<hbm>>
    tpu.enqueue_dma source(%dma_start3A_418 : memref<128xi32, #tpu.memory_space<hbm>>) target(%dma_start3A_417 : memref<128xi32, #tpu.memory_space<vmem>>) target_semaphore(%arg35 : memref<!tpu.dma_semaphore, #tpu.memory_space<semaphore_mem>>)
    %add3A_419 = arith.constant 167936 : i32
    %add3A_420 = arith.addi %add3A_419, %mul3A_2 : i32
    %dma_start3A_421 = arith.constant 5248 : i32
    %dma_start3A_422 = tpu.memref_slice %arg21[%dma_start3A_421] : memref<6400xi32, #tpu.memory_space<vmem>> -> memref<128xi32, #tpu.memory_space<vmem>>
    %dma_start3A_423 = tpu.memref_slice %arg4[%add3A_420] : memref<204800xi32, #tpu.memory_space<hbm>> -> memref<128xi32, #tpu.memory_space<hbm>>
    %dma_start3A_424 = arith.constant 5248 : i32
    %dma_start3A_425 = tpu.memref_slice %arg21[%dma_start3A_424] : memref<6400xi32, #tpu.memory_space<vmem>> -> memref<128xi32, #tpu.memory_space<vmem>>
    %dma_start3A_426 = tpu.memref_slice %arg4[%add3A_420] : memref<204800xi32, #tpu.memory_space<hbm>> -> memref<128xi32, #tpu.memory_space<hbm>>
    tpu.enqueue_dma source(%dma_start3A_426 : memref<128xi32, #tpu.memory_space<hbm>>) target(%dma_start3A_425 : memref<128xi32, #tpu.memory_space<vmem>>) target_semaphore(%arg35 : memref<!tpu.dma_semaphore, #tpu.memory_space<semaphore_mem>>)
    %add3A_427 = arith.constant 172032 : i32
    %add3A_428 = arith.addi %add3A_427, %mul3A_2 : i32
    %dma_start3A_429 = arith.constant 5376 : i32
    %dma_start3A_430 = tpu.memref_slice %arg21[%dma_start3A_429] : memref<6400xi32, #tpu.memory_space<vmem>> -> memref<128xi32, #tpu.memory_space<vmem>>
    %dma_start3A_431 = tpu.memref_slice %arg4[%add3A_428] : memref<204800xi32, #tpu.memory_space<hbm>> -> memref<128xi32, #tpu.memory_space<hbm>>
    %dma_start3A_432 = arith.constant 5376 : i32
    %dma_start3A_433 = tpu.memref_slice %arg21[%dma_start3A_432] : memref<6400xi32, #tpu.memory_space<vmem>> -> memref<128xi32, #tpu.memory_space<vmem>>
    %dma_start3A_434 = tpu.memref_slice %arg4[%add3A_428] : memref<204800xi32, #tpu.memory_space<hbm>> -> memref<128xi32, #tpu.memory_space<hbm>>
    tpu.enqueue_dma source(%dma_start3A_434 : memref<128xi32, #tpu.memory_space<hbm>>) target(%dma_start3A_433 : memref<128xi32, #tpu.memory_space<vmem>>) target_semaphore(%arg35 : memref<!tpu.dma_semaphore, #tpu.memory_space<semaphore_mem>>)
    %add3A_435 = arith.constant 176128 : i32
    %add3A_436 = arith.addi %add3A_435, %mul3A_2 : i32
    %dma_start3A_437 = arith.constant 5504 : i32
    %dma_start3A_438 = tpu.memref_slice %arg21[%dma_start3A_437] : memref<6400xi32, #tpu.memory_space<vmem>> -> memref<128xi32, #tpu.memory_space<vmem>>
    %dma_start3A_439 = tpu.memref_slice %arg4[%add3A_436] : memref<204800xi32, #tpu.memory_space<hbm>> -> memref<128xi32, #tpu.memory_space<hbm>>
    %dma_start3A_440 = arith.constant 5504 : i32
    %dma_start3A_441 = tpu.memref_slice %arg21[%dma_start3A_440] : memref<6400xi32, #tpu.memory_space<vmem>> -> memref<128xi32, #tpu.memory_space<vmem>>
    %dma_start3A_442 = tpu.memref_slice %arg4[%add3A_436] : memref<204800xi32, #tpu.memory_space<hbm>> -> memref<128xi32, #tpu.memory_space<hbm>>
    tpu.enqueue_dma source(%dma_start3A_442 : memref<128xi32, #tpu.memory_space<hbm>>) target(%dma_start3A_441 : memref<128xi32, #tpu.memory_space<vmem>>) target_semaphore(%arg35 : memref<!tpu.dma_semaphore, #tpu.memory_space<semaphore_mem>>)
    %add3A_443 = arith.constant 180224 : i32
    %add3A_444 = arith.addi %add3A_443, %mul3A_2 : i32
    %dma_start3A_445 = arith.constant 5632 : i32
    %dma_start3A_446 = tpu.memref_slice %arg21[%dma_start3A_445] : memref<6400xi32, #tpu.memory_space<vmem>> -> memref<128xi32, #tpu.memory_space<vmem>>
    %dma_start3A_447 = tpu.memref_slice %arg4[%add3A_444] : memref<204800xi32, #tpu.memory_space<hbm>> -> memref<128xi32, #tpu.memory_space<hbm>>
    %dma_start3A_448 = arith.constant 5632 : i32
    %dma_start3A_449 = tpu.memref_slice %arg21[%dma_start3A_448] : memref<6400xi32, #tpu.memory_space<vmem>> -> memref<128xi32, #tpu.memory_space<vmem>>
    %dma_start3A_450 = tpu.memref_slice %arg4[%add3A_444] : memref<204800xi32, #tpu.memory_space<hbm>> -> memref<128xi32, #tpu.memory_space<hbm>>
    tpu.enqueue_dma source(%dma_start3A_450 : memref<128xi32, #tpu.memory_space<hbm>>) target(%dma_start3A_449 : memref<128xi32, #tpu.memory_space<vmem>>) target_semaphore(%arg35 : memref<!tpu.dma_semaphore, #tpu.memory_space<semaphore_mem>>)
    %add3A_451 = arith.constant 184320 : i32
    %add3A_452 = arith.addi %add3A_451, %mul3A_2 : i32
    %dma_start3A_453 = arith.constant 5760 : i32
    %dma_start3A_454 = tpu.memref_slice %arg21[%dma_start3A_453] : memref<6400xi32, #tpu.memory_space<vmem>> -> memref<128xi32, #tpu.memory_space<vmem>>
    %dma_start3A_455 = tpu.memref_slice %arg4[%add3A_452] : memref<204800xi32, #tpu.memory_space<hbm>> -> memref<128xi32, #tpu.memory_space<hbm>>
    %dma_start3A_456 = arith.constant 5760 : i32
    %dma_start3A_457 = tpu.memref_slice %arg21[%dma_start3A_456] : memref<6400xi32, #tpu.memory_space<vmem>> -> memref<128xi32, #tpu.memory_space<vmem>>
    %dma_start3A_458 = tpu.memref_slice %arg4[%add3A_452] : memref<204800xi32, #tpu.memory_space<hbm>> -> memref<128xi32, #tpu.memory_space<hbm>>
    tpu.enqueue_dma source(%dma_start3A_458 : memref<128xi32, #tpu.memory_space<hbm>>) target(%dma_start3A_457 : memref<128xi32, #tpu.memory_space<vmem>>) target_semaphore(%arg35 : memref<!tpu.dma_semaphore, #tpu.memory_space<semaphore_mem>>)
    %add3A_459 = arith.constant 188416 : i32
    %add3A_460 = arith.addi %add3A_459, %mul3A_2 : i32
    %dma_start3A_461 = arith.constant 5888 : i32
    %dma_start3A_462 = tpu.memref_slice %arg21[%dma_start3A_461] : memref<6400xi32, #tpu.memory_space<vmem>> -> memref<128xi32, #tpu.memory_space<vmem>>
    %dma_start3A_463 = tpu.memref_slice %arg4[%add3A_460] : memref<204800xi32, #tpu.memory_space<hbm>> -> memref<128xi32, #tpu.memory_space<hbm>>
    %dma_start3A_464 = arith.constant 5888 : i32
    %dma_start3A_465 = tpu.memref_slice %arg21[%dma_start3A_464] : memref<6400xi32, #tpu.memory_space<vmem>> -> memref<128xi32, #tpu.memory_space<vmem>>
    %dma_start3A_466 = tpu.memref_slice %arg4[%add3A_460] : memref<204800xi32, #tpu.memory_space<hbm>> -> memref<128xi32, #tpu.memory_space<hbm>>
    tpu.enqueue_dma source(%dma_start3A_466 : memref<128xi32, #tpu.memory_space<hbm>>) target(%dma_start3A_465 : memref<128xi32, #tpu.memory_space<vmem>>) target_semaphore(%arg35 : memref<!tpu.dma_semaphore, #tpu.memory_space<semaphore_mem>>)
    %add3A_467 = arith.constant 192512 : i32
    %add3A_468 = arith.addi %add3A_467, %mul3A_2 : i32
    %dma_start3A_469 = arith.constant 6016 : i32
    %dma_start3A_470 = tpu.memref_slice %arg21[%dma_start3A_469] : memref<6400xi32, #tpu.memory_space<vmem>> -> memref<128xi32, #tpu.memory_space<vmem>>
    %dma_start3A_471 = tpu.memref_slice %arg4[%add3A_468] : memref<204800xi32, #tpu.memory_space<hbm>> -> memref<128xi32, #tpu.memory_space<hbm>>
    %dma_start3A_472 = arith.constant 6016 : i32
    %dma_start3A_473 = tpu.memref_slice %arg21[%dma_start3A_472] : memref<6400xi32, #tpu.memory_space<vmem>> -> memref<128xi32, #tpu.memory_space<vmem>>
    %dma_start3A_474 = tpu.memref_slice %arg4[%add3A_468] : memref<204800xi32, #tpu.memory_space<hbm>> -> memref<128xi32, #tpu.memory_space<hbm>>
    tpu.enqueue_dma source(%dma_start3A_474 : memref<128xi32, #tpu.memory_space<hbm>>) target(%dma_start3A_473 : memref<128xi32, #tpu.memory_space<vmem>>) target_semaphore(%arg35 : memref<!tpu.dma_semaphore, #tpu.memory_space<semaphore_mem>>)
    %add3A_475 = arith.constant 196608 : i32
    %add3A_476 = arith.addi %add3A_475, %mul3A_2 : i32
    %dma_start3A_477 = arith.constant 6144 : i32
    %dma_start3A_478 = tpu.memref_slice %arg21[%dma_start3A_477] : memref<6400xi32, #tpu.memory_space<vmem>> -> memref<128xi32, #tpu.memory_space<vmem>>
    %dma_start3A_479 = tpu.memref_slice %arg4[%add3A_476] : memref<204800xi32, #tpu.memory_space<hbm>> -> memref<128xi32, #tpu.memory_space<hbm>>
    %dma_start3A_480 = arith.constant 6144 : i32
    %dma_start3A_481 = tpu.memref_slice %arg21[%dma_start3A_480] : memref<6400xi32, #tpu.memory_space<vmem>> -> memref<128xi32, #tpu.memory_space<vmem>>
    %dma_start3A_482 = tpu.memref_slice %arg4[%add3A_476] : memref<204800xi32, #tpu.memory_space<hbm>> -> memref<128xi32, #tpu.memory_space<hbm>>
    tpu.enqueue_dma source(%dma_start3A_482 : memref<128xi32, #tpu.memory_space<hbm>>) target(%dma_start3A_481 : memref<128xi32, #tpu.memory_space<vmem>>) target_semaphore(%arg35 : memref<!tpu.dma_semaphore, #tpu.memory_space<semaphore_mem>>)
    %add3A_483 = arith.constant 200704 : i32
    %add3A_484 = arith.addi %add3A_483, %mul3A_2 : i32
    %dma_start3A_485 = arith.constant 6272 : i32
    %dma_start3A_486 = tpu.memref_slice %arg21[%dma_start3A_485] : memref<6400xi32, #tpu.memory_space<vmem>> -> memref<128xi32, #tpu.memory_space<vmem>>
    %dma_start3A_487 = tpu.memref_slice %arg4[%add3A_484] : memref<204800xi32, #tpu.memory_space<hbm>> -> memref<128xi32, #tpu.memory_space<hbm>>
    %dma_start3A_488 = arith.constant 6272 : i32
    %dma_start3A_489 = tpu.memref_slice %arg21[%dma_start3A_488] : memref<6400xi32, #tpu.memory_space<vmem>> -> memref<128xi32, #tpu.memory_space<vmem>>
    %dma_start3A_490 = tpu.memref_slice %arg4[%add3A_484] : memref<204800xi32, #tpu.memory_space<hbm>> -> memref<128xi32, #tpu.memory_space<hbm>>
    tpu.enqueue_dma source(%dma_start3A_490 : memref<128xi32, #tpu.memory_space<hbm>>) target(%dma_start3A_489 : memref<128xi32, #tpu.memory_space<vmem>>) target_semaphore(%arg35 : memref<!tpu.dma_semaphore, #tpu.memory_space<semaphore_mem>>)
    %add3A_491 = arith.constant 0 : i32
    %add3A_492 = arith.addi %add3A_491, %mul3A_2 : i32
    %dma_wait3A_493 = arith.constant 0 : i32
    %dma_wait3A_494 = tpu.memref_slice %arg21[%dma_wait3A_493] : memref<6400xi32, #tpu.memory_space<vmem>> -> memref<128xi32, #tpu.memory_space<vmem>>
    %dma_wait3A_495 = tpu.memref_slice %arg4[%add3A_492] : memref<204800xi32, #tpu.memory_space<hbm>> -> memref<128xi32, #tpu.memory_space<hbm>>
    %dma_wait3A_496 = arith.constant 0 : i32
    %dma_wait3A_497 = tpu.memref_slice %arg21[%dma_wait3A_496] : memref<6400xi32, #tpu.memory_space<vmem>> -> memref<128xi32, #tpu.memory_space<vmem>>
    %dma_wait3A_498 = tpu.memref_slice %arg4[%add3A_492] : memref<204800xi32, #tpu.memory_space<hbm>> -> memref<128xi32, #tpu.memory_space<hbm>>
    tpu.wait_dma2 semaphore(%arg35 : memref<!tpu.dma_semaphore, #tpu.memory_space<semaphore_mem>>) src(%dma_wait3A_498 : memref<128xi32, #tpu.memory_space<hbm>>) dst(%dma_wait3A_497 : memref<128xi32, #tpu.memory_space<vmem>>)
    %add3A_499 = arith.constant 4096 : i32
    %add3A_500 = arith.addi %add3A_499, %mul3A_2 : i32
    %dma_wait3A_501 = arith.constant 128 : i32
    %dma_wait3A_502 = tpu.memref_slice %arg21[%dma_wait3A_501] : memref<6400xi32, #tpu.memory_space<vmem>> -> memref<128xi32, #tpu.memory_space<vmem>>
    %dma_wait3A_503 = tpu.memref_slice %arg4[%add3A_500] : memref<204800xi32, #tpu.memory_space<hbm>> -> memref<128xi32, #tpu.memory_space<hbm>>
    %dma_wait3A_504 = arith.constant 128 : i32
    %dma_wait3A_505 = tpu.memref_slice %arg21[%dma_wait3A_504] : memref<6400xi32, #tpu.memory_space<vmem>> -> memref<128xi32, #tpu.memory_space<vmem>>
    %dma_wait3A_506 = tpu.memref_slice %arg4[%add3A_500] : memref<204800xi32, #tpu.memory_space<hbm>> -> memref<128xi32, #tpu.memory_space<hbm>>
    tpu.wait_dma2 semaphore(%arg35 : memref<!tpu.dma_semaphore, #tpu.memory_space<semaphore_mem>>) src(%dma_wait3A_506 : memref<128xi32, #tpu.memory_space<hbm>>) dst(%dma_wait3A_505 : memref<128xi32, #tpu.memory_space<vmem>>)
    %add3A_507 = arith.constant 8192 : i32
    %add3A_508 = arith.addi %add3A_507, %mul3A_2 : i32
    %dma_wait3A_509 = arith.constant 256 : i32
    %dma_wait3A_510 = tpu.memref_slice %arg21[%dma_wait3A_509] : memref<6400xi32, #tpu.memory_space<vmem>> -> memref<128xi32, #tpu.memory_space<vmem>>
    %dma_wait3A_511 = tpu.memref_slice %arg4[%add3A_508] : memref<204800xi32, #tpu.memory_space<hbm>> -> memref<128xi32, #tpu.memory_space<hbm>>
    %dma_wait3A_512 = arith.constant 256 : i32
    %dma_wait3A_513 = tpu.memref_slice %arg21[%dma_wait3A_512] : memref<6400xi32, #tpu.memory_space<vmem>> -> memref<128xi32, #tpu.memory_space<vmem>>
    %dma_wait3A_514 = tpu.memref_slice %arg4[%add3A_508] : memref<204800xi32, #tpu.memory_space<hbm>> -> memref<128xi32, #tpu.memory_space<hbm>>
    tpu.wait_dma2 semaphore(%arg35 : memref<!tpu.dma_semaphore, #tpu.memory_space<semaphore_mem>>) src(%dma_wait3A_514 : memref<128xi32, #tpu.memory_space<hbm>>) dst(%dma_wait3A_513 : memref<128xi32, #tpu.memory_space<vmem>>)
    %add3A_515 = arith.constant 12288 : i32
    %add3A_516 = arith.addi %add3A_515, %mul3A_2 : i32
    %dma_wait3A_517 = arith.constant 384 : i32
    %dma_wait3A_518 = tpu.memref_slice %arg21[%dma_wait3A_517] : memref<6400xi32, #tpu.memory_space<vmem>> -> memref<128xi32, #tpu.memory_space<vmem>>
    %dma_wait3A_519 = tpu.memref_slice %arg4[%add3A_516] : memref<204800xi32, #tpu.memory_space<hbm>> -> memref<128xi32, #tpu.memory_space<hbm>>
    %dma_wait3A_520 = arith.constant 384 : i32
    %dma_wait3A_521 = tpu.memref_slice %arg21[%dma_wait3A_520] : memref<6400xi32, #tpu.memory_space<vmem>> -> memref<128xi32, #tpu.memory_space<vmem>>
    %dma_wait3A_522 = tpu.memref_slice %arg4[%add3A_516] : memref<204800xi32, #tpu.memory_space<hbm>> -> memref<128xi32, #tpu.memory_space<hbm>>
    tpu.wait_dma2 semaphore(%arg35 : memref<!tpu.dma_semaphore, #tpu.memory_space<semaphore_mem>>) src(%dma_wait3A_522 : memref<128xi32, #tpu.memory_space<hbm>>) dst(%dma_wait3A_521 : memref<128xi32, #tpu.memory_space<vmem>>)
    %add3A_523 = arith.constant 16384 : i32
    %add3A_524 = arith.addi %add3A_523, %mul3A_2 : i32
    %dma_wait3A_525 = arith.constant 512 : i32
    %dma_wait3A_526 = tpu.memref_slice %arg21[%dma_wait3A_525] : memref<6400xi32, #tpu.memory_space<vmem>> -> memref<128xi32, #tpu.memory_space<vmem>>
    %dma_wait3A_527 = tpu.memref_slice %arg4[%add3A_524] : memref<204800xi32, #tpu.memory_space<hbm>> -> memref<128xi32, #tpu.memory_space<hbm>>
    %dma_wait3A_528 = arith.constant 512 : i32
    %dma_wait3A_529 = tpu.memref_slice %arg21[%dma_wait3A_528] : memref<6400xi32, #tpu.memory_space<vmem>> -> memref<128xi32, #tpu.memory_space<vmem>>
    %dma_wait3A_530 = tpu.memref_slice %arg4[%add3A_524] : memref<204800xi32, #tpu.memory_space<hbm>> -> memref<128xi32, #tpu.memory_space<hbm>>
    tpu.wait_dma2 semaphore(%arg35 : memref<!tpu.dma_semaphore, #tpu.memory_space<semaphore_mem>>) src(%dma_wait3A_530 : memref<128xi32, #tpu.memory_space<hbm>>) dst(%dma_wait3A_529 : memref<128xi32, #tpu.memory_space<vmem>>)
    %add3A_531 = arith.constant 20480 : i32
    %add3A_532 = arith.addi %add3A_531, %mul3A_2 : i32
    %dma_wait3A_533 = arith.constant 640 : i32
    %dma_wait3A_534 = tpu.memref_slice %arg21[%dma_wait3A_533] : memref<6400xi32, #tpu.memory_space<vmem>> -> memref<128xi32, #tpu.memory_space<vmem>>
    %dma_wait3A_535 = tpu.memref_slice %arg4[%add3A_532] : memref<204800xi32, #tpu.memory_space<hbm>> -> memref<128xi32, #tpu.memory_space<hbm>>
    %dma_wait3A_536 = arith.constant 640 : i32
    %dma_wait3A_537 = tpu.memref_slice %arg21[%dma_wait3A_536] : memref<6400xi32, #tpu.memory_space<vmem>> -> memref<128xi32, #tpu.memory_space<vmem>>
    %dma_wait3A_538 = tpu.memref_slice %arg4[%add3A_532] : memref<204800xi32, #tpu.memory_space<hbm>> -> memref<128xi32, #tpu.memory_space<hbm>>
    tpu.wait_dma2 semaphore(%arg35 : memref<!tpu.dma_semaphore, #tpu.memory_space<semaphore_mem>>) src(%dma_wait3A_538 : memref<128xi32, #tpu.memory_space<hbm>>) dst(%dma_wait3A_537 : memref<128xi32, #tpu.memory_space<vmem>>)
    %add3A_539 = arith.constant 24576 : i32
    %add3A_540 = arith.addi %add3A_539, %mul3A_2 : i32
    %dma_wait3A_541 = arith.constant 768 : i32
    %dma_wait3A_542 = tpu.memref_slice %arg21[%dma_wait3A_541] : memref<6400xi32, #tpu.memory_space<vmem>> -> memref<128xi32, #tpu.memory_space<vmem>>
    %dma_wait3A_543 = tpu.memref_slice %arg4[%add3A_540] : memref<204800xi32, #tpu.memory_space<hbm>> -> memref<128xi32, #tpu.memory_space<hbm>>
    %dma_wait3A_544 = arith.constant 768 : i32
    %dma_wait3A_545 = tpu.memref_slice %arg21[%dma_wait3A_544] : memref<6400xi32, #tpu.memory_space<vmem>> -> memref<128xi32, #tpu.memory_space<vmem>>
    %dma_wait3A_546 = tpu.memref_slice %arg4[%add3A_540] : memref<204800xi32, #tpu.memory_space<hbm>> -> memref<128xi32, #tpu.memory_space<hbm>>
    tpu.wait_dma2 semaphore(%arg35 : memref<!tpu.dma_semaphore, #tpu.memory_space<semaphore_mem>>) src(%dma_wait3A_546 : memref<128xi32, #tpu.memory_space<hbm>>) dst(%dma_wait3A_545 : memref<128xi32, #tpu.memory_space<vmem>>)
    %add3A_547 = arith.constant 28672 : i32
    %add3A_548 = arith.addi %add3A_547, %mul3A_2 : i32
    %dma_wait3A_549 = arith.constant 896 : i32
    %dma_wait3A_550 = tpu.memref_slice %arg21[%dma_wait3A_549] : memref<6400xi32, #tpu.memory_space<vmem>> -> memref<128xi32, #tpu.memory_space<vmem>>
    %dma_wait3A_551 = tpu.memref_slice %arg4[%add3A_548] : memref<204800xi32, #tpu.memory_space<hbm>> -> memref<128xi32, #tpu.memory_space<hbm>>
    %dma_wait3A_552 = arith.constant 896 : i32
    %dma_wait3A_553 = tpu.memref_slice %arg21[%dma_wait3A_552] : memref<6400xi32, #tpu.memory_space<vmem>> -> memref<128xi32, #tpu.memory_space<vmem>>
    %dma_wait3A_554 = tpu.memref_slice %arg4[%add3A_548] : memref<204800xi32, #tpu.memory_space<hbm>> -> memref<128xi32, #tpu.memory_space<hbm>>
    tpu.wait_dma2 semaphore(%arg35 : memref<!tpu.dma_semaphore, #tpu.memory_space<semaphore_mem>>) src(%dma_wait3A_554 : memref<128xi32, #tpu.memory_space<hbm>>) dst(%dma_wait3A_553 : memref<128xi32, #tpu.memory_space<vmem>>)
    %add3A_555 = arith.constant 32768 : i32
    %add3A_556 = arith.addi %add3A_555, %mul3A_2 : i32
    %dma_wait3A_557 = arith.constant 1024 : i32
    %dma_wait3A_558 = tpu.memref_slice %arg21[%dma_wait3A_557] : memref<6400xi32, #tpu.memory_space<vmem>> -> memref<128xi32, #tpu.memory_space<vmem>>
    %dma_wait3A_559 = tpu.memref_slice %arg4[%add3A_556] : memref<204800xi32, #tpu.memory_space<hbm>> -> memref<128xi32, #tpu.memory_space<hbm>>
    %dma_wait3A_560 = arith.constant 1024 : i32
    %dma_wait3A_561 = tpu.memref_slice %arg21[%dma_wait3A_560] : memref<6400xi32, #tpu.memory_space<vmem>> -> memref<128xi32, #tpu.memory_space<vmem>>
    %dma_wait3A_562 = tpu.memref_slice %arg4[%add3A_556] : memref<204800xi32, #tpu.memory_space<hbm>> -> memref<128xi32, #tpu.memory_space<hbm>>
    tpu.wait_dma2 semaphore(%arg35 : memref<!tpu.dma_semaphore, #tpu.memory_space<semaphore_mem>>) src(%dma_wait3A_562 : memref<128xi32, #tpu.memory_space<hbm>>) dst(%dma_wait3A_561 : memref<128xi32, #tpu.memory_space<vmem>>)
    %add3A_563 = arith.constant 36864 : i32
    %add3A_564 = arith.addi %add3A_563, %mul3A_2 : i32
    %dma_wait3A_565 = arith.constant 1152 : i32
    %dma_wait3A_566 = tpu.memref_slice %arg21[%dma_wait3A_565] : memref<6400xi32, #tpu.memory_space<vmem>> -> memref<128xi32, #tpu.memory_space<vmem>>
    %dma_wait3A_567 = tpu.memref_slice %arg4[%add3A_564] : memref<204800xi32, #tpu.memory_space<hbm>> -> memref<128xi32, #tpu.memory_space<hbm>>
    %dma_wait3A_568 = arith.constant 1152 : i32
    %dma_wait3A_569 = tpu.memref_slice %arg21[%dma_wait3A_568] : memref<6400xi32, #tpu.memory_space<vmem>> -> memref<128xi32, #tpu.memory_space<vmem>>
    %dma_wait3A_570 = tpu.memref_slice %arg4[%add3A_564] : memref<204800xi32, #tpu.memory_space<hbm>> -> memref<128xi32, #tpu.memory_space<hbm>>
    tpu.wait_dma2 semaphore(%arg35 : memref<!tpu.dma_semaphore, #tpu.memory_space<semaphore_mem>>) src(%dma_wait3A_570 : memref<128xi32, #tpu.memory_space<hbm>>) dst(%dma_wait3A_569 : memref<128xi32, #tpu.memory_space<vmem>>)
    %add3A_571 = arith.constant 40960 : i32
    %add3A_572 = arith.addi %add3A_571, %mul3A_2 : i32
    %dma_wait3A_573 = arith.constant 1280 : i32
    %dma_wait3A_574 = tpu.memref_slice %arg21[%dma_wait3A_573] : memref<6400xi32, #tpu.memory_space<vmem>> -> memref<128xi32, #tpu.memory_space<vmem>>
    %dma_wait3A_575 = tpu.memref_slice %arg4[%add3A_572] : memref<204800xi32, #tpu.memory_space<hbm>> -> memref<128xi32, #tpu.memory_space<hbm>>
    %dma_wait3A_576 = arith.constant 1280 : i32
    %dma_wait3A_577 = tpu.memref_slice %arg21[%dma_wait3A_576] : memref<6400xi32, #tpu.memory_space<vmem>> -> memref<128xi32, #tpu.memory_space<vmem>>
    %dma_wait3A_578 = tpu.memref_slice %arg4[%add3A_572] : memref<204800xi32, #tpu.memory_space<hbm>> -> memref<128xi32, #tpu.memory_space<hbm>>
    tpu.wait_dma2 semaphore(%arg35 : memref<!tpu.dma_semaphore, #tpu.memory_space<semaphore_mem>>) src(%dma_wait3A_578 : memref<128xi32, #tpu.memory_space<hbm>>) dst(%dma_wait3A_577 : memref<128xi32, #tpu.memory_space<vmem>>)
    %add3A_579 = arith.constant 45056 : i32
    %add3A_580 = arith.addi %add3A_579, %mul3A_2 : i32
    %dma_wait3A_581 = arith.constant 1408 : i32
    %dma_wait3A_582 = tpu.memref_slice %arg21[%dma_wait3A_581] : memref<6400xi32, #tpu.memory_space<vmem>> -> memref<128xi32, #tpu.memory_space<vmem>>
    %dma_wait3A_583 = tpu.memref_slice %arg4[%add3A_580] : memref<204800xi32, #tpu.memory_space<hbm>> -> memref<128xi32, #tpu.memory_space<hbm>>
    %dma_wait3A_584 = arith.constant 1408 : i32
    %dma_wait3A_585 = tpu.memref_slice %arg21[%dma_wait3A_584] : memref<6400xi32, #tpu.memory_space<vmem>> -> memref<128xi32, #tpu.memory_space<vmem>>
    %dma_wait3A_586 = tpu.memref_slice %arg4[%add3A_580] : memref<204800xi32, #tpu.memory_space<hbm>> -> memref<128xi32, #tpu.memory_space<hbm>>
    tpu.wait_dma2 semaphore(%arg35 : memref<!tpu.dma_semaphore, #tpu.memory_space<semaphore_mem>>) src(%dma_wait3A_586 : memref<128xi32, #tpu.memory_space<hbm>>) dst(%dma_wait3A_585 : memref<128xi32, #tpu.memory_space<vmem>>)
    %add3A_587 = arith.constant 49152 : i32
    %add3A_588 = arith.addi %add3A_587, %mul3A_2 : i32
    %dma_wait3A_589 = arith.constant 1536 : i32
    %dma_wait3A_590 = tpu.memref_slice %arg21[%dma_wait3A_589] : memref<6400xi32, #tpu.memory_space<vmem>> -> memref<128xi32, #tpu.memory_space<vmem>>
    %dma_wait3A_591 = tpu.memref_slice %arg4[%add3A_588] : memref<204800xi32, #tpu.memory_space<hbm>> -> memref<128xi32, #tpu.memory_space<hbm>>
    %dma_wait3A_592 = arith.constant 1536 : i32
    %dma_wait3A_593 = tpu.memref_slice %arg21[%dma_wait3A_592] : memref<6400xi32, #tpu.memory_space<vmem>> -> memref<128xi32, #tpu.memory_space<vmem>>
    %dma_wait3A_594 = tpu.memref_slice %arg4[%add3A_588] : memref<204800xi32, #tpu.memory_space<hbm>> -> memref<128xi32, #tpu.memory_space<hbm>>
    tpu.wait_dma2 semaphore(%arg35 : memref<!tpu.dma_semaphore, #tpu.memory_space<semaphore_mem>>) src(%dma_wait3A_594 : memref<128xi32, #tpu.memory_space<hbm>>) dst(%dma_wait3A_593 : memref<128xi32, #tpu.memory_space<vmem>>)
    %add3A_595 = arith.constant 53248 : i32
    %add3A_596 = arith.addi %add3A_595, %mul3A_2 : i32
    %dma_wait3A_597 = arith.constant 1664 : i32
    %dma_wait3A_598 = tpu.memref_slice %arg21[%dma_wait3A_597] : memref<6400xi32, #tpu.memory_space<vmem>> -> memref<128xi32, #tpu.memory_space<vmem>>
    %dma_wait3A_599 = tpu.memref_slice %arg4[%add3A_596] : memref<204800xi32, #tpu.memory_space<hbm>> -> memref<128xi32, #tpu.memory_space<hbm>>
    %dma_wait3A_600 = arith.constant 1664 : i32
    %dma_wait3A_601 = tpu.memref_slice %arg21[%dma_wait3A_600] : memref<6400xi32, #tpu.memory_space<vmem>> -> memref<128xi32, #tpu.memory_space<vmem>>
    %dma_wait3A_602 = tpu.memref_slice %arg4[%add3A_596] : memref<204800xi32, #tpu.memory_space<hbm>> -> memref<128xi32, #tpu.memory_space<hbm>>
    tpu.wait_dma2 semaphore(%arg35 : memref<!tpu.dma_semaphore, #tpu.memory_space<semaphore_mem>>) src(%dma_wait3A_602 : memref<128xi32, #tpu.memory_space<hbm>>) dst(%dma_wait3A_601 : memref<128xi32, #tpu.memory_space<vmem>>)
    %add3A_603 = arith.constant 57344 : i32
    %add3A_604 = arith.addi %add3A_603, %mul3A_2 : i32
    %dma_wait3A_605 = arith.constant 1792 : i32
    %dma_wait3A_606 = tpu.memref_slice %arg21[%dma_wait3A_605] : memref<6400xi32, #tpu.memory_space<vmem>> -> memref<128xi32, #tpu.memory_space<vmem>>
    %dma_wait3A_607 = tpu.memref_slice %arg4[%add3A_604] : memref<204800xi32, #tpu.memory_space<hbm>> -> memref<128xi32, #tpu.memory_space<hbm>>
    %dma_wait3A_608 = arith.constant 1792 : i32
    %dma_wait3A_609 = tpu.memref_slice %arg21[%dma_wait3A_608] : memref<6400xi32, #tpu.memory_space<vmem>> -> memref<128xi32, #tpu.memory_space<vmem>>
    %dma_wait3A_610 = tpu.memref_slice %arg4[%add3A_604] : memref<204800xi32, #tpu.memory_space<hbm>> -> memref<128xi32, #tpu.memory_space<hbm>>
    tpu.wait_dma2 semaphore(%arg35 : memref<!tpu.dma_semaphore, #tpu.memory_space<semaphore_mem>>) src(%dma_wait3A_610 : memref<128xi32, #tpu.memory_space<hbm>>) dst(%dma_wait3A_609 : memref<128xi32, #tpu.memory_space<vmem>>)
    %add3A_611 = arith.constant 61440 : i32
    %add3A_612 = arith.addi %add3A_611, %mul3A_2 : i32
    %dma_wait3A_613 = arith.constant 1920 : i32
    %dma_wait3A_614 = tpu.memref_slice %arg21[%dma_wait3A_613] : memref<6400xi32, #tpu.memory_space<vmem>> -> memref<128xi32, #tpu.memory_space<vmem>>
    %dma_wait3A_615 = tpu.memref_slice %arg4[%add3A_612] : memref<204800xi32, #tpu.memory_space<hbm>> -> memref<128xi32, #tpu.memory_space<hbm>>
    %dma_wait3A_616 = arith.constant 1920 : i32
    %dma_wait3A_617 = tpu.memref_slice %arg21[%dma_wait3A_616] : memref<6400xi32, #tpu.memory_space<vmem>> -> memref<128xi32, #tpu.memory_space<vmem>>
    %dma_wait3A_618 = tpu.memref_slice %arg4[%add3A_612] : memref<204800xi32, #tpu.memory_space<hbm>> -> memref<128xi32, #tpu.memory_space<hbm>>
    tpu.wait_dma2 semaphore(%arg35 : memref<!tpu.dma_semaphore, #tpu.memory_space<semaphore_mem>>) src(%dma_wait3A_618 : memref<128xi32, #tpu.memory_space<hbm>>) dst(%dma_wait3A_617 : memref<128xi32, #tpu.memory_space<vmem>>)
    %add3A_619 = arith.constant 65536 : i32
    %add3A_620 = arith.addi %add3A_619, %mul3A_2 : i32
    %dma_wait3A_621 = arith.constant 2048 : i32
    %dma_wait3A_622 = tpu.memref_slice %arg21[%dma_wait3A_621] : memref<6400xi32, #tpu.memory_space<vmem>> -> memref<128xi32, #tpu.memory_space<vmem>>
    %dma_wait3A_623 = tpu.memref_slice %arg4[%add3A_620] : memref<204800xi32, #tpu.memory_space<hbm>> -> memref<128xi32, #tpu.memory_space<hbm>>
    %dma_wait3A_624 = arith.constant 2048 : i32
    %dma_wait3A_625 = tpu.memref_slice %arg21[%dma_wait3A_624] : memref<6400xi32, #tpu.memory_space<vmem>> -> memref<128xi32, #tpu.memory_space<vmem>>
    %dma_wait3A_626 = tpu.memref_slice %arg4[%add3A_620] : memref<204800xi32, #tpu.memory_space<hbm>> -> memref<128xi32, #tpu.memory_space<hbm>>
    tpu.wait_dma2 semaphore(%arg35 : memref<!tpu.dma_semaphore, #tpu.memory_space<semaphore_mem>>) src(%dma_wait3A_626 : memref<128xi32, #tpu.memory_space<hbm>>) dst(%dma_wait3A_625 : memref<128xi32, #tpu.memory_space<vmem>>)
    %add3A_627 = arith.constant 69632 : i32
    %add3A_628 = arith.addi %add3A_627, %mul3A_2 : i32
    %dma_wait3A_629 = arith.constant 2176 : i32
    %dma_wait3A_630 = tpu.memref_slice %arg21[%dma_wait3A_629] : memref<6400xi32, #tpu.memory_space<vmem>> -> memref<128xi32, #tpu.memory_space<vmem>>
    %dma_wait3A_631 = tpu.memref_slice %arg4[%add3A_628] : memref<204800xi32, #tpu.memory_space<hbm>> -> memref<128xi32, #tpu.memory_space<hbm>>
    %dma_wait3A_632 = arith.constant 2176 : i32
    %dma_wait3A_633 = tpu.memref_slice %arg21[%dma_wait3A_632] : memref<6400xi32, #tpu.memory_space<vmem>> -> memref<128xi32, #tpu.memory_space<vmem>>
    %dma_wait3A_634 = tpu.memref_slice %arg4[%add3A_628] : memref<204800xi32, #tpu.memory_space<hbm>> -> memref<128xi32, #tpu.memory_space<hbm>>
    tpu.wait_dma2 semaphore(%arg35 : memref<!tpu.dma_semaphore, #tpu.memory_space<semaphore_mem>>) src(%dma_wait3A_634 : memref<128xi32, #tpu.memory_space<hbm>>) dst(%dma_wait3A_633 : memref<128xi32, #tpu.memory_space<vmem>>)
    %add3A_635 = arith.constant 73728 : i32
    %add3A_636 = arith.addi %add3A_635, %mul3A_2 : i32
    %dma_wait3A_637 = arith.constant 2304 : i32
    %dma_wait3A_638 = tpu.memref_slice %arg21[%dma_wait3A_637] : memref<6400xi32, #tpu.memory_space<vmem>> -> memref<128xi32, #tpu.memory_space<vmem>>
    %dma_wait3A_639 = tpu.memref_slice %arg4[%add3A_636] : memref<204800xi32, #tpu.memory_space<hbm>> -> memref<128xi32, #tpu.memory_space<hbm>>
    %dma_wait3A_640 = arith.constant 2304 : i32
    %dma_wait3A_641 = tpu.memref_slice %arg21[%dma_wait3A_640] : memref<6400xi32, #tpu.memory_space<vmem>> -> memref<128xi32, #tpu.memory_space<vmem>>
    %dma_wait3A_642 = tpu.memref_slice %arg4[%add3A_636] : memref<204800xi32, #tpu.memory_space<hbm>> -> memref<128xi32, #tpu.memory_space<hbm>>
    tpu.wait_dma2 semaphore(%arg35 : memref<!tpu.dma_semaphore, #tpu.memory_space<semaphore_mem>>) src(%dma_wait3A_642 : memref<128xi32, #tpu.memory_space<hbm>>) dst(%dma_wait3A_641 : memref<128xi32, #tpu.memory_space<vmem>>)
    %add3A_643 = arith.constant 77824 : i32
    %add3A_644 = arith.addi %add3A_643, %mul3A_2 : i32
    %dma_wait3A_645 = arith.constant 2432 : i32
    %dma_wait3A_646 = tpu.memref_slice %arg21[%dma_wait3A_645] : memref<6400xi32, #tpu.memory_space<vmem>> -> memref<128xi32, #tpu.memory_space<vmem>>
    %dma_wait3A_647 = tpu.memref_slice %arg4[%add3A_644] : memref<204800xi32, #tpu.memory_space<hbm>> -> memref<128xi32, #tpu.memory_space<hbm>>
    %dma_wait3A_648 = arith.constant 2432 : i32
    %dma_wait3A_649 = tpu.memref_slice %arg21[%dma_wait3A_648] : memref<6400xi32, #tpu.memory_space<vmem>> -> memref<128xi32, #tpu.memory_space<vmem>>
    %dma_wait3A_650 = tpu.memref_slice %arg4[%add3A_644] : memref<204800xi32, #tpu.memory_space<hbm>> -> memref<128xi32, #tpu.memory_space<hbm>>
    tpu.wait_dma2 semaphore(%arg35 : memref<!tpu.dma_semaphore, #tpu.memory_space<semaphore_mem>>) src(%dma_wait3A_650 : memref<128xi32, #tpu.memory_space<hbm>>) dst(%dma_wait3A_649 : memref<128xi32, #tpu.memory_space<vmem>>)
    %add3A_651 = arith.constant 81920 : i32
    %add3A_652 = arith.addi %add3A_651, %mul3A_2 : i32
    %dma_wait3A_653 = arith.constant 2560 : i32
    %dma_wait3A_654 = tpu.memref_slice %arg21[%dma_wait3A_653] : memref<6400xi32, #tpu.memory_space<vmem>> -> memref<128xi32, #tpu.memory_space<vmem>>
    %dma_wait3A_655 = tpu.memref_slice %arg4[%add3A_652] : memref<204800xi32, #tpu.memory_space<hbm>> -> memref<128xi32, #tpu.memory_space<hbm>>
    %dma_wait3A_656 = arith.constant 2560 : i32
    %dma_wait3A_657 = tpu.memref_slice %arg21[%dma_wait3A_656] : memref<6400xi32, #tpu.memory_space<vmem>> -> memref<128xi32, #tpu.memory_space<vmem>>
    %dma_wait3A_658 = tpu.memref_slice %arg4[%add3A_652] : memref<204800xi32, #tpu.memory_space<hbm>> -> memref<128xi32, #tpu.memory_space<hbm>>
    tpu.wait_dma2 semaphore(%arg35 : memref<!tpu.dma_semaphore, #tpu.memory_space<semaphore_mem>>) src(%dma_wait3A_658 : memref<128xi32, #tpu.memory_space<hbm>>) dst(%dma_wait3A_657 : memref<128xi32, #tpu.memory_space<vmem>>)
    %add3A_659 = arith.constant 86016 : i32
    %add3A_660 = arith.addi %add3A_659, %mul3A_2 : i32
    %dma_wait3A_661 = arith.constant 2688 : i32
    %dma_wait3A_662 = tpu.memref_slice %arg21[%dma_wait3A_661] : memref<6400xi32, #tpu.memory_space<vmem>> -> memref<128xi32, #tpu.memory_space<vmem>>
    %dma_wait3A_663 = tpu.memref_slice %arg4[%add3A_660] : memref<204800xi32, #tpu.memory_space<hbm>> -> memref<128xi32, #tpu.memory_space<hbm>>
    %dma_wait3A_664 = arith.constant 2688 : i32
    %dma_wait3A_665 = tpu.memref_slice %arg21[%dma_wait3A_664] : memref<6400xi32, #tpu.memory_space<vmem>> -> memref<128xi32, #tpu.memory_space<vmem>>
    %dma_wait3A_666 = tpu.memref_slice %arg4[%add3A_660] : memref<204800xi32, #tpu.memory_space<hbm>> -> memref<128xi32, #tpu.memory_space<hbm>>
    tpu.wait_dma2 semaphore(%arg35 : memref<!tpu.dma_semaphore, #tpu.memory_space<semaphore_mem>>) src(%dma_wait3A_666 : memref<128xi32, #tpu.memory_space<hbm>>) dst(%dma_wait3A_665 : memref<128xi32, #tpu.memory_space<vmem>>)
    %add3A_667 = arith.constant 90112 : i32
    %add3A_668 = arith.addi %add3A_667, %mul3A_2 : i32
    %dma_wait3A_669 = arith.constant 2816 : i32
    %dma_wait3A_670 = tpu.memref_slice %arg21[%dma_wait3A_669] : memref<6400xi32, #tpu.memory_space<vmem>> -> memref<128xi32, #tpu.memory_space<vmem>>
    %dma_wait3A_671 = tpu.memref_slice %arg4[%add3A_668] : memref<204800xi32, #tpu.memory_space<hbm>> -> memref<128xi32, #tpu.memory_space<hbm>>
    %dma_wait3A_672 = arith.constant 2816 : i32
    %dma_wait3A_673 = tpu.memref_slice %arg21[%dma_wait3A_672] : memref<6400xi32, #tpu.memory_space<vmem>> -> memref<128xi32, #tpu.memory_space<vmem>>
    %dma_wait3A_674 = tpu.memref_slice %arg4[%add3A_668] : memref<204800xi32, #tpu.memory_space<hbm>> -> memref<128xi32, #tpu.memory_space<hbm>>
    tpu.wait_dma2 semaphore(%arg35 : memref<!tpu.dma_semaphore, #tpu.memory_space<semaphore_mem>>) src(%dma_wait3A_674 : memref<128xi32, #tpu.memory_space<hbm>>) dst(%dma_wait3A_673 : memref<128xi32, #tpu.memory_space<vmem>>)
    %add3A_675 = arith.constant 94208 : i32
    %add3A_676 = arith.addi %add3A_675, %mul3A_2 : i32
    %dma_wait3A_677 = arith.constant 2944 : i32
    %dma_wait3A_678 = tpu.memref_slice %arg21[%dma_wait3A_677] : memref<6400xi32, #tpu.memory_space<vmem>> -> memref<128xi32, #tpu.memory_space<vmem>>
    %dma_wait3A_679 = tpu.memref_slice %arg4[%add3A_676] : memref<204800xi32, #tpu.memory_space<hbm>> -> memref<128xi32, #tpu.memory_space<hbm>>
    %dma_wait3A_680 = arith.constant 2944 : i32
    %dma_wait3A_681 = tpu.memref_slice %arg21[%dma_wait3A_680] : memref<6400xi32, #tpu.memory_space<vmem>> -> memref<128xi32, #tpu.memory_space<vmem>>
    %dma_wait3A_682 = tpu.memref_slice %arg4[%add3A_676] : memref<204800xi32, #tpu.memory_space<hbm>> -> memref<128xi32, #tpu.memory_space<hbm>>
    tpu.wait_dma2 semaphore(%arg35 : memref<!tpu.dma_semaphore, #tpu.memory_space<semaphore_mem>>) src(%dma_wait3A_682 : memref<128xi32, #tpu.memory_space<hbm>>) dst(%dma_wait3A_681 : memref<128xi32, #tpu.memory_space<vmem>>)
    %add3A_683 = arith.constant 98304 : i32
    %add3A_684 = arith.addi %add3A_683, %mul3A_2 : i32
    %dma_wait3A_685 = arith.constant 3072 : i32
    %dma_wait3A_686 = tpu.memref_slice %arg21[%dma_wait3A_685] : memref<6400xi32, #tpu.memory_space<vmem>> -> memref<128xi32, #tpu.memory_space<vmem>>
    %dma_wait3A_687 = tpu.memref_slice %arg4[%add3A_684] : memref<204800xi32, #tpu.memory_space<hbm>> -> memref<128xi32, #tpu.memory_space<hbm>>
    %dma_wait3A_688 = arith.constant 3072 : i32
    %dma_wait3A_689 = tpu.memref_slice %arg21[%dma_wait3A_688] : memref<6400xi32, #tpu.memory_space<vmem>> -> memref<128xi32, #tpu.memory_space<vmem>>
    %dma_wait3A_690 = tpu.memref_slice %arg4[%add3A_684] : memref<204800xi32, #tpu.memory_space<hbm>> -> memref<128xi32, #tpu.memory_space<hbm>>
    tpu.wait_dma2 semaphore(%arg35 : memref<!tpu.dma_semaphore, #tpu.memory_space<semaphore_mem>>) src(%dma_wait3A_690 : memref<128xi32, #tpu.memory_space<hbm>>) dst(%dma_wait3A_689 : memref<128xi32, #tpu.memory_space<vmem>>)
    %add3A_691 = arith.constant 102400 : i32
    %add3A_692 = arith.addi %add3A_691, %mul3A_2 : i32
    %dma_wait3A_693 = arith.constant 3200 : i32
    %dma_wait3A_694 = tpu.memref_slice %arg21[%dma_wait3A_693] : memref<6400xi32, #tpu.memory_space<vmem>> -> memref<128xi32, #tpu.memory_space<vmem>>
    %dma_wait3A_695 = tpu.memref_slice %arg4[%add3A_692] : memref<204800xi32, #tpu.memory_space<hbm>> -> memref<128xi32, #tpu.memory_space<hbm>>
    %dma_wait3A_696 = arith.constant 3200 : i32
    %dma_wait3A_697 = tpu.memref_slice %arg21[%dma_wait3A_696] : memref<6400xi32, #tpu.memory_space<vmem>> -> memref<128xi32, #tpu.memory_space<vmem>>
    %dma_wait3A_698 = tpu.memref_slice %arg4[%add3A_692] : memref<204800xi32, #tpu.memory_space<hbm>> -> memref<128xi32, #tpu.memory_space<hbm>>
    tpu.wait_dma2 semaphore(%arg35 : memref<!tpu.dma_semaphore, #tpu.memory_space<semaphore_mem>>) src(%dma_wait3A_698 : memref<128xi32, #tpu.memory_space<hbm>>) dst(%dma_wait3A_697 : memref<128xi32, #tpu.memory_space<vmem>>)
    %add3A_699 = arith.constant 106496 : i32
    %add3A_700 = arith.addi %add3A_699, %mul3A_2 : i32
    %dma_wait3A_701 = arith.constant 3328 : i32
    %dma_wait3A_702 = tpu.memref_slice %arg21[%dma_wait3A_701] : memref<6400xi32, #tpu.memory_space<vmem>> -> memref<128xi32, #tpu.memory_space<vmem>>
    %dma_wait3A_703 = tpu.memref_slice %arg4[%add3A_700] : memref<204800xi32, #tpu.memory_space<hbm>> -> memref<128xi32, #tpu.memory_space<hbm>>
    %dma_wait3A_704 = arith.constant 3328 : i32
    %dma_wait3A_705 = tpu.memref_slice %arg21[%dma_wait3A_704] : memref<6400xi32, #tpu.memory_space<vmem>> -> memref<128xi32, #tpu.memory_space<vmem>>
    %dma_wait3A_706 = tpu.memref_slice %arg4[%add3A_700] : memref<204800xi32, #tpu.memory_space<hbm>> -> memref<128xi32, #tpu.memory_space<hbm>>
    tpu.wait_dma2 semaphore(%arg35 : memref<!tpu.dma_semaphore, #tpu.memory_space<semaphore_mem>>) src(%dma_wait3A_706 : memref<128xi32, #tpu.memory_space<hbm>>) dst(%dma_wait3A_705 : memref<128xi32, #tpu.memory_space<vmem>>)
    %add3A_707 = arith.constant 110592 : i32
    %add3A_708 = arith.addi %add3A_707, %mul3A_2 : i32
    %dma_wait3A_709 = arith.constant 3456 : i32
    %dma_wait3A_710 = tpu.memref_slice %arg21[%dma_wait3A_709] : memref<6400xi32, #tpu.memory_space<vmem>> -> memref<128xi32, #tpu.memory_space<vmem>>
    %dma_wait3A_711 = tpu.memref_slice %arg4[%add3A_708] : memref<204800xi32, #tpu.memory_space<hbm>> -> memref<128xi32, #tpu.memory_space<hbm>>
    %dma_wait3A_712 = arith.constant 3456 : i32
    %dma_wait3A_713 = tpu.memref_slice %arg21[%dma_wait3A_712] : memref<6400xi32, #tpu.memory_space<vmem>> -> memref<128xi32, #tpu.memory_space<vmem>>
    %dma_wait3A_714 = tpu.memref_slice %arg4[%add3A_708] : memref<204800xi32, #tpu.memory_space<hbm>> -> memref<128xi32, #tpu.memory_space<hbm>>
    tpu.wait_dma2 semaphore(%arg35 : memref<!tpu.dma_semaphore, #tpu.memory_space<semaphore_mem>>) src(%dma_wait3A_714 : memref<128xi32, #tpu.memory_space<hbm>>) dst(%dma_wait3A_713 : memref<128xi32, #tpu.memory_space<vmem>>)
    %add3A_715 = arith.constant 114688 : i32
    %add3A_716 = arith.addi %add3A_715, %mul3A_2 : i32
    %dma_wait3A_717 = arith.constant 3584 : i32
    %dma_wait3A_718 = tpu.memref_slice %arg21[%dma_wait3A_717] : memref<6400xi32, #tpu.memory_space<vmem>> -> memref<128xi32, #tpu.memory_space<vmem>>
    %dma_wait3A_719 = tpu.memref_slice %arg4[%add3A_716] : memref<204800xi32, #tpu.memory_space<hbm>> -> memref<128xi32, #tpu.memory_space<hbm>>
    %dma_wait3A_720 = arith.constant 3584 : i32
    %dma_wait3A_721 = tpu.memref_slice %arg21[%dma_wait3A_720] : memref<6400xi32, #tpu.memory_space<vmem>> -> memref<128xi32, #tpu.memory_space<vmem>>
    %dma_wait3A_722 = tpu.memref_slice %arg4[%add3A_716] : memref<204800xi32, #tpu.memory_space<hbm>> -> memref<128xi32, #tpu.memory_space<hbm>>
    tpu.wait_dma2 semaphore(%arg35 : memref<!tpu.dma_semaphore, #tpu.memory_space<semaphore_mem>>) src(%dma_wait3A_722 : memref<128xi32, #tpu.memory_space<hbm>>) dst(%dma_wait3A_721 : memref<128xi32, #tpu.memory_space<vmem>>)
    %add3A_723 = arith.constant 118784 : i32
    %add3A_724 = arith.addi %add3A_723, %mul3A_2 : i32
    %dma_wait3A_725 = arith.constant 3712 : i32
    %dma_wait3A_726 = tpu.memref_slice %arg21[%dma_wait3A_725] : memref<6400xi32, #tpu.memory_space<vmem>> -> memref<128xi32, #tpu.memory_space<vmem>>
    %dma_wait3A_727 = tpu.memref_slice %arg4[%add3A_724] : memref<204800xi32, #tpu.memory_space<hbm>> -> memref<128xi32, #tpu.memory_space<hbm>>
    %dma_wait3A_728 = arith.constant 3712 : i32
    %dma_wait3A_729 = tpu.memref_slice %arg21[%dma_wait3A_728] : memref<6400xi32, #tpu.memory_space<vmem>> -> memref<128xi32, #tpu.memory_space<vmem>>
    %dma_wait3A_730 = tpu.memref_slice %arg4[%add3A_724] : memref<204800xi32, #tpu.memory_space<hbm>> -> memref<128xi32, #tpu.memory_space<hbm>>
    tpu.wait_dma2 semaphore(%arg35 : memref<!tpu.dma_semaphore, #tpu.memory_space<semaphore_mem>>) src(%dma_wait3A_730 : memref<128xi32, #tpu.memory_space<hbm>>) dst(%dma_wait3A_729 : memref<128xi32, #tpu.memory_space<vmem>>)
    %add3A_731 = arith.constant 122880 : i32
    %add3A_732 = arith.addi %add3A_731, %mul3A_2 : i32
    %dma_wait3A_733 = arith.constant 3840 : i32
    %dma_wait3A_734 = tpu.memref_slice %arg21[%dma_wait3A_733] : memref<6400xi32, #tpu.memory_space<vmem>> -> memref<128xi32, #tpu.memory_space<vmem>>
    %dma_wait3A_735 = tpu.memref_slice %arg4[%add3A_732] : memref<204800xi32, #tpu.memory_space<hbm>> -> memref<128xi32, #tpu.memory_space<hbm>>
    %dma_wait3A_736 = arith.constant 3840 : i32
    %dma_wait3A_737 = tpu.memref_slice %arg21[%dma_wait3A_736] : memref<6400xi32, #tpu.memory_space<vmem>> -> memref<128xi32, #tpu.memory_space<vmem>>
    %dma_wait3A_738 = tpu.memref_slice %arg4[%add3A_732] : memref<204800xi32, #tpu.memory_space<hbm>> -> memref<128xi32, #tpu.memory_space<hbm>>
    tpu.wait_dma2 semaphore(%arg35 : memref<!tpu.dma_semaphore, #tpu.memory_space<semaphore_mem>>) src(%dma_wait3A_738 : memref<128xi32, #tpu.memory_space<hbm>>) dst(%dma_wait3A_737 : memref<128xi32, #tpu.memory_space<vmem>>)
    %add3A_739 = arith.constant 126976 : i32
    %add3A_740 = arith.addi %add3A_739, %mul3A_2 : i32
    %dma_wait3A_741 = arith.constant 3968 : i32
    %dma_wait3A_742 = tpu.memref_slice %arg21[%dma_wait3A_741] : memref<6400xi32, #tpu.memory_space<vmem>> -> memref<128xi32, #tpu.memory_space<vmem>>
    %dma_wait3A_743 = tpu.memref_slice %arg4[%add3A_740] : memref<204800xi32, #tpu.memory_space<hbm>> -> memref<128xi32, #tpu.memory_space<hbm>>
    %dma_wait3A_744 = arith.constant 3968 : i32
    %dma_wait3A_745 = tpu.memref_slice %arg21[%dma_wait3A_744] : memref<6400xi32, #tpu.memory_space<vmem>> -> memref<128xi32, #tpu.memory_space<vmem>>
    %dma_wait3A_746 = tpu.memref_slice %arg4[%add3A_740] : memref<204800xi32, #tpu.memory_space<hbm>> -> memref<128xi32, #tpu.memory_space<hbm>>
    tpu.wait_dma2 semaphore(%arg35 : memref<!tpu.dma_semaphore, #tpu.memory_space<semaphore_mem>>) src(%dma_wait3A_746 : memref<128xi32, #tpu.memory_space<hbm>>) dst(%dma_wait3A_745 : memref<128xi32, #tpu.memory_space<vmem>>)
    %add3A_747 = arith.constant 131072 : i32
    %add3A_748 = arith.addi %add3A_747, %mul3A_2 : i32
    %dma_wait3A_749 = arith.constant 4096 : i32
    %dma_wait3A_750 = tpu.memref_slice %arg21[%dma_wait3A_749] : memref<6400xi32, #tpu.memory_space<vmem>> -> memref<128xi32, #tpu.memory_space<vmem>>
    %dma_wait3A_751 = tpu.memref_slice %arg4[%add3A_748] : memref<204800xi32, #tpu.memory_space<hbm>> -> memref<128xi32, #tpu.memory_space<hbm>>
    %dma_wait3A_752 = arith.constant 4096 : i32
    %dma_wait3A_753 = tpu.memref_slice %arg21[%dma_wait3A_752] : memref<6400xi32, #tpu.memory_space<vmem>> -> memref<128xi32, #tpu.memory_space<vmem>>
    %dma_wait3A_754 = tpu.memref_slice %arg4[%add3A_748] : memref<204800xi32, #tpu.memory_space<hbm>> -> memref<128xi32, #tpu.memory_space<hbm>>
    tpu.wait_dma2 semaphore(%arg35 : memref<!tpu.dma_semaphore, #tpu.memory_space<semaphore_mem>>) src(%dma_wait3A_754 : memref<128xi32, #tpu.memory_space<hbm>>) dst(%dma_wait3A_753 : memref<128xi32, #tpu.memory_space<vmem>>)
    %add3A_755 = arith.constant 135168 : i32
    %add3A_756 = arith.addi %add3A_755, %mul3A_2 : i32
    %dma_wait3A_757 = arith.constant 4224 : i32
    %dma_wait3A_758 = tpu.memref_slice %arg21[%dma_wait3A_757] : memref<6400xi32, #tpu.memory_space<vmem>> -> memref<128xi32, #tpu.memory_space<vmem>>
    %dma_wait3A_759 = tpu.memref_slice %arg4[%add3A_756] : memref<204800xi32, #tpu.memory_space<hbm>> -> memref<128xi32, #tpu.memory_space<hbm>>
    %dma_wait3A_760 = arith.constant 4224 : i32
    %dma_wait3A_761 = tpu.memref_slice %arg21[%dma_wait3A_760] : memref<6400xi32, #tpu.memory_space<vmem>> -> memref<128xi32, #tpu.memory_space<vmem>>
    %dma_wait3A_762 = tpu.memref_slice %arg4[%add3A_756] : memref<204800xi32, #tpu.memory_space<hbm>> -> memref<128xi32, #tpu.memory_space<hbm>>
    tpu.wait_dma2 semaphore(%arg35 : memref<!tpu.dma_semaphore, #tpu.memory_space<semaphore_mem>>) src(%dma_wait3A_762 : memref<128xi32, #tpu.memory_space<hbm>>) dst(%dma_wait3A_761 : memref<128xi32, #tpu.memory_space<vmem>>)
    %add3A_763 = arith.constant 139264 : i32
    %add3A_764 = arith.addi %add3A_763, %mul3A_2 : i32
    %dma_wait3A_765 = arith.constant 4352 : i32
    %dma_wait3A_766 = tpu.memref_slice %arg21[%dma_wait3A_765] : memref<6400xi32, #tpu.memory_space<vmem>> -> memref<128xi32, #tpu.memory_space<vmem>>
    %dma_wait3A_767 = tpu.memref_slice %arg4[%add3A_764] : memref<204800xi32, #tpu.memory_space<hbm>> -> memref<128xi32, #tpu.memory_space<hbm>>
    %dma_wait3A_768 = arith.constant 4352 : i32
    %dma_wait3A_769 = tpu.memref_slice %arg21[%dma_wait3A_768] : memref<6400xi32, #tpu.memory_space<vmem>> -> memref<128xi32, #tpu.memory_space<vmem>>
    %dma_wait3A_770 = tpu.memref_slice %arg4[%add3A_764] : memref<204800xi32, #tpu.memory_space<hbm>> -> memref<128xi32, #tpu.memory_space<hbm>>
    tpu.wait_dma2 semaphore(%arg35 : memref<!tpu.dma_semaphore, #tpu.memory_space<semaphore_mem>>) src(%dma_wait3A_770 : memref<128xi32, #tpu.memory_space<hbm>>) dst(%dma_wait3A_769 : memref<128xi32, #tpu.memory_space<vmem>>)
    %add3A_771 = arith.constant 143360 : i32
    %add3A_772 = arith.addi %add3A_771, %mul3A_2 : i32
    %dma_wait3A_773 = arith.constant 4480 : i32
    %dma_wait3A_774 = tpu.memref_slice %arg21[%dma_wait3A_773] : memref<6400xi32, #tpu.memory_space<vmem>> -> memref<128xi32, #tpu.memory_space<vmem>>
    %dma_wait3A_775 = tpu.memref_slice %arg4[%add3A_772] : memref<204800xi32, #tpu.memory_space<hbm>> -> memref<128xi32, #tpu.memory_space<hbm>>
    %dma_wait3A_776 = arith.constant 4480 : i32
    %dma_wait3A_777 = tpu.memref_slice %arg21[%dma_wait3A_776] : memref<6400xi32, #tpu.memory_space<vmem>> -> memref<128xi32, #tpu.memory_space<vmem>>
    %dma_wait3A_778 = tpu.memref_slice %arg4[%add3A_772] : memref<204800xi32, #tpu.memory_space<hbm>> -> memref<128xi32, #tpu.memory_space<hbm>>
    tpu.wait_dma2 semaphore(%arg35 : memref<!tpu.dma_semaphore, #tpu.memory_space<semaphore_mem>>) src(%dma_wait3A_778 : memref<128xi32, #tpu.memory_space<hbm>>) dst(%dma_wait3A_777 : memref<128xi32, #tpu.memory_space<vmem>>)
    %add3A_779 = arith.constant 147456 : i32
    %add3A_780 = arith.addi %add3A_779, %mul3A_2 : i32
    %dma_wait3A_781 = arith.constant 4608 : i32
    %dma_wait3A_782 = tpu.memref_slice %arg21[%dma_wait3A_781] : memref<6400xi32, #tpu.memory_space<vmem>> -> memref<128xi32, #tpu.memory_space<vmem>>
    %dma_wait3A_783 = tpu.memref_slice %arg4[%add3A_780] : memref<204800xi32, #tpu.memory_space<hbm>> -> memref<128xi32, #tpu.memory_space<hbm>>
    %dma_wait3A_784 = arith.constant 4608 : i32
    %dma_wait3A_785 = tpu.memref_slice %arg21[%dma_wait3A_784] : memref<6400xi32, #tpu.memory_space<vmem>> -> memref<128xi32, #tpu.memory_space<vmem>>
    %dma_wait3A_786 = tpu.memref_slice %arg4[%add3A_780] : memref<204800xi32, #tpu.memory_space<hbm>> -> memref<128xi32, #tpu.memory_space<hbm>>
    tpu.wait_dma2 semaphore(%arg35 : memref<!tpu.dma_semaphore, #tpu.memory_space<semaphore_mem>>) src(%dma_wait3A_786 : memref<128xi32, #tpu.memory_space<hbm>>) dst(%dma_wait3A_785 : memref<128xi32, #tpu.memory_space<vmem>>)
    %add3A_787 = arith.constant 151552 : i32
    %add3A_788 = arith.addi %add3A_787, %mul3A_2 : i32
    %dma_wait3A_789 = arith.constant 4736 : i32
    %dma_wait3A_790 = tpu.memref_slice %arg21[%dma_wait3A_789] : memref<6400xi32, #tpu.memory_space<vmem>> -> memref<128xi32, #tpu.memory_space<vmem>>
    %dma_wait3A_791 = tpu.memref_slice %arg4[%add3A_788] : memref<204800xi32, #tpu.memory_space<hbm>> -> memref<128xi32, #tpu.memory_space<hbm>>
    %dma_wait3A_792 = arith.constant 4736 : i32
    %dma_wait3A_793 = tpu.memref_slice %arg21[%dma_wait3A_792] : memref<6400xi32, #tpu.memory_space<vmem>> -> memref<128xi32, #tpu.memory_space<vmem>>
    %dma_wait3A_794 = tpu.memref_slice %arg4[%add3A_788] : memref<204800xi32, #tpu.memory_space<hbm>> -> memref<128xi32, #tpu.memory_space<hbm>>
    tpu.wait_dma2 semaphore(%arg35 : memref<!tpu.dma_semaphore, #tpu.memory_space<semaphore_mem>>) src(%dma_wait3A_794 : memref<128xi32, #tpu.memory_space<hbm>>) dst(%dma_wait3A_793 : memref<128xi32, #tpu.memory_space<vmem>>)
    %add3A_795 = arith.constant 155648 : i32
    %add3A_796 = arith.addi %add3A_795, %mul3A_2 : i32
    %dma_wait3A_797 = arith.constant 4864 : i32
    %dma_wait3A_798 = tpu.memref_slice %arg21[%dma_wait3A_797] : memref<6400xi32, #tpu.memory_space<vmem>> -> memref<128xi32, #tpu.memory_space<vmem>>
    %dma_wait3A_799 = tpu.memref_slice %arg4[%add3A_796] : memref<204800xi32, #tpu.memory_space<hbm>> -> memref<128xi32, #tpu.memory_space<hbm>>
    %dma_wait3A_800 = arith.constant 4864 : i32
    %dma_wait3A_801 = tpu.memref_slice %arg21[%dma_wait3A_800] : memref<6400xi32, #tpu.memory_space<vmem>> -> memref<128xi32, #tpu.memory_space<vmem>>
    %dma_wait3A_802 = tpu.memref_slice %arg4[%add3A_796] : memref<204800xi32, #tpu.memory_space<hbm>> -> memref<128xi32, #tpu.memory_space<hbm>>
    tpu.wait_dma2 semaphore(%arg35 : memref<!tpu.dma_semaphore, #tpu.memory_space<semaphore_mem>>) src(%dma_wait3A_802 : memref<128xi32, #tpu.memory_space<hbm>>) dst(%dma_wait3A_801 : memref<128xi32, #tpu.memory_space<vmem>>)
    %add3A_803 = arith.constant 159744 : i32
    %add3A_804 = arith.addi %add3A_803, %mul3A_2 : i32
    %dma_wait3A_805 = arith.constant 4992 : i32
    %dma_wait3A_806 = tpu.memref_slice %arg21[%dma_wait3A_805] : memref<6400xi32, #tpu.memory_space<vmem>> -> memref<128xi32, #tpu.memory_space<vmem>>
    %dma_wait3A_807 = tpu.memref_slice %arg4[%add3A_804] : memref<204800xi32, #tpu.memory_space<hbm>> -> memref<128xi32, #tpu.memory_space<hbm>>
    %dma_wait3A_808 = arith.constant 4992 : i32
    %dma_wait3A_809 = tpu.memref_slice %arg21[%dma_wait3A_808] : memref<6400xi32, #tpu.memory_space<vmem>> -> memref<128xi32, #tpu.memory_space<vmem>>
    %dma_wait3A_810 = tpu.memref_slice %arg4[%add3A_804] : memref<204800xi32, #tpu.memory_space<hbm>> -> memref<128xi32, #tpu.memory_space<hbm>>
    tpu.wait_dma2 semaphore(%arg35 : memref<!tpu.dma_semaphore, #tpu.memory_space<semaphore_mem>>) src(%dma_wait3A_810 : memref<128xi32, #tpu.memory_space<hbm>>) dst(%dma_wait3A_809 : memref<128xi32, #tpu.memory_space<vmem>>)
    %add3A_811 = arith.constant 163840 : i32
    %add3A_812 = arith.addi %add3A_811, %mul3A_2 : i32
    %dma_wait3A_813 = arith.constant 5120 : i32
    %dma_wait3A_814 = tpu.memref_slice %arg21[%dma_wait3A_813] : memref<6400xi32, #tpu.memory_space<vmem>> -> memref<128xi32, #tpu.memory_space<vmem>>
    %dma_wait3A_815 = tpu.memref_slice %arg4[%add3A_812] : memref<204800xi32, #tpu.memory_space<hbm>> -> memref<128xi32, #tpu.memory_space<hbm>>
    %dma_wait3A_816 = arith.constant 5120 : i32
    %dma_wait3A_817 = tpu.memref_slice %arg21[%dma_wait3A_816] : memref<6400xi32, #tpu.memory_space<vmem>> -> memref<128xi32, #tpu.memory_space<vmem>>
    %dma_wait3A_818 = tpu.memref_slice %arg4[%add3A_812] : memref<204800xi32, #tpu.memory_space<hbm>> -> memref<128xi32, #tpu.memory_space<hbm>>
    tpu.wait_dma2 semaphore(%arg35 : memref<!tpu.dma_semaphore, #tpu.memory_space<semaphore_mem>>) src(%dma_wait3A_818 : memref<128xi32, #tpu.memory_space<hbm>>) dst(%dma_wait3A_817 : memref<128xi32, #tpu.memory_space<vmem>>)
    %add3A_819 = arith.constant 167936 : i32
    %add3A_820 = arith.addi %add3A_819, %mul3A_2 : i32
    %dma_wait3A_821 = arith.constant 5248 : i32
    %dma_wait3A_822 = tpu.memref_slice %arg21[%dma_wait3A_821] : memref<6400xi32, #tpu.memory_space<vmem>> -> memref<128xi32, #tpu.memory_space<vmem>>
    %dma_wait3A_823 = tpu.memref_slice %arg4[%add3A_820] : memref<204800xi32, #tpu.memory_space<hbm>> -> memref<128xi32, #tpu.memory_space<hbm>>
    %dma_wait3A_824 = arith.constant 5248 : i32
    %dma_wait3A_825 = tpu.memref_slice %arg21[%dma_wait3A_824] : memref<6400xi32, #tpu.memory_space<vmem>> -> memref<128xi32, #tpu.memory_space<vmem>>
    %dma_wait3A_826 = tpu.memref_slice %arg4[%add3A_820] : memref<204800xi32, #tpu.memory_space<hbm>> -> memref<128xi32, #tpu.memory_space<hbm>>
    tpu.wait_dma2 semaphore(%arg35 : memref<!tpu.dma_semaphore, #tpu.memory_space<semaphore_mem>>) src(%dma_wait3A_826 : memref<128xi32, #tpu.memory_space<hbm>>) dst(%dma_wait3A_825 : memref<128xi32, #tpu.memory_space<vmem>>)
    %add3A_827 = arith.constant 172032 : i32
    %add3A_828 = arith.addi %add3A_827, %mul3A_2 : i32
    %dma_wait3A_829 = arith.constant 5376 : i32
    %dma_wait3A_830 = tpu.memref_slice %arg21[%dma_wait3A_829] : memref<6400xi32, #tpu.memory_space<vmem>> -> memref<128xi32, #tpu.memory_space<vmem>>
    %dma_wait3A_831 = tpu.memref_slice %arg4[%add3A_828] : memref<204800xi32, #tpu.memory_space<hbm>> -> memref<128xi32, #tpu.memory_space<hbm>>
    %dma_wait3A_832 = arith.constant 5376 : i32
    %dma_wait3A_833 = tpu.memref_slice %arg21[%dma_wait3A_832] : memref<6400xi32, #tpu.memory_space<vmem>> -> memref<128xi32, #tpu.memory_space<vmem>>
    %dma_wait3A_834 = tpu.memref_slice %arg4[%add3A_828] : memref<204800xi32, #tpu.memory_space<hbm>> -> memref<128xi32, #tpu.memory_space<hbm>>
    tpu.wait_dma2 semaphore(%arg35 : memref<!tpu.dma_semaphore, #tpu.memory_space<semaphore_mem>>) src(%dma_wait3A_834 : memref<128xi32, #tpu.memory_space<hbm>>) dst(%dma_wait3A_833 : memref<128xi32, #tpu.memory_space<vmem>>)
    %add3A_835 = arith.constant 176128 : i32
    %add3A_836 = arith.addi %add3A_835, %mul3A_2 : i32
    %dma_wait3A_837 = arith.constant 5504 : i32
    %dma_wait3A_838 = tpu.memref_slice %arg21[%dma_wait3A_837] : memref<6400xi32, #tpu.memory_space<vmem>> -> memref<128xi32, #tpu.memory_space<vmem>>
    %dma_wait3A_839 = tpu.memref_slice %arg4[%add3A_836] : memref<204800xi32, #tpu.memory_space<hbm>> -> memref<128xi32, #tpu.memory_space<hbm>>
    %dma_wait3A_840 = arith.constant 5504 : i32
    %dma_wait3A_841 = tpu.memref_slice %arg21[%dma_wait3A_840] : memref<6400xi32, #tpu.memory_space<vmem>> -> memref<128xi32, #tpu.memory_space<vmem>>
    %dma_wait3A_842 = tpu.memref_slice %arg4[%add3A_836] : memref<204800xi32, #tpu.memory_space<hbm>> -> memref<128xi32, #tpu.memory_space<hbm>>
    tpu.wait_dma2 semaphore(%arg35 : memref<!tpu.dma_semaphore, #tpu.memory_space<semaphore_mem>>) src(%dma_wait3A_842 : memref<128xi32, #tpu.memory_space<hbm>>) dst(%dma_wait3A_841 : memref<128xi32, #tpu.memory_space<vmem>>)
    %add3A_843 = arith.constant 180224 : i32
    %add3A_844 = arith.addi %add3A_843, %mul3A_2 : i32
    %dma_wait3A_845 = arith.constant 5632 : i32
    %dma_wait3A_846 = tpu.memref_slice %arg21[%dma_wait3A_845] : memref<6400xi32, #tpu.memory_space<vmem>> -> memref<128xi32, #tpu.memory_space<vmem>>
    %dma_wait3A_847 = tpu.memref_slice %arg4[%add3A_844] : memref<204800xi32, #tpu.memory_space<hbm>> -> memref<128xi32, #tpu.memory_space<hbm>>
    %dma_wait3A_848 = arith.constant 5632 : i32
    %dma_wait3A_849 = tpu.memref_slice %arg21[%dma_wait3A_848] : memref<6400xi32, #tpu.memory_space<vmem>> -> memref<128xi32, #tpu.memory_space<vmem>>
    %dma_wait3A_850 = tpu.memref_slice %arg4[%add3A_844] : memref<204800xi32, #tpu.memory_space<hbm>> -> memref<128xi32, #tpu.memory_space<hbm>>
    tpu.wait_dma2 semaphore(%arg35 : memref<!tpu.dma_semaphore, #tpu.memory_space<semaphore_mem>>) src(%dma_wait3A_850 : memref<128xi32, #tpu.memory_space<hbm>>) dst(%dma_wait3A_849 : memref<128xi32, #tpu.memory_space<vmem>>)
    %add3A_851 = arith.constant 184320 : i32
    %add3A_852 = arith.addi %add3A_851, %mul3A_2 : i32
    %dma_wait3A_853 = arith.constant 5760 : i32
    %dma_wait3A_854 = tpu.memref_slice %arg21[%dma_wait3A_853] : memref<6400xi32, #tpu.memory_space<vmem>> -> memref<128xi32, #tpu.memory_space<vmem>>
    %dma_wait3A_855 = tpu.memref_slice %arg4[%add3A_852] : memref<204800xi32, #tpu.memory_space<hbm>> -> memref<128xi32, #tpu.memory_space<hbm>>
    %dma_wait3A_856 = arith.constant 5760 : i32
    %dma_wait3A_857 = tpu.memref_slice %arg21[%dma_wait3A_856] : memref<6400xi32, #tpu.memory_space<vmem>> -> memref<128xi32, #tpu.memory_space<vmem>>
    %dma_wait3A_858 = tpu.memref_slice %arg4[%add3A_852] : memref<204800xi32, #tpu.memory_space<hbm>> -> memref<128xi32, #tpu.memory_space<hbm>>
    tpu.wait_dma2 semaphore(%arg35 : memref<!tpu.dma_semaphore, #tpu.memory_space<semaphore_mem>>) src(%dma_wait3A_858 : memref<128xi32, #tpu.memory_space<hbm>>) dst(%dma_wait3A_857 : memref<128xi32, #tpu.memory_space<vmem>>)
    %add3A_859 = arith.constant 188416 : i32
    %add3A_860 = arith.addi %add3A_859, %mul3A_2 : i32
    %dma_wait3A_861 = arith.constant 5888 : i32
    %dma_wait3A_862 = tpu.memref_slice %arg21[%dma_wait3A_861] : memref<6400xi32, #tpu.memory_space<vmem>> -> memref<128xi32, #tpu.memory_space<vmem>>
    %dma_wait3A_863 = tpu.memref_slice %arg4[%add3A_860] : memref<204800xi32, #tpu.memory_space<hbm>> -> memref<128xi32, #tpu.memory_space<hbm>>
    %dma_wait3A_864 = arith.constant 5888 : i32
    %dma_wait3A_865 = tpu.memref_slice %arg21[%dma_wait3A_864] : memref<6400xi32, #tpu.memory_space<vmem>> -> memref<128xi32, #tpu.memory_space<vmem>>
    %dma_wait3A_866 = tpu.memref_slice %arg4[%add3A_860] : memref<204800xi32, #tpu.memory_space<hbm>> -> memref<128xi32, #tpu.memory_space<hbm>>
    tpu.wait_dma2 semaphore(%arg35 : memref<!tpu.dma_semaphore, #tpu.memory_space<semaphore_mem>>) src(%dma_wait3A_866 : memref<128xi32, #tpu.memory_space<hbm>>) dst(%dma_wait3A_865 : memref<128xi32, #tpu.memory_space<vmem>>)
    %add3A_867 = arith.constant 192512 : i32
    %add3A_868 = arith.addi %add3A_867, %mul3A_2 : i32
    %dma_wait3A_869 = arith.constant 6016 : i32
    %dma_wait3A_870 = tpu.memref_slice %arg21[%dma_wait3A_869] : memref<6400xi32, #tpu.memory_space<vmem>> -> memref<128xi32, #tpu.memory_space<vmem>>
    %dma_wait3A_871 = tpu.memref_slice %arg4[%add3A_868] : memref<204800xi32, #tpu.memory_space<hbm>> -> memref<128xi32, #tpu.memory_space<hbm>>
    %dma_wait3A_872 = arith.constant 6016 : i32
    %dma_wait3A_873 = tpu.memref_slice %arg21[%dma_wait3A_872] : memref<6400xi32, #tpu.memory_space<vmem>> -> memref<128xi32, #tpu.memory_space<vmem>>
    %dma_wait3A_874 = tpu.memref_slice %arg4[%add3A_868] : memref<204800xi32, #tpu.memory_space<hbm>> -> memref<128xi32, #tpu.memory_space<hbm>>
    tpu.wait_dma2 semaphore(%arg35 : memref<!tpu.dma_semaphore, #tpu.memory_space<semaphore_mem>>) src(%dma_wait3A_874 : memref<128xi32, #tpu.memory_space<hbm>>) dst(%dma_wait3A_873 : memref<128xi32, #tpu.memory_space<vmem>>)
    %add3A_875 = arith.constant 196608 : i32
    %add3A_876 = arith.addi %add3A_875, %mul3A_2 : i32
    %dma_wait3A_877 = arith.constant 6144 : i32
    %dma_wait3A_878 = tpu.memref_slice %arg21[%dma_wait3A_877] : memref<6400xi32, #tpu.memory_space<vmem>> -> memref<128xi32, #tpu.memory_space<vmem>>
    %dma_wait3A_879 = tpu.memref_slice %arg4[%add3A_876] : memref<204800xi32, #tpu.memory_space<hbm>> -> memref<128xi32, #tpu.memory_space<hbm>>
    %dma_wait3A_880 = arith.constant 6144 : i32
    %dma_wait3A_881 = tpu.memref_slice %arg21[%dma_wait3A_880] : memref<6400xi32, #tpu.memory_space<vmem>> -> memref<128xi32, #tpu.memory_space<vmem>>
    %dma_wait3A_882 = tpu.memref_slice %arg4[%add3A_876] : memref<204800xi32, #tpu.memory_space<hbm>> -> memref<128xi32, #tpu.memory_space<hbm>>
    tpu.wait_dma2 semaphore(%arg35 : memref<!tpu.dma_semaphore, #tpu.memory_space<semaphore_mem>>) src(%dma_wait3A_882 : memref<128xi32, #tpu.memory_space<hbm>>) dst(%dma_wait3A_881 : memref<128xi32, #tpu.memory_space<vmem>>)
    %add3A_883 = arith.constant 200704 : i32
    %add3A_884 = arith.addi %add3A_883, %mul3A_2 : i32
    %dma_wait3A_885 = arith.constant 6272 : i32
    %dma_wait3A_886 = tpu.memref_slice %arg21[%dma_wait3A_885] : memref<6400xi32, #tpu.memory_space<vmem>> -> memref<128xi32, #tpu.memory_space<vmem>>
    %dma_wait3A_887 = tpu.memref_slice %arg4[%add3A_884] : memref<204800xi32, #tpu.memory_space<hbm>> -> memref<128xi32, #tpu.memory_space<hbm>>
    %dma_wait3A_888 = arith.constant 6272 : i32
    %dma_wait3A_889 = tpu.memref_slice %arg21[%dma_wait3A_888] : memref<6400xi32, #tpu.memory_space<vmem>> -> memref<128xi32, #tpu.memory_space<vmem>>
    %dma_wait3A_890 = tpu.memref_slice %arg4[%add3A_884] : memref<204800xi32, #tpu.memory_space<hbm>> -> memref<128xi32, #tpu.memory_space<hbm>>
    tpu.wait_dma2 semaphore(%arg35 : memref<!tpu.dma_semaphore, #tpu.memory_space<semaphore_mem>>) src(%dma_wait3A_890 : memref<128xi32, #tpu.memory_space<hbm>>) dst(%dma_wait3A_889 : memref<128xi32, #tpu.memory_space<vmem>>)
    %dma_start3A_891 = arith.constant 0 : i32
    %dma_start3A_892 = tpu.memref_slice %arg21[%dma_start3A_891] : memref<6400xi32, #tpu.memory_space<vmem>> -> memref<128xi32, #tpu.memory_space<vmem>>
    %dma_start3A_893 = arith.constant 0 : i32
    %dma_start3A_894 = arith.constant 0 : i32
    %dma_start3A_895 = tpu.memref_slice %arg9[%dma_start3A_893, %dma_start3A_894] : memref<100000x128xf32, #tpu.memory_space<hbm>> -> memref<100000x128xf32, #tpu.memory_space<hbm>>
    tpu.enqueue_indirect_dma source(%dma_start3A_895 : memref<100000x128xf32, #tpu.memory_space<hbm>>) target(%arg23 : memref<128x128xf32, #tpu.memory_space<vmem>>) offsets(%dma_start3A_892 : memref<128xi32, #tpu.memory_space<vmem>>) semaphore(%arg27 : memref<!tpu.dma_semaphore, #tpu.memory_space<semaphore_mem>>)
    %dma_start3A_896 = arith.constant 0 : i32
    %dma_start3A_897 = tpu.memref_slice %arg21[%dma_start3A_896] : memref<6400xi32, #tpu.memory_space<vmem>> -> memref<128xi32, #tpu.memory_space<vmem>>
    %dma_start3A_898 = arith.constant 0 : i32
    %dma_start3A_899 = arith.constant 0 : i32
    %dma_start3A_900 = tpu.memref_slice %arg10[%dma_start3A_898, %dma_start3A_899] : memref<100000x128xf32, #tpu.memory_space<hbm>> -> memref<100000x128xf32, #tpu.memory_space<hbm>>
    tpu.enqueue_indirect_dma source(%dma_start3A_900 : memref<100000x128xf32, #tpu.memory_space<hbm>>) target(%arg25 : memref<128x128xf32, #tpu.memory_space<vmem>>) offsets(%dma_start3A_897 : memref<128xi32, #tpu.memory_space<vmem>>) semaphore(%arg29 : memref<!tpu.dma_semaphore, #tpu.memory_space<semaphore_mem>>)
    %scan3A = arith.constant 0 : i32
    %scan3A_901 = arith.constant 0 : i32
    %scan3A_902 = arith.constant 25 : i32
    %scan3A_903 = arith.addi %scan3A_901, %scan3A_902 : i32
    %scan3A_904 = arith.constant 1 : i32
    scf.for %scan3A_916 = %scan3A_901 to %scan3A_903 step %scan3A_904  : i32 {
      %mul3A_917 = arith.constant 2 : i32
      %mul3A_918 = arith.muli %scan3A_916, %mul3A_917 : i32
      %add3A_919 = arith.constant 0 : i32
      %add3A_920 = arith.addi %mul3A_918, %add3A_919 : i32
      %mul3A_921 = arith.constant 4096 : i32
      %mul3A_922 = arith.muli %add3A_920, %mul3A_921 : i32
      %add3A_923 = arith.addi %mul3A_922, %mul3A_2 : i32
      %mul3A_924 = arith.constant 128 : i32
      %mul3A_925 = arith.muli %add3A_920, %mul3A_924 : i32
      %dma_wait3A_926 = tpu.memref_slice %arg21[%mul3A_925] : memref<6400xi32, #tpu.memory_space<vmem>> -> memref<128xi32, #tpu.memory_space<vmem>>
      %dma_wait3A_927 = arith.constant 0 : i32
      %dma_wait3A_928 = arith.constant 0 : i32
      %dma_wait3A_929 = tpu.memref_slice %arg9[%dma_wait3A_927, %dma_wait3A_928] : memref<100000x128xf32, #tpu.memory_space<hbm>> -> memref<100000x128xf32, #tpu.memory_space<hbm>>
      tpu.wait_indirect_dma semaphore(%arg27 : memref<!tpu.dma_semaphore, #tpu.memory_space<semaphore_mem>>) src(%dma_wait3A_929 : memref<100000x128xf32, #tpu.memory_space<hbm>>) dst(%arg23 : memref<128x128xf32, #tpu.memory_space<vmem>>)
      %dma_start3A_930 = arith.constant 0 : i32
      %dma_start3A_931 = tpu.memref_slice %arg17[%add3A_923, %dma_start3A_930] : memref<204800x128xf32, #tpu.memory_space<hbm>> -> memref<128x128xf32, #tpu.memory_space<hbm>>
      %dma_start3A_932 = arith.constant 0 : i32
      %dma_start3A_933 = tpu.memref_slice %arg17[%add3A_923, %dma_start3A_932] : memref<204800x128xf32, #tpu.memory_space<hbm>> -> memref<128x128xf32, #tpu.memory_space<hbm>>
      tpu.enqueue_dma source(%arg23 : memref<128x128xf32, #tpu.memory_space<vmem>>) target(%dma_start3A_933 : memref<128x128xf32, #tpu.memory_space<hbm>>) target_semaphore(%arg31 : memref<!tpu.dma_semaphore, #tpu.memory_space<semaphore_mem>>)
      %mul3A_934 = arith.constant 128 : i32
      %mul3A_935 = arith.muli %add3A_920, %mul3A_934 : i32
      %dma_wait3A_936 = tpu.memref_slice %arg21[%mul3A_935] : memref<6400xi32, #tpu.memory_space<vmem>> -> memref<128xi32, #tpu.memory_space<vmem>>
      %dma_wait3A_937 = arith.constant 0 : i32
      %dma_wait3A_938 = arith.constant 0 : i32
      %dma_wait3A_939 = tpu.memref_slice %arg10[%dma_wait3A_937, %dma_wait3A_938] : memref<100000x128xf32, #tpu.memory_space<hbm>> -> memref<100000x128xf32, #tpu.memory_space<hbm>>
      tpu.wait_indirect_dma semaphore(%arg29 : memref<!tpu.dma_semaphore, #tpu.memory_space<semaphore_mem>>) src(%dma_wait3A_939 : memref<100000x128xf32, #tpu.memory_space<hbm>>) dst(%arg25 : memref<128x128xf32, #tpu.memory_space<vmem>>)
      %gt3A = arith.constant 0 : i32
      %gt3A_940 = arith.cmpi sgt, %scan3A_916, %gt3A : i32
      %convert_element_type3A = arith.extui %gt3A_940 : i1 to i32
      %cond3A = arith.constant 0 : i32
      %cond3A_941 = arith.cmpi ne, %convert_element_type3A, %cond3A : i32
      scf.if %cond3A_941 {
        %sub3A_1010 = arith.constant 4096 : i32
        %sub3A_1011 = arith.subi %add3A_923, %sub3A_1010 : i32
        %dma_wait3A_1012 = arith.constant 0 : i32
        %dma_wait3A_1013 = tpu.memref_slice %arg17[%sub3A_1011, %dma_wait3A_1012] : memref<204800x128xf32, #tpu.memory_space<hbm>> -> memref<128x128xf32, #tpu.memory_space<hbm>>
        %dma_wait3A_1014 = arith.constant 0 : i32
        %dma_wait3A_1015 = tpu.memref_slice %arg17[%sub3A_1011, %dma_wait3A_1014] : memref<204800x128xf32, #tpu.memory_space<hbm>> -> memref<128x128xf32, #tpu.memory_space<hbm>>
        tpu.wait_dma2 semaphore(%arg32 : memref<!tpu.dma_semaphore, #tpu.memory_space<semaphore_mem>>) src(%arg24 : memref<128x128xf32, #tpu.memory_space<vmem>>) dst(%dma_wait3A_1015 : memref<128x128xf32, #tpu.memory_space<hbm>>)
        %dma_wait3A_1016 = arith.constant 0 : i32
        %dma_wait3A_1017 = tpu.memref_slice %arg18[%sub3A_1011, %dma_wait3A_1016] : memref<204800x128xf32, #tpu.memory_space<hbm>> -> memref<128x128xf32, #tpu.memory_space<hbm>>
        %dma_wait3A_1018 = arith.constant 0 : i32
        %dma_wait3A_1019 = tpu.memref_slice %arg18[%sub3A_1011, %dma_wait3A_1018] : memref<204800x128xf32, #tpu.memory_space<hbm>> -> memref<128x128xf32, #tpu.memory_space<hbm>>
        tpu.wait_dma2 semaphore(%arg34 : memref<!tpu.dma_semaphore, #tpu.memory_space<semaphore_mem>>) src(%arg26 : memref<128x128xf32, #tpu.memory_space<vmem>>) dst(%dma_wait3A_1019 : memref<128x128xf32, #tpu.memory_space<hbm>>)
      } else {
      }
      %add3A_942 = arith.constant 1 : i32
      %add3A_943 = arith.addi %add3A_920, %add3A_942 : i32
      %mul3A_944 = arith.constant 128 : i32
      %mul3A_945 = arith.muli %add3A_943, %mul3A_944 : i32
      %dma_start3A_946 = tpu.memref_slice %arg21[%mul3A_945] : memref<6400xi32, #tpu.memory_space<vmem>> -> memref<128xi32, #tpu.memory_space<vmem>>
      %dma_start3A_947 = arith.constant 0 : i32
      %dma_start3A_948 = arith.constant 0 : i32
      %dma_start3A_949 = tpu.memref_slice %arg9[%dma_start3A_947, %dma_start3A_948] : memref<100000x128xf32, #tpu.memory_space<hbm>> -> memref<100000x128xf32, #tpu.memory_space<hbm>>
      tpu.enqueue_indirect_dma source(%dma_start3A_949 : memref<100000x128xf32, #tpu.memory_space<hbm>>) target(%arg24 : memref<128x128xf32, #tpu.memory_space<vmem>>) offsets(%dma_start3A_946 : memref<128xi32, #tpu.memory_space<vmem>>) semaphore(%arg28 : memref<!tpu.dma_semaphore, #tpu.memory_space<semaphore_mem>>)
      %dma_start3A_950 = tpu.memref_slice %arg21[%mul3A_945] : memref<6400xi32, #tpu.memory_space<vmem>> -> memref<128xi32, #tpu.memory_space<vmem>>
      %dma_start3A_951 = arith.constant 0 : i32
      %dma_start3A_952 = arith.constant 0 : i32
      %dma_start3A_953 = tpu.memref_slice %arg10[%dma_start3A_951, %dma_start3A_952] : memref<100000x128xf32, #tpu.memory_space<hbm>> -> memref<100000x128xf32, #tpu.memory_space<hbm>>
      tpu.enqueue_indirect_dma source(%dma_start3A_953 : memref<100000x128xf32, #tpu.memory_space<hbm>>) target(%arg26 : memref<128x128xf32, #tpu.memory_space<vmem>>) offsets(%dma_start3A_950 : memref<128xi32, #tpu.memory_space<vmem>>) semaphore(%arg30 : memref<!tpu.dma_semaphore, #tpu.memory_space<semaphore_mem>>)
      %scan3A_954 = arith.constant 0 : i32
      %scan3A_955 = arith.constant 0 : i32
      %scan3A_956 = arith.constant 128 : i32
      %scan3A_957 = arith.addi %scan3A_955, %scan3A_956 : i32
      %scan3A_958 = arith.constant 1 : i32
      scf.for %scan3A_1010 = %scan3A_955 to %scan3A_957 step %scan3A_958  : i32 {
        %get3A = arith.index_cast %scan3A_1010 : i32 to index
        %get3A_1011 = arith.constant 0 : index
        %get3A_1012 = tpu.vector_load %arg25[%get3A, %get3A_1011] {strides = array<i32>} : memref<128x128xf32, #tpu.memory_space<vmem>>, vector<1x16xf32>,
        %get3A_1013 = vector.shape_cast %get3A_1012 : vector<1x16xf32> to vector<16xf32>
        %get3A_1014 = arith.index_cast %scan3A_1010 : i32 to index
        %get3A_1015 = arith.constant 0 : index
        %get3A_1016 = tpu.vector_load %arg22[%get3A_1014, %get3A_1015] {strides = array<i32>} : memref<128x128xf32, #tpu.memory_space<vmem>>, vector<1x16xf32>,
        %get3A_1017 = vector.shape_cast %get3A_1016 : vector<1x16xf32> to vector<16xf32>
        %mul3A_1018 = arith.mulf %get3A_1013, %get3A_1017 : vector<16xf32>
        %swap3A = arith.index_cast %scan3A_1010 : i32 to index
        %swap3A_1019 = arith.constant 0 : index
        %swap3A_1020 = tpu.vector_load %arg25[%swap3A, %swap3A_1019] {strides = array<i32>} : memref<128x128xf32, #tpu.memory_space<vmem>>, vector<1x16xf32>,
        %swap3A_1021 = vector.shape_cast %swap3A_1020 : vector<1x16xf32> to vector<16xf32>
        %swap3A_1022 = vector.shape_cast %mul3A_1018 : vector<16xf32> to vector<1x16xf32>
        tpu.vector_store %arg25[%swap3A, %swap3A_1019], %swap3A_1022 {strides = array<i32>} : memref<128x128xf32, #tpu.memory_space<vmem>>, vector<1x16xf32>,
        %get3A_1023 = arith.index_cast %scan3A_1010 : i32 to index
        %get3A_1024 = arith.constant 16 : index
        %get3A_1025 = tpu.vector_load %arg25[%get3A_1023, %get3A_1024] {strides = array<i32>} : memref<128x128xf32, #tpu.memory_space<vmem>>, vector<1x16xf32>,
        %get3A_1026 = vector.shape_cast %get3A_1025 : vector<1x16xf32> to vector<16xf32>
        %get3A_1027 = arith.index_cast %scan3A_1010 : i32 to index
        %get3A_1028 = arith.constant 16 : index
        %get3A_1029 = tpu.vector_load %arg22[%get3A_1027, %get3A_1028] {strides = array<i32>} : memref<128x128xf32, #tpu.memory_space<vmem>>, vector<1x16xf32>,
        %get3A_1030 = vector.shape_cast %get3A_1029 : vector<1x16xf32> to vector<16xf32>
        %mul3A_1031 = arith.mulf %get3A_1026, %get3A_1030 : vector<16xf32>
        %swap3A_1032 = arith.index_cast %scan3A_1010 : i32 to index
        %swap3A_1033 = arith.constant 16 : index
        %swap3A_1034 = tpu.vector_load %arg25[%swap3A_1032, %swap3A_1033] {strides = array<i32>} : memref<128x128xf32, #tpu.memory_space<vmem>>, vector<1x16xf32>,
        %swap3A_1035 = vector.shape_cast %swap3A_1034 : vector<1x16xf32> to vector<16xf32>
        %swap3A_1036 = vector.shape_cast %mul3A_1031 : vector<16xf32> to vector<1x16xf32>
        tpu.vector_store %arg25[%swap3A_1032, %swap3A_1033], %swap3A_1036 {strides = array<i32>} : memref<128x128xf32, #tpu.memory_space<vmem>>, vector<1x16xf32>,
        %get3A_1037 = arith.index_cast %scan3A_1010 : i32 to index
        %get3A_1038 = arith.constant 32 : index
        %get3A_1039 = tpu.vector_load %arg25[%get3A_1037, %get3A_1038] {strides = array<i32>} : memref<128x128xf32, #tpu.memory_space<vmem>>, vector<1x16xf32>,
        %get3A_1040 = vector.shape_cast %get3A_1039 : vector<1x16xf32> to vector<16xf32>
        %get3A_1041 = arith.index_cast %scan3A_1010 : i32 to index
        %get3A_1042 = arith.constant 32 : index
        %get3A_1043 = tpu.vector_load %arg22[%get3A_1041, %get3A_1042] {strides = array<i32>} : memref<128x128xf32, #tpu.memory_space<vmem>>, vector<1x16xf32>,
        %get3A_1044 = vector.shape_cast %get3A_1043 : vector<1x16xf32> to vector<16xf32>
        %mul3A_1045 = arith.mulf %get3A_1040, %get3A_1044 : vector<16xf32>
        %swap3A_1046 = arith.index_cast %scan3A_1010 : i32 to index
        %swap3A_1047 = arith.constant 32 : index
        %swap3A_1048 = tpu.vector_load %arg25[%swap3A_1046, %swap3A_1047] {strides = array<i32>} : memref<128x128xf32, #tpu.memory_space<vmem>>, vector<1x16xf32>,
        %swap3A_1049 = vector.shape_cast %swap3A_1048 : vector<1x16xf32> to vector<16xf32>
        %swap3A_1050 = vector.shape_cast %mul3A_1045 : vector<16xf32> to vector<1x16xf32>
        tpu.vector_store %arg25[%swap3A_1046, %swap3A_1047], %swap3A_1050 {strides = array<i32>} : memref<128x128xf32, #tpu.memory_space<vmem>>, vector<1x16xf32>,
        %get3A_1051 = arith.index_cast %scan3A_1010 : i32 to index
        %get3A_1052 = arith.constant 48 : index
        %get3A_1053 = tpu.vector_load %arg25[%get3A_1051, %get3A_1052] {strides = array<i32>} : memref<128x128xf32, #tpu.memory_space<vmem>>, vector<1x16xf32>,
        %get3A_1054 = vector.shape_cast %get3A_1053 : vector<1x16xf32> to vector<16xf32>
        %get3A_1055 = arith.index_cast %scan3A_1010 : i32 to index
        %get3A_1056 = arith.constant 48 : index
        %get3A_1057 = tpu.vector_load %arg22[%get3A_1055, %get3A_1056] {strides = array<i32>} : memref<128x128xf32, #tpu.memory_space<vmem>>, vector<1x16xf32>,
        %get3A_1058 = vector.shape_cast %get3A_1057 : vector<1x16xf32> to vector<16xf32>
        %mul3A_1059 = arith.mulf %get3A_1054, %get3A_1058 : vector<16xf32>
        %swap3A_1060 = arith.index_cast %scan3A_1010 : i32 to index
        %swap3A_1061 = arith.constant 48 : index
        %swap3A_1062 = tpu.vector_load %arg25[%swap3A_1060, %swap3A_1061] {strides = array<i32>} : memref<128x128xf32, #tpu.memory_space<vmem>>, vector<1x16xf32>,
        %swap3A_1063 = vector.shape_cast %swap3A_1062 : vector<1x16xf32> to vector<16xf32>
        %swap3A_1064 = vector.shape_cast %mul3A_1059 : vector<16xf32> to vector<1x16xf32>
        tpu.vector_store %arg25[%swap3A_1060, %swap3A_1061], %swap3A_1064 {strides = array<i32>} : memref<128x128xf32, #tpu.memory_space<vmem>>, vector<1x16xf32>,
        %get3A_1065 = arith.index_cast %scan3A_1010 : i32 to index
        %get3A_1066 = arith.constant 64 : index
        %get3A_1067 = tpu.vector_load %arg25[%get3A_1065, %get3A_1066] {strides = array<i32>} : memref<128x128xf32, #tpu.memory_space<vmem>>, vector<1x16xf32>,
        %get3A_1068 = vector.shape_cast %get3A_1067 : vector<1x16xf32> to vector<16xf32>
        %get3A_1069 = arith.index_cast %scan3A_1010 : i32 to index
        %get3A_1070 = arith.constant 64 : index
        %get3A_1071 = tpu.vector_load %arg22[%get3A_1069, %get3A_1070] {strides = array<i32>} : memref<128x128xf32, #tpu.memory_space<vmem>>, vector<1x16xf32>,
        %get3A_1072 = vector.shape_cast %get3A_1071 : vector<1x16xf32> to vector<16xf32>
        %mul3A_1073 = arith.mulf %get3A_1068, %get3A_1072 : vector<16xf32>
        %swap3A_1074 = arith.index_cast %scan3A_1010 : i32 to index
        %swap3A_1075 = arith.constant 64 : index
        %swap3A_1076 = tpu.vector_load %arg25[%swap3A_1074, %swap3A_1075] {strides = array<i32>} : memref<128x128xf32, #tpu.memory_space<vmem>>, vector<1x16xf32>,
        %swap3A_1077 = vector.shape_cast %swap3A_1076 : vector<1x16xf32> to vector<16xf32>
        %swap3A_1078 = vector.shape_cast %mul3A_1073 : vector<16xf32> to vector<1x16xf32>
        tpu.vector_store %arg25[%swap3A_1074, %swap3A_1075], %swap3A_1078 {strides = array<i32>} : memref<128x128xf32, #tpu.memory_space<vmem>>, vector<1x16xf32>,
        %get3A_1079 = arith.index_cast %scan3A_1010 : i32 to index
        %get3A_1080 = arith.constant 80 : index
        %get3A_1081 = tpu.vector_load %arg25[%get3A_1079, %get3A_1080] {strides = array<i32>} : memref<128x128xf32, #tpu.memory_space<vmem>>, vector<1x16xf32>,
        %get3A_1082 = vector.shape_cast %get3A_1081 : vector<1x16xf32> to vector<16xf32>
        %get3A_1083 = arith.index_cast %scan3A_1010 : i32 to index
        %get3A_1084 = arith.constant 80 : index
        %get3A_1085 = tpu.vector_load %arg22[%get3A_1083, %get3A_1084] {strides = array<i32>} : memref<128x128xf32, #tpu.memory_space<vmem>>, vector<1x16xf32>,
        %get3A_1086 = vector.shape_cast %get3A_1085 : vector<1x16xf32> to vector<16xf32>
        %mul3A_1087 = arith.mulf %get3A_1082, %get3A_1086 : vector<16xf32>
        %swap3A_1088 = arith.index_cast %scan3A_1010 : i32 to index
        %swap3A_1089 = arith.constant 80 : index
        %swap3A_1090 = tpu.vector_load %arg25[%swap3A_1088, %swap3A_1089] {strides = array<i32>} : memref<128x128xf32, #tpu.memory_space<vmem>>, vector<1x16xf32>,
        %swap3A_1091 = vector.shape_cast %swap3A_1090 : vector<1x16xf32> to vector<16xf32>
        %swap3A_1092 = vector.shape_cast %mul3A_1087 : vector<16xf32> to vector<1x16xf32>
        tpu.vector_store %arg25[%swap3A_1088, %swap3A_1089], %swap3A_1092 {strides = array<i32>} : memref<128x128xf32, #tpu.memory_space<vmem>>, vector<1x16xf32>,
        %get3A_1093 = arith.index_cast %scan3A_1010 : i32 to index
        %get3A_1094 = arith.constant 96 : index
        %get3A_1095 = tpu.vector_load %arg25[%get3A_1093, %get3A_1094] {strides = array<i32>} : memref<128x128xf32, #tpu.memory_space<vmem>>, vector<1x16xf32>,
        %get3A_1096 = vector.shape_cast %get3A_1095 : vector<1x16xf32> to vector<16xf32>
        %get3A_1097 = arith.index_cast %scan3A_1010 : i32 to index
        %get3A_1098 = arith.constant 96 : index
        %get3A_1099 = tpu.vector_load %arg22[%get3A_1097, %get3A_1098] {strides = array<i32>} : memref<128x128xf32, #tpu.memory_space<vmem>>, vector<1x16xf32>,
        %get3A_1100 = vector.shape_cast %get3A_1099 : vector<1x16xf32> to vector<16xf32>
        %mul3A_1101 = arith.mulf %get3A_1096, %get3A_1100 : vector<16xf32>
        %swap3A_1102 = arith.index_cast %scan3A_1010 : i32 to index
        %swap3A_1103 = arith.constant 96 : index
        %swap3A_1104 = tpu.vector_load %arg25[%swap3A_1102, %swap3A_1103] {strides = array<i32>} : memref<128x128xf32, #tpu.memory_space<vmem>>, vector<1x16xf32>,
        %swap3A_1105 = vector.shape_cast %swap3A_1104 : vector<1x16xf32> to vector<16xf32>
        %swap3A_1106 = vector.shape_cast %mul3A_1101 : vector<16xf32> to vector<1x16xf32>
        tpu.vector_store %arg25[%swap3A_1102, %swap3A_1103], %swap3A_1106 {strides = array<i32>} : memref<128x128xf32, #tpu.memory_space<vmem>>, vector<1x16xf32>,
        %get3A_1107 = arith.index_cast %scan3A_1010 : i32 to index
        %get3A_1108 = arith.constant 112 : index
        %get3A_1109 = tpu.vector_load %arg25[%get3A_1107, %get3A_1108] {strides = array<i32>} : memref<128x128xf32, #tpu.memory_space<vmem>>, vector<1x16xf32>,
        %get3A_1110 = vector.shape_cast %get3A_1109 : vector<1x16xf32> to vector<16xf32>
        %get3A_1111 = arith.index_cast %scan3A_1010 : i32 to index
        %get3A_1112 = arith.constant 112 : index
        %get3A_1113 = tpu.vector_load %arg22[%get3A_1111, %get3A_1112] {strides = array<i32>} : memref<128x128xf32, #tpu.memory_space<vmem>>, vector<1x16xf32>,
        %get3A_1114 = vector.shape_cast %get3A_1113 : vector<1x16xf32> to vector<16xf32>
        %mul3A_1115 = arith.mulf %get3A_1110, %get3A_1114 : vector<16xf32>
        %swap3A_1116 = arith.index_cast %scan3A_1010 : i32 to index
        %swap3A_1117 = arith.constant 112 : index
        %swap3A_1118 = tpu.vector_load %arg25[%swap3A_1116, %swap3A_1117] {strides = array<i32>} : memref<128x128xf32, #tpu.memory_space<vmem>>, vector<1x16xf32>,
        %swap3A_1119 = vector.shape_cast %swap3A_1118 : vector<1x16xf32> to vector<16xf32>
        %swap3A_1120 = vector.shape_cast %mul3A_1115 : vector<16xf32> to vector<1x16xf32>
        tpu.vector_store %arg25[%swap3A_1116, %swap3A_1117], %swap3A_1120 {strides = array<i32>} : memref<128x128xf32, #tpu.memory_space<vmem>>, vector<1x16xf32>,
      }
      %scan3A_959 = arith.constant 128 : i32
      %dma_start3A_960 = arith.constant 0 : i32
      %dma_start3A_961 = tpu.memref_slice %arg18[%add3A_923, %dma_start3A_960] : memref<204800x128xf32, #tpu.memory_space<hbm>> -> memref<128x128xf32, #tpu.memory_space<hbm>>
      %dma_start3A_962 = arith.constant 0 : i32
      %dma_start3A_963 = tpu.memref_slice %arg18[%add3A_923, %dma_start3A_962] : memref<204800x128xf32, #tpu.memory_space<hbm>> -> memref<128x128xf32, #tpu.memory_space<hbm>>
      tpu.enqueue_dma source(%arg25 : memref<128x128xf32, #tpu.memory_space<vmem>>) target(%dma_start3A_963 : memref<128x128xf32, #tpu.memory_space<hbm>>) target_semaphore(%arg33 : memref<!tpu.dma_semaphore, #tpu.memory_space<semaphore_mem>>)
      %mul3A_964 = arith.constant 2 : i32
      %mul3A_965 = arith.muli %scan3A_916, %mul3A_964 : i32
      %add3A_966 = arith.constant 1 : i32
      %add3A_967 = arith.addi %mul3A_965, %add3A_966 : i32
      %mul3A_968 = arith.constant 4096 : i32
      %mul3A_969 = arith.muli %add3A_967, %mul3A_968 : i32
      %add3A_970 = arith.addi %mul3A_969, %mul3A_2 : i32
      %mul3A_971 = arith.constant 128 : i32
      %mul3A_972 = arith.muli %add3A_967, %mul3A_971 : i32
      %dma_wait3A_973 = tpu.memref_slice %arg21[%mul3A_972] : memref<6400xi32, #tpu.memory_space<vmem>> -> memref<128xi32, #tpu.memory_space<vmem>>
      %dma_wait3A_974 = arith.constant 0 : i32
      %dma_wait3A_975 = arith.constant 0 : i32
      %dma_wait3A_976 = tpu.memref_slice %arg9[%dma_wait3A_974, %dma_wait3A_975] : memref<100000x128xf32, #tpu.memory_space<hbm>> -> memref<100000x128xf32, #tpu.memory_space<hbm>>
      tpu.wait_indirect_dma semaphore(%arg28 : memref<!tpu.dma_semaphore, #tpu.memory_space<semaphore_mem>>) src(%dma_wait3A_976 : memref<100000x128xf32, #tpu.memory_space<hbm>>) dst(%arg24 : memref<128x128xf32, #tpu.memory_space<vmem>>)
      %dma_start3A_977 = arith.constant 0 : i32
      %dma_start3A_978 = tpu.memref_slice %arg17[%add3A_970, %dma_start3A_977] : memref<204800x128xf32, #tpu.memory_space<hbm>> -> memref<128x128xf32, #tpu.memory_space<hbm>>
      %dma_start3A_979 = arith.constant 0 : i32
      %dma_start3A_980 = tpu.memref_slice %arg17[%add3A_970, %dma_start3A_979] : memref<204800x128xf32, #tpu.memory_space<hbm>> -> memref<128x128xf32, #tpu.memory_space<hbm>>
      tpu.enqueue_dma source(%arg24 : memref<128x128xf32, #tpu.memory_space<vmem>>) target(%dma_start3A_980 : memref<128x128xf32, #tpu.memory_space<hbm>>) target_semaphore(%arg32 : memref<!tpu.dma_semaphore, #tpu.memory_space<semaphore_mem>>)
      %mul3A_981 = arith.constant 128 : i32
      %mul3A_982 = arith.muli %add3A_967, %mul3A_981 : i32
      %dma_wait3A_983 = tpu.memref_slice %arg21[%mul3A_982] : memref<6400xi32, #tpu.memory_space<vmem>> -> memref<128xi32, #tpu.memory_space<vmem>>
      %dma_wait3A_984 = arith.constant 0 : i32
      %dma_wait3A_985 = arith.constant 0 : i32
      %dma_wait3A_986 = tpu.memref_slice %arg10[%dma_wait3A_984, %dma_wait3A_985] : memref<100000x128xf32, #tpu.memory_space<hbm>> -> memref<100000x128xf32, #tpu.memory_space<hbm>>
      tpu.wait_indirect_dma semaphore(%arg30 : memref<!tpu.dma_semaphore, #tpu.memory_space<semaphore_mem>>) src(%dma_wait3A_986 : memref<100000x128xf32, #tpu.memory_space<hbm>>) dst(%arg26 : memref<128x128xf32, #tpu.memory_space<vmem>>)
      %sub3A = arith.constant 4096 : i32
      %sub3A_987 = arith.subi %add3A_970, %sub3A : i32
      %dma_wait3A_988 = arith.constant 0 : i32
      %dma_wait3A_989 = tpu.memref_slice %arg17[%sub3A_987, %dma_wait3A_988] : memref<204800x128xf32, #tpu.memory_space<hbm>> -> memref<128x128xf32, #tpu.memory_space<hbm>>
      %dma_wait3A_990 = arith.constant 0 : i32
      %dma_wait3A_991 = tpu.memref_slice %arg17[%sub3A_987, %dma_wait3A_990] : memref<204800x128xf32, #tpu.memory_space<hbm>> -> memref<128x128xf32, #tpu.memory_space<hbm>>
      tpu.wait_dma2 semaphore(%arg31 : memref<!tpu.dma_semaphore, #tpu.memory_space<semaphore_mem>>) src(%arg23 : memref<128x128xf32, #tpu.memory_space<vmem>>) dst(%dma_wait3A_991 : memref<128x128xf32, #tpu.memory_space<hbm>>)
      %dma_wait3A_992 = arith.constant 0 : i32
      %dma_wait3A_993 = tpu.memref_slice %arg18[%sub3A_987, %dma_wait3A_992] : memref<204800x128xf32, #tpu.memory_space<hbm>> -> memref<128x128xf32, #tpu.memory_space<hbm>>
      %dma_wait3A_994 = arith.constant 0 : i32
      %dma_wait3A_995 = tpu.memref_slice %arg18[%sub3A_987, %dma_wait3A_994] : memref<204800x128xf32, #tpu.memory_space<hbm>> -> memref<128x128xf32, #tpu.memory_space<hbm>>
      tpu.wait_dma2 semaphore(%arg33 : memref<!tpu.dma_semaphore, #tpu.memory_space<semaphore_mem>>) src(%arg25 : memref<128x128xf32, #tpu.memory_space<vmem>>) dst(%dma_wait3A_995 : memref<128x128xf32, #tpu.memory_space<hbm>>)
      %lt3A = arith.constant 24 : i32
      %lt3A_996 = arith.cmpi slt, %scan3A_916, %lt3A : i32
      %convert_element_type3A_997 = arith.extui %lt3A_996 : i1 to i32
      %cond3A_998 = arith.constant 0 : i32
      %cond3A_999 = arith.cmpi ne, %convert_element_type3A_997, %cond3A_998 : i32
      scf.if %cond3A_999 {
        %add3A_1010 = arith.constant 1 : i32
        %add3A_1011 = arith.addi %add3A_967, %add3A_1010 : i32
        %mul3A_1012 = arith.constant 128 : i32
        %mul3A_1013 = arith.muli %add3A_1011, %mul3A_1012 : i32
        %dma_start3A_1014 = tpu.memref_slice %arg21[%mul3A_1013] : memref<6400xi32, #tpu.memory_space<vmem>> -> memref<128xi32, #tpu.memory_space<vmem>>
        %dma_start3A_1015 = arith.constant 0 : i32
        %dma_start3A_1016 = arith.constant 0 : i32
        %dma_start3A_1017 = tpu.memref_slice %arg9[%dma_start3A_1015, %dma_start3A_1016] : memref<100000x128xf32, #tpu.memory_space<hbm>> -> memref<100000x128xf32, #tpu.memory_space<hbm>>
        tpu.enqueue_indirect_dma source(%dma_start3A_1017 : memref<100000x128xf32, #tpu.memory_space<hbm>>) target(%arg23 : memref<128x128xf32, #tpu.memory_space<vmem>>) offsets(%dma_start3A_1014 : memref<128xi32, #tpu.memory_space<vmem>>) semaphore(%arg27 : memref<!tpu.dma_semaphore, #tpu.memory_space<semaphore_mem>>)
        %dma_start3A_1018 = tpu.memref_slice %arg21[%mul3A_1013] : memref<6400xi32, #tpu.memory_space<vmem>> -> memref<128xi32, #tpu.memory_space<vmem>>
        %dma_start3A_1019 = arith.constant 0 : i32
        %dma_start3A_1020 = arith.constant 0 : i32
        %dma_start3A_1021 = tpu.memref_slice %arg10[%dma_start3A_1019, %dma_start3A_1020] : memref<100000x128xf32, #tpu.memory_space<hbm>> -> memref<100000x128xf32, #tpu.memory_space<hbm>>
        tpu.enqueue_indirect_dma source(%dma_start3A_1021 : memref<100000x128xf32, #tpu.memory_space<hbm>>) target(%arg25 : memref<128x128xf32, #tpu.memory_space<vmem>>) offsets(%dma_start3A_1018 : memref<128xi32, #tpu.memory_space<vmem>>) semaphore(%arg29 : memref<!tpu.dma_semaphore, #tpu.memory_space<semaphore_mem>>)
      } else {
      }
      %scan3A_1000 = arith.constant 0 : i32
      %scan3A_1001 = arith.constant 0 : i32
      %scan3A_1002 = arith.constant 128 : i32
      %scan3A_1003 = arith.addi %scan3A_1001, %scan3A_1002 : i32
      %scan3A_1004 = arith.constant 1 : i32
      scf.for %scan3A_1010 = %scan3A_1001 to %scan3A_1003 step %scan3A_1004  : i32 {
        %get3A = arith.index_cast %scan3A_1010 : i32 to index
        %get3A_1011 = arith.constant 0 : index
        %get3A_1012 = tpu.vector_load %arg26[%get3A, %get3A_1011] {strides = array<i32>} : memref<128x128xf32, #tpu.memory_space<vmem>>, vector<1x16xf32>,
        %get3A_1013 = vector.shape_cast %get3A_1012 : vector<1x16xf32> to vector<16xf32>
        %get3A_1014 = arith.index_cast %scan3A_1010 : i32 to index
        %get3A_1015 = arith.constant 0 : index
        %get3A_1016 = tpu.vector_load %arg22[%get3A_1014, %get3A_1015] {strides = array<i32>} : memref<128x128xf32, #tpu.memory_space<vmem>>, vector<1x16xf32>,
        %get3A_1017 = vector.shape_cast %get3A_1016 : vector<1x16xf32> to vector<16xf32>
        %mul3A_1018 = arith.mulf %get3A_1013, %get3A_1017 : vector<16xf32>
        %swap3A = arith.index_cast %scan3A_1010 : i32 to index
        %swap3A_1019 = arith.constant 0 : index
        %swap3A_1020 = tpu.vector_load %arg26[%swap3A, %swap3A_1019] {strides = array<i32>} : memref<128x128xf32, #tpu.memory_space<vmem>>, vector<1x16xf32>,
        %swap3A_1021 = vector.shape_cast %swap3A_1020 : vector<1x16xf32> to vector<16xf32>
        %swap3A_1022 = vector.shape_cast %mul3A_1018 : vector<16xf32> to vector<1x16xf32>
        tpu.vector_store %arg26[%swap3A, %swap3A_1019], %swap3A_1022 {strides = array<i32>} : memref<128x128xf32, #tpu.memory_space<vmem>>, vector<1x16xf32>,
        %get3A_1023 = arith.index_cast %scan3A_1010 : i32 to index
        %get3A_1024 = arith.constant 16 : index
        %get3A_1025 = tpu.vector_load %arg26[%get3A_1023, %get3A_1024] {strides = array<i32>} : memref<128x128xf32, #tpu.memory_space<vmem>>, vector<1x16xf32>,
        %get3A_1026 = vector.shape_cast %get3A_1025 : vector<1x16xf32> to vector<16xf32>
        %get3A_1027 = arith.index_cast %scan3A_1010 : i32 to index
        %get3A_1028 = arith.constant 16 : index
        %get3A_1029 = tpu.vector_load %arg22[%get3A_1027, %get3A_1028] {strides = array<i32>} : memref<128x128xf32, #tpu.memory_space<vmem>>, vector<1x16xf32>,
        %get3A_1030 = vector.shape_cast %get3A_1029 : vector<1x16xf32> to vector<16xf32>
        %mul3A_1031 = arith.mulf %get3A_1026, %get3A_1030 : vector<16xf32>
        %swap3A_1032 = arith.index_cast %scan3A_1010 : i32 to index
        %swap3A_1033 = arith.constant 16 : index
        %swap3A_1034 = tpu.vector_load %arg26[%swap3A_1032, %swap3A_1033] {strides = array<i32>} : memref<128x128xf32, #tpu.memory_space<vmem>>, vector<1x16xf32>,
        %swap3A_1035 = vector.shape_cast %swap3A_1034 : vector<1x16xf32> to vector<16xf32>
        %swap3A_1036 = vector.shape_cast %mul3A_1031 : vector<16xf32> to vector<1x16xf32>
        tpu.vector_store %arg26[%swap3A_1032, %swap3A_1033], %swap3A_1036 {strides = array<i32>} : memref<128x128xf32, #tpu.memory_space<vmem>>, vector<1x16xf32>,
        %get3A_1037 = arith.index_cast %scan3A_1010 : i32 to index
        %get3A_1038 = arith.constant 32 : index
        %get3A_1039 = tpu.vector_load %arg26[%get3A_1037, %get3A_1038] {strides = array<i32>} : memref<128x128xf32, #tpu.memory_space<vmem>>, vector<1x16xf32>,
        %get3A_1040 = vector.shape_cast %get3A_1039 : vector<1x16xf32> to vector<16xf32>
        %get3A_1041 = arith.index_cast %scan3A_1010 : i32 to index
        %get3A_1042 = arith.constant 32 : index
        %get3A_1043 = tpu.vector_load %arg22[%get3A_1041, %get3A_1042] {strides = array<i32>} : memref<128x128xf32, #tpu.memory_space<vmem>>, vector<1x16xf32>,
        %get3A_1044 = vector.shape_cast %get3A_1043 : vector<1x16xf32> to vector<16xf32>
        %mul3A_1045 = arith.mulf %get3A_1040, %get3A_1044 : vector<16xf32>
        %swap3A_1046 = arith.index_cast %scan3A_1010 : i32 to index
        %swap3A_1047 = arith.constant 32 : index
        %swap3A_1048 = tpu.vector_load %arg26[%swap3A_1046, %swap3A_1047] {strides = array<i32>} : memref<128x128xf32, #tpu.memory_space<vmem>>, vector<1x16xf32>,
        %swap3A_1049 = vector.shape_cast %swap3A_1048 : vector<1x16xf32> to vector<16xf32>
        %swap3A_1050 = vector.shape_cast %mul3A_1045 : vector<16xf32> to vector<1x16xf32>
        tpu.vector_store %arg26[%swap3A_1046, %swap3A_1047], %swap3A_1050 {strides = array<i32>} : memref<128x128xf32, #tpu.memory_space<vmem>>, vector<1x16xf32>,
        %get3A_1051 = arith.index_cast %scan3A_1010 : i32 to index
        %get3A_1052 = arith.constant 48 : index
        %get3A_1053 = tpu.vector_load %arg26[%get3A_1051, %get3A_1052] {strides = array<i32>} : memref<128x128xf32, #tpu.memory_space<vmem>>, vector<1x16xf32>,
        %get3A_1054 = vector.shape_cast %get3A_1053 : vector<1x16xf32> to vector<16xf32>
        %get3A_1055 = arith.index_cast %scan3A_1010 : i32 to index
        %get3A_1056 = arith.constant 48 : index
        %get3A_1057 = tpu.vector_load %arg22[%get3A_1055, %get3A_1056] {strides = array<i32>} : memref<128x128xf32, #tpu.memory_space<vmem>>, vector<1x16xf32>,
        %get3A_1058 = vector.shape_cast %get3A_1057 : vector<1x16xf32> to vector<16xf32>
        %mul3A_1059 = arith.mulf %get3A_1054, %get3A_1058 : vector<16xf32>
        %swap3A_1060 = arith.index_cast %scan3A_1010 : i32 to index
        %swap3A_1061 = arith.constant 48 : index
        %swap3A_1062 = tpu.vector_load %arg26[%swap3A_1060, %swap3A_1061] {strides = array<i32>} : memref<128x128xf32, #tpu.memory_space<vmem>>, vector<1x16xf32>,
        %swap3A_1063 = vector.shape_cast %swap3A_1062 : vector<1x16xf32> to vector<16xf32>
        %swap3A_1064 = vector.shape_cast %mul3A_1059 : vector<16xf32> to vector<1x16xf32>
        tpu.vector_store %arg26[%swap3A_1060, %swap3A_1061], %swap3A_1064 {strides = array<i32>} : memref<128x128xf32, #tpu.memory_space<vmem>>, vector<1x16xf32>,
        %get3A_1065 = arith.index_cast %scan3A_1010 : i32 to index
        %get3A_1066 = arith.constant 64 : index
        %get3A_1067 = tpu.vector_load %arg26[%get3A_1065, %get3A_1066] {strides = array<i32>} : memref<128x128xf32, #tpu.memory_space<vmem>>, vector<1x16xf32>,
        %get3A_1068 = vector.shape_cast %get3A_1067 : vector<1x16xf32> to vector<16xf32>
        %get3A_1069 = arith.index_cast %scan3A_1010 : i32 to index
        %get3A_1070 = arith.constant 64 : index
        %get3A_1071 = tpu.vector_load %arg22[%get3A_1069, %get3A_1070] {strides = array<i32>} : memref<128x128xf32, #tpu.memory_space<vmem>>, vector<1x16xf32>,
        %get3A_1072 = vector.shape_cast %get3A_1071 : vector<1x16xf32> to vector<16xf32>
        %mul3A_1073 = arith.mulf %get3A_1068, %get3A_1072 : vector<16xf32>
        %swap3A_1074 = arith.index_cast %scan3A_1010 : i32 to index
        %swap3A_1075 = arith.constant 64 : index
        %swap3A_1076 = tpu.vector_load %arg26[%swap3A_1074, %swap3A_1075] {strides = array<i32>} : memref<128x128xf32, #tpu.memory_space<vmem>>, vector<1x16xf32>,
        %swap3A_1077 = vector.shape_cast %swap3A_1076 : vector<1x16xf32> to vector<16xf32>
        %swap3A_1078 = vector.shape_cast %mul3A_1073 : vector<16xf32> to vector<1x16xf32>
        tpu.vector_store %arg26[%swap3A_1074, %swap3A_1075], %swap3A_1078 {strides = array<i32>} : memref<128x128xf32, #tpu.memory_space<vmem>>, vector<1x16xf32>,
        %get3A_1079 = arith.index_cast %scan3A_1010 : i32 to index
        %get3A_1080 = arith.constant 80 : index
        %get3A_1081 = tpu.vector_load %arg26[%get3A_1079, %get3A_1080] {strides = array<i32>} : memref<128x128xf32, #tpu.memory_space<vmem>>, vector<1x16xf32>,
        %get3A_1082 = vector.shape_cast %get3A_1081 : vector<1x16xf32> to vector<16xf32>
        %get3A_1083 = arith.index_cast %scan3A_1010 : i32 to index
        %get3A_1084 = arith.constant 80 : index
        %get3A_1085 = tpu.vector_load %arg22[%get3A_1083, %get3A_1084] {strides = array<i32>} : memref<128x128xf32, #tpu.memory_space<vmem>>, vector<1x16xf32>,
        %get3A_1086 = vector.shape_cast %get3A_1085 : vector<1x16xf32> to vector<16xf32>
        %mul3A_1087 = arith.mulf %get3A_1082, %get3A_1086 : vector<16xf32>
        %swap3A_1088 = arith.index_cast %scan3A_1010 : i32 to index
        %swap3A_1089 = arith.constant 80 : index
        %swap3A_1090 = tpu.vector_load %arg26[%swap3A_1088, %swap3A_1089] {strides = array<i32>} : memref<128x128xf32, #tpu.memory_space<vmem>>, vector<1x16xf32>,
        %swap3A_1091 = vector.shape_cast %swap3A_1090 : vector<1x16xf32> to vector<16xf32>
        %swap3A_1092 = vector.shape_cast %mul3A_1087 : vector<16xf32> to vector<1x16xf32>
        tpu.vector_store %arg26[%swap3A_1088, %swap3A_1089], %swap3A_1092 {strides = array<i32>} : memref<128x128xf32, #tpu.memory_space<vmem>>, vector<1x16xf32>,
        %get3A_1093 = arith.index_cast %scan3A_1010 : i32 to index
        %get3A_1094 = arith.constant 96 : index
        %get3A_1095 = tpu.vector_load %arg26[%get3A_1093, %get3A_1094] {strides = array<i32>} : memref<128x128xf32, #tpu.memory_space<vmem>>, vector<1x16xf32>,
        %get3A_1096 = vector.shape_cast %get3A_1095 : vector<1x16xf32> to vector<16xf32>
        %get3A_1097 = arith.index_cast %scan3A_1010 : i32 to index
        %get3A_1098 = arith.constant 96 : index
        %get3A_1099 = tpu.vector_load %arg22[%get3A_1097, %get3A_1098] {strides = array<i32>} : memref<128x128xf32, #tpu.memory_space<vmem>>, vector<1x16xf32>,
        %get3A_1100 = vector.shape_cast %get3A_1099 : vector<1x16xf32> to vector<16xf32>
        %mul3A_1101 = arith.mulf %get3A_1096, %get3A_1100 : vector<16xf32>
        %swap3A_1102 = arith.index_cast %scan3A_1010 : i32 to index
        %swap3A_1103 = arith.constant 96 : index
        %swap3A_1104 = tpu.vector_load %arg26[%swap3A_1102, %swap3A_1103] {strides = array<i32>} : memref<128x128xf32, #tpu.memory_space<vmem>>, vector<1x16xf32>,
        %swap3A_1105 = vector.shape_cast %swap3A_1104 : vector<1x16xf32> to vector<16xf32>
        %swap3A_1106 = vector.shape_cast %mul3A_1101 : vector<16xf32> to vector<1x16xf32>
        tpu.vector_store %arg26[%swap3A_1102, %swap3A_1103], %swap3A_1106 {strides = array<i32>} : memref<128x128xf32, #tpu.memory_space<vmem>>, vector<1x16xf32>,
        %get3A_1107 = arith.index_cast %scan3A_1010 : i32 to index
        %get3A_1108 = arith.constant 112 : index
        %get3A_1109 = tpu.vector_load %arg26[%get3A_1107, %get3A_1108] {strides = array<i32>} : memref<128x128xf32, #tpu.memory_space<vmem>>, vector<1x16xf32>,
        %get3A_1110 = vector.shape_cast %get3A_1109 : vector<1x16xf32> to vector<16xf32>
        %get3A_1111 = arith.index_cast %scan3A_1010 : i32 to index
        %get3A_1112 = arith.constant 112 : index
        %get3A_1113 = tpu.vector_load %arg22[%get3A_1111, %get3A_1112] {strides = array<i32>} : memref<128x128xf32, #tpu.memory_space<vmem>>, vector<1x16xf32>,
        %get3A_1114 = vector.shape_cast %get3A_1113 : vector<1x16xf32> to vector<16xf32>
        %mul3A_1115 = arith.mulf %get3A_1110, %get3A_1114 : vector<16xf32>
        %swap3A_1116 = arith.index_cast %scan3A_1010 : i32 to index
        %swap3A_1117 = arith.constant 112 : index
        %swap3A_1118 = tpu.vector_load %arg26[%swap3A_1116, %swap3A_1117] {strides = array<i32>} : memref<128x128xf32, #tpu.memory_space<vmem>>, vector<1x16xf32>,
        %swap3A_1119 = vector.shape_cast %swap3A_1118 : vector<1x16xf32> to vector<16xf32>
        %swap3A_1120 = vector.shape_cast %mul3A_1115 : vector<16xf32> to vector<1x16xf32>
        tpu.vector_store %arg26[%swap3A_1116, %swap3A_1117], %swap3A_1120 {strides = array<i32>} : memref<128x128xf32, #tpu.memory_space<vmem>>, vector<1x16xf32>,
      }
      %scan3A_1005 = arith.constant 128 : i32
      %dma_start3A_1006 = arith.constant 0 : i32
      %dma_start3A_1007 = tpu.memref_slice %arg18[%add3A_970, %dma_start3A_1006] : memref<204800x128xf32, #tpu.memory_space<hbm>> -> memref<128x128xf32, #tpu.memory_space<hbm>>
      %dma_start3A_1008 = arith.constant 0 : i32
      %dma_start3A_1009 = tpu.memref_slice %arg18[%add3A_970, %dma_start3A_1008] : memref<204800x128xf32, #tpu.memory_space<hbm>> -> memref<128x128xf32, #tpu.memory_space<hbm>>
      tpu.enqueue_dma source(%arg26 : memref<128x128xf32, #tpu.memory_space<vmem>>) target(%dma_start3A_1009 : memref<128x128xf32, #tpu.memory_space<hbm>>) target_semaphore(%arg34 : memref<!tpu.dma_semaphore, #tpu.memory_space<semaphore_mem>>)
    }
    %scan3A_905 = arith.constant 25 : i32
    %add3A_906 = arith.constant 200704 : i32
    %add3A_907 = arith.addi %add3A_906, %mul3A_2 : i32
    %dma_wait3A_908 = arith.constant 0 : i32
    %dma_wait3A_909 = tpu.memref_slice %arg17[%add3A_907, %dma_wait3A_908] : memref<204800x128xf32, #tpu.memory_space<hbm>> -> memref<128x128xf32, #tpu.memory_space<hbm>>
    %dma_wait3A_910 = arith.constant 0 : i32
    %dma_wait3A_911 = tpu.memref_slice %arg17[%add3A_907, %dma_wait3A_910] : memref<204800x128xf32, #tpu.memory_space<hbm>> -> memref<128x128xf32, #tpu.memory_space<hbm>>
    tpu.wait_dma2 semaphore(%arg32 : memref<!tpu.dma_semaphore, #tpu.memory_space<semaphore_mem>>) src(%arg24 : memref<128x128xf32, #tpu.memory_space<vmem>>) dst(%dma_wait3A_911 : memref<128x128xf32, #tpu.memory_space<hbm>>)
    %dma_wait3A_912 = arith.constant 0 : i32
    %dma_wait3A_913 = tpu.memref_slice %arg18[%add3A_907, %dma_wait3A_912] : memref<204800x128xf32, #tpu.memory_space<hbm>> -> memref<128x128xf32, #tpu.memory_space<hbm>>
    %dma_wait3A_914 = arith.constant 0 : i32
    %dma_wait3A_915 = tpu.memref_slice %arg18[%add3A_907, %dma_wait3A_914] : memref<204800x128xf32, #tpu.memory_space<hbm>> -> memref<128x128xf32, #tpu.memory_space<hbm>>
    tpu.wait_dma2 semaphore(%arg34 : memref<!tpu.dma_semaphore, #tpu.memory_space<semaphore_mem>>) src(%arg26 : memref<128x128xf32, #tpu.memory_space<vmem>>) dst(%dma_wait3A_915 : memref<128x128xf32, #tpu.memory_space<hbm>>)
    return
  }
}

module attributes {stable_mosaic.version = 14 : i64} {
  func.func @_tc_mlp_kernel(%arg0: i32, %arg1: memref<4096x128xf32, #tpu.memory_space<vmem>>, %arg2: memref<4096x128xf32, #tpu.memory_space<vmem>>, %arg3: memref<4096x128xf32, #tpu.memory_space<vmem>>, %arg4: memref<4096x128xf32, #tpu.memory_space<vmem>>, %arg5: memref<4096x128xf32, #tpu.memory_space<vmem>>, %arg6: memref<128x128xf32, #tpu.memory_space<vmem>>, %arg7: memref<128x128xf32, #tpu.memory_space<vmem>>, %arg8: memref<1x128xf32, #tpu.memory_space<vmem>>, %arg9: memref<128x128xf32, #tpu.memory_space<vmem>>, %arg10: memref<1x128xf32, #tpu.memory_space<vmem>>, %arg11: memref<4096x128xf32, #tpu.memory_space<vmem>>, %arg12: memref<4096x128xf32, #tpu.memory_space<vmem>>, %arg13: memref<4096x128xf32, #tpu.memory_space<vmem>>, %arg14: memref<4096x128xf32, #tpu.memory_space<vmem>>) attributes {dimension_semantics = [#tpu.dimension_semantics<arbitrary>], iteration_bounds = array<i64: 51>, scalar_prefetch = 0 : i64, scratch_operands = 1 : i64, tpu.core_type = #tpu.core_type<tc>, window_params = [{pipeline_mode = #tpu.pipeline_mode<synchronous>, transform_indices = @transform_0, window_bounds = array<i64: 4096, 128>}, {pipeline_mode = #tpu.pipeline_mode<synchronous>, transform_indices = @transform_1, window_bounds = array<i64: 4096, 128>}, {pipeline_mode = #tpu.pipeline_mode<synchronous>, transform_indices = @transform_2, window_bounds = array<i64: 4096, 128>}, {pipeline_mode = #tpu.pipeline_mode<synchronous>, transform_indices = @transform_3, window_bounds = array<i64: 4096, 128>}, {transform_indices = @transform_4, window_bounds = array<i64: 4096, 128>}, {pipeline_mode = #tpu.pipeline_mode<synchronous>, transform_indices = @transform_5, window_bounds = array<i64: 128, 128>}, {pipeline_mode = #tpu.pipeline_mode<synchronous>, transform_indices = @transform_6, window_bounds = array<i64: 128, 128>}, {pipeline_mode = #tpu.pipeline_mode<synchronous>, transform_indices = @transform_7, window_bounds = array<i64: 1, 128>}, {pipeline_mode = #tpu.pipeline_mode<synchronous>, transform_indices = @transform_8, window_bounds = array<i64: 128, 128>}, {pipeline_mode = #tpu.pipeline_mode<synchronous>, transform_indices = @transform_9, window_bounds = array<i64: 1, 128>}, {pipeline_mode = #tpu.pipeline_mode<synchronous>, transform_indices = @transform_10, window_bounds = array<i64: 4096, 128>}, {pipeline_mode = #tpu.pipeline_mode<synchronous>, transform_indices = @transform_11, window_bounds = array<i64: 4096, 128>}, {transform_indices = @transform_12, window_bounds = array<i64: 4096, 128>}]} {
    %get3A = arith.constant 0 : index
    %get3A_0 = arith.constant 0 : index
    %get3A_1 = vector.load %arg7[%get3A, %get3A_0] : memref<128x128xf32, #tpu.memory_space<vmem>>, vector<128x128xf32>
    %convert_element_type3A = arith.truncf %get3A_1 : vector<128x128xf32> to vector<128x128xbf16>
    %get3A_2 = arith.constant 0 : index
    %get3A_3 = arith.constant 0 : index
    %get3A_4 = vector.load %arg9[%get3A_2, %get3A_3] : memref<128x128xf32, #tpu.memory_space<vmem>>, vector<128x128xf32>
    %convert_element_type3A_5 = arith.truncf %get3A_4 : vector<128x128xf32> to vector<128x128xbf16>
    %eq3A = arith.constant 0 : i32
    %eq3A_6 = arith.cmpi eq, %arg0, %eq3A : i32
    %convert_element_type3A_7 = arith.extui %eq3A_6 : i1 to i32
    %cond3A = arith.constant 0 : i32
    %cond3A_8 = arith.cmpi ne, %convert_element_type3A_7, %cond3A : i32
    scf.if %cond3A_8 {
      %get3A_13 = arith.constant 0 : index
      %get3A_14 = arith.constant 0 : index
      %get3A_15 = vector.load %arg1[%get3A_13, %get3A_14] : memref<4096x128xf32, #tpu.memory_space<vmem>>, vector<4096x128xf32>
      %get3A_16 = arith.constant 0 : index
      %get3A_17 = arith.constant 0 : index
      %get3A_18 = vector.load %arg6[%get3A_16, %get3A_17] : memref<128x128xf32, #tpu.memory_space<vmem>>, vector<128x128xf32>
      %convert_element_type3A_19 = arith.truncf %get3A_18 : vector<128x128xf32> to vector<128x128xbf16>
      %convert_element_type3A_20 = arith.truncf %get3A_15 : vector<4096x128xf32> to vector<4096x128xbf16>
      %dot_general3A = arith.constant dense<0.000000e+00> : vector<4096x128xf32>
      %dot_general3A_21 = tpu.matmul %convert_element_type3A_20, %convert_element_type3A_19, %dot_general3A {dimension_numbers = #tpu.dot_dimension_numbers<[1], [0], [0], [1], [0, 0, 1, 1], [], []>, transpose_lhs_hint = false} : vector<4096x128xbf16>, vector<128x128xbf16>, vector<4096x128xf32> -> vector<4096x128xf32>
      %get3A_22 = arith.constant 0 : index
      %get3A_23 = arith.constant 0 : index
      %get3A_24 = vector.load %arg8[%get3A_22, %get3A_23] : memref<1x128xf32, #tpu.memory_space<vmem>>, vector<1x128xf32>
      %add3A = vector.broadcast %get3A_24 : vector<1x128xf32> to vector<4096x128xf32>
      %add3A_25 = arith.addf %dot_general3A_21, %add3A : vector<4096x128xf32>
      %swap3A = arith.constant 0 : index
      %swap3A_26 = arith.constant 0 : index
      %swap3A_27 = vector.load %arg14[%swap3A, %swap3A_26] : memref<4096x128xf32, #tpu.memory_space<vmem>>, vector<4096x128xf32>
      tpu.vector_store %arg14[%swap3A, %swap3A_26], %add3A_25 {strides = array<i32>} : memref<4096x128xf32, #tpu.memory_space<vmem>>, vector<4096x128xf32>,
      %get3A_28 = arith.constant 0 : index
      %get3A_29 = arith.constant 0 : index
      %get3A_30 = vector.load %arg2[%get3A_28, %get3A_29] : memref<4096x128xf32, #tpu.memory_space<vmem>>, vector<4096x128xf32>
      %convert_element_type3A_31 = arith.truncf %get3A_30 : vector<4096x128xf32> to vector<4096x128xbf16>
      %dot_general3A_32 = arith.constant dense<0.000000e+00> : vector<4096x128xf32>
      %dot_general3A_33 = tpu.matmul %convert_element_type3A_31, %convert_element_type3A, %dot_general3A_32 {dimension_numbers = #tpu.dot_dimension_numbers<[1], [0], [0], [1], [0, 0, 1, 1], [], []>, transpose_lhs_hint = false} : vector<4096x128xbf16>, vector<128x128xbf16>, vector<4096x128xf32> -> vector<4096x128xf32>
      %add3A_34 = arith.addf %add3A_25, %dot_general3A_33 : vector<4096x128xf32>
      %max3A = arith.constant 0.000000e+00 : f32
      %max3A_35 = vector.broadcast %max3A : f32 to vector<4096x128xf32>
      %max3A_36 = arith.maximumf %add3A_34, %max3A_35 : vector<4096x128xf32>
      %convert_element_type3A_37 = arith.truncf %max3A_36 : vector<4096x128xf32> to vector<4096x128xbf16>
      %dot_general3A_38 = arith.constant dense<0.000000e+00> : vector<4096x128xf32>
      %dot_general3A_39 = tpu.matmul %convert_element_type3A_37, %convert_element_type3A_5, %dot_general3A_38 {dimension_numbers = #tpu.dot_dimension_numbers<[1], [0], [0], [1], [0, 0, 1, 1], [], []>, transpose_lhs_hint = false} : vector<4096x128xbf16>, vector<128x128xbf16>, vector<4096x128xf32> -> vector<4096x128xf32>
      %get3A_40 = arith.constant 0 : index
      %get3A_41 = arith.constant 0 : index
      %get3A_42 = vector.load %arg10[%get3A_40, %get3A_41] : memref<1x128xf32, #tpu.memory_space<vmem>>, vector<1x128xf32>
      %add3A_43 = vector.broadcast %get3A_42 : vector<1x128xf32> to vector<4096x128xf32>
      %add3A_44 = arith.addf %dot_general3A_39, %add3A_43 : vector<4096x128xf32>
      %swap3A_45 = arith.constant 0 : index
      %swap3A_46 = arith.constant 0 : index
      %swap3A_47 = vector.load %arg11[%swap3A_45, %swap3A_46] : memref<4096x128xf32, #tpu.memory_space<vmem>>, vector<4096x128xf32>
      tpu.vector_store %arg11[%swap3A_45, %swap3A_46], %add3A_44 {strides = array<i32>} : memref<4096x128xf32, #tpu.memory_space<vmem>>, vector<4096x128xf32>,
      %get3A_48 = arith.constant 0 : index
      %get3A_49 = arith.constant 0 : index
      %get3A_50 = vector.load %arg3[%get3A_48, %get3A_49] : memref<4096x128xf32, #tpu.memory_space<vmem>>, vector<4096x128xf32>
      %get3A_51 = arith.constant 0 : index
      %get3A_52 = arith.constant 0 : index
      %get3A_53 = vector.load %arg4[%get3A_51, %get3A_52] : memref<4096x128xf32, #tpu.memory_space<vmem>>, vector<4096x128xf32>
      %mul3A = arith.mulf %get3A_50, %get3A_53 : vector<4096x128xf32>
      %swap3A_54 = arith.constant 0 : index
      %swap3A_55 = arith.constant 0 : index
      %swap3A_56 = vector.load %arg12[%swap3A_54, %swap3A_55] : memref<4096x128xf32, #tpu.memory_space<vmem>>, vector<4096x128xf32>
      tpu.vector_store %arg12[%swap3A_54, %swap3A_55], %mul3A {strides = array<i32>} : memref<4096x128xf32, #tpu.memory_space<vmem>>, vector<4096x128xf32>,
    } else {
    }
    %gt3A = arith.constant 0 : i32
    %gt3A_9 = arith.cmpi sgt, %arg0, %gt3A : i32
    %convert_element_type3A_10 = arith.extui %gt3A_9 : i1 to i32
    %cond3A_11 = arith.constant 0 : i32
    %cond3A_12 = arith.cmpi ne, %convert_element_type3A_10, %cond3A_11 : i32
    scf.if %cond3A_12 {
      %get3A_13 = arith.constant 0 : index
      %get3A_14 = arith.constant 0 : index
      %get3A_15 = vector.load %arg5[%get3A_13, %get3A_14] : memref<4096x128xf32, #tpu.memory_space<vmem>>, vector<4096x128xf32>
      %convert_element_type3A_16 = arith.truncf %get3A_15 : vector<4096x128xf32> to vector<4096x128xbf16>
      %dot_general3A = arith.constant dense<0.000000e+00> : vector<4096x128xf32>
      %dot_general3A_17 = tpu.matmul %convert_element_type3A_16, %convert_element_type3A, %dot_general3A {dimension_numbers = #tpu.dot_dimension_numbers<[1], [0], [0], [1], [0, 0, 1, 1], [], []>, transpose_lhs_hint = false} : vector<4096x128xbf16>, vector<128x128xbf16>, vector<4096x128xf32> -> vector<4096x128xf32>
      %get3A_18 = arith.constant 0 : index
      %get3A_19 = arith.constant 0 : index
      %get3A_20 = vector.load %arg14[%get3A_18, %get3A_19] : memref<4096x128xf32, #tpu.memory_space<vmem>>, vector<4096x128xf32>
      %add3A = arith.addf %get3A_20, %dot_general3A_17 : vector<4096x128xf32>
      %max3A = arith.constant 0.000000e+00 : f32
      %max3A_21 = vector.broadcast %max3A : f32 to vector<4096x128xf32>
      %max3A_22 = arith.maximumf %add3A, %max3A_21 : vector<4096x128xf32>
      %convert_element_type3A_23 = arith.truncf %max3A_22 : vector<4096x128xf32> to vector<4096x128xbf16>
      %dot_general3A_24 = arith.constant dense<0.000000e+00> : vector<4096x128xf32>
      %dot_general3A_25 = tpu.matmul %convert_element_type3A_23, %convert_element_type3A_5, %dot_general3A_24 {dimension_numbers = #tpu.dot_dimension_numbers<[1], [0], [0], [1], [0, 0, 1, 1], [], []>, transpose_lhs_hint = false} : vector<4096x128xbf16>, vector<128x128xbf16>, vector<4096x128xf32> -> vector<4096x128xf32>
      %get3A_26 = arith.constant 0 : index
      %get3A_27 = arith.constant 0 : index
      %get3A_28 = vector.load %arg10[%get3A_26, %get3A_27] : memref<1x128xf32, #tpu.memory_space<vmem>>, vector<1x128xf32>
      %add3A_29 = vector.broadcast %get3A_28 : vector<1x128xf32> to vector<4096x128xf32>
      %add3A_30 = arith.addf %dot_general3A_25, %add3A_29 : vector<4096x128xf32>
      %swap3A = arith.constant 0 : index
      %swap3A_31 = arith.constant 0 : index
      %swap3A_32 = vector.load %arg13[%swap3A, %swap3A_31] : memref<4096x128xf32, #tpu.memory_space<vmem>>, vector<4096x128xf32>
      tpu.vector_store %arg13[%swap3A, %swap3A_31], %add3A_30 {strides = array<i32>} : memref<4096x128xf32, #tpu.memory_space<vmem>>, vector<4096x128xf32>,
    } else {
    }
    return
  }
  func.func @transform_0(%arg0: i32) -> (i32, i32) {
    %c0_i32 = arith.constant 0 : i32
    %c0_i32_0 = arith.constant 0 : i32
    %c0_i32_1 = arith.constant 0 : i32
    return %c0_i32, %c0_i32_0 : i32, i32
  }
  func.func @transform_1(%arg0: i32) -> (i32, i32) {
    %c0_i32 = arith.constant 0 : i32
    %c0_i32_0 = arith.constant 0 : i32
    %c0_i32_1 = arith.constant 0 : i32
    return %c0_i32, %c0_i32_0 : i32, i32
  }
  func.func @transform_2(%arg0: i32) -> (i32, i32) {
    %c0_i32 = arith.constant 0 : i32
    %c0_i32_0 = arith.constant 0 : i32
    %c0_i32_1 = arith.constant 0 : i32
    return %c0_i32, %c0_i32_0 : i32, i32
  }
  func.func @transform_3(%arg0: i32) -> (i32, i32) {
    %c0_i32 = arith.constant 0 : i32
    %c0_i32_0 = arith.constant 0 : i32
    %c0_i32_1 = arith.constant 0 : i32
    return %c0_i32, %c0_i32_0 : i32, i32
  }
  func.func @transform_4(%arg0: i32) -> (i32, i32) {
    %sub3A = arith.constant 1 : i32
    %sub3A_0 = arith.subi %arg0, %sub3A : i32
    %max3A = arith.constant 0 : i32
    %max3A_1 = arith.maxsi %sub3A_0, %max3A : i32
    %c0_i32 = arith.constant 0 : i32
    %c0_i32_2 = arith.constant 0 : i32
    return %max3A_1, %c0_i32 : i32, i32
  }
  func.func @transform_5(%arg0: i32) -> (i32, i32) {
    %c0_i32 = arith.constant 0 : i32
    %c0_i32_0 = arith.constant 0 : i32
    %c0_i32_1 = arith.constant 0 : i32
    return %c0_i32, %c0_i32_0 : i32, i32
  }
  func.func @transform_6(%arg0: i32) -> (i32, i32) {
    %c0_i32 = arith.constant 0 : i32
    %c0_i32_0 = arith.constant 0 : i32
    %c0_i32_1 = arith.constant 0 : i32
    return %c0_i32, %c0_i32_0 : i32, i32
  }
  func.func @transform_7(%arg0: i32) -> (i32, i32) {
    %c0_i32 = arith.constant 0 : i32
    %c0_i32_0 = arith.constant 0 : i32
    %c0_i32_1 = arith.constant 0 : i32
    return %c0_i32, %c0_i32_0 : i32, i32
  }
  func.func @transform_8(%arg0: i32) -> (i32, i32) {
    %c0_i32 = arith.constant 0 : i32
    %c0_i32_0 = arith.constant 0 : i32
    %c0_i32_1 = arith.constant 0 : i32
    return %c0_i32, %c0_i32_0 : i32, i32
  }
  func.func @transform_9(%arg0: i32) -> (i32, i32) {
    %c0_i32 = arith.constant 0 : i32
    %c0_i32_0 = arith.constant 0 : i32
    %c0_i32_1 = arith.constant 0 : i32
    return %c0_i32, %c0_i32_0 : i32, i32
  }
  func.func @transform_10(%arg0: i32) -> (i32, i32) {
    %c0_i32 = arith.constant 0 : i32
    %c0_i32_0 = arith.constant 0 : i32
    %c0_i32_1 = arith.constant 0 : i32
    return %c0_i32, %c0_i32_0 : i32, i32
  }
  func.func @transform_11(%arg0: i32) -> (i32, i32) {
    %c0_i32 = arith.constant 0 : i32
    %c0_i32_0 = arith.constant 0 : i32
    %c0_i32_1 = arith.constant 0 : i32
    return %c0_i32, %c0_i32_0 : i32, i32
  }
  func.func @transform_12(%arg0: i32) -> (i32, i32) {
    %sub3A = arith.constant 1 : i32
    %sub3A_0 = arith.subi %arg0, %sub3A : i32
    %max3A = arith.constant 0 : i32
    %max3A_1 = arith.maxsi %sub3A_0, %max3A : i32
    %c0_i32 = arith.constant 0 : i32
    %c0_i32_2 = arith.constant 0 : i32
    return %max3A_1, %c0_i32 : i32, i32
  }
}

</mosaic_0001>

<sc_bundles>
// kernel: kernel.4.cloned.1.call-start
scs
__scs_entry_jumppad:
0x0: {  	(pc) =	sbr.rel $0x88, $3  }
0x1: {  	(tag) =	ssettag $0x0;
	lr =	simm.s32 $0x1  }
0x2: {  	[smem:$0x3F94] =	sst lr;
	_ =	strace $0xD0000000  }
0x3: {  	_ = 	snop  }
0x4: {  	_ = 	snop  }
0x5: {  	_ = 	snop  }
0x6: {  	_ = 	snop  }
0x7: {  	_ = 	snop  }
__scs_overlays_trampoline_lowered:
0x8: {  	[smem:$0x3FA3] =	sst s0  }
0x9: {  	[smem:$0x3FA4] =	sst s1  }
0xa: {  	[smem:$0x3FA5] =	sst s2  }
0xb: {  	[smem:$0x3FA6] =	sst s3  }
0xc: {  	[smem:$0x3FA7] =	sst s4  }
0xd: {  	[smem:$0x3FA8] =	sst s5  }
0xe: {  	[smem:$0x3FA9] =	sst s6  }
0xf: {  	[smem:$0x3FAA] =	sst s7  }
0x10: {  	[smem:$0x3FAB] =	sst s8  }
0x11: {  	[smem:$0x3FAC] =	sst s9;
	s0 =	simm.s32 @!p0 $0x0  }
0x12: {  	s1 =	sld [smem:$0x3F92];
	s0 =	simm.s32 @p0 $0x1  }
0x13: {  	[smem:$0x3FAD] =	sst s0;
	s0 =	simm.s32 @!p1 $0x0  }
0x14: {  	s2 =	sld [smem:$0x3F91];
	s0 =	simm.s32 @p1 $0x1  }
0x15: {  	[smem:$0x3FAE] =	sst s0;
	s0 =	simm.s32 @!p2 $0x0  }
0x16: {  	s3 =	sld [smem:$0x3FDB];
	s0 =	simm.s32 @p2 $0x1  }
0x17: {  	s4 =	simm.s32 $0x1BF5;
	[smem:$0x3FB0] =	sst s0  }
0x18: {  	s0 =	sld [smem:$0x3F93];
	_ =	swait.ge [sflag:s4], $0x0  }
0x19: {  	s7 =	sld [smem:$0x3F94]  }
0x1a: {  	s8 =	sadd.s32 $0xFFFFE003, lr  }
0x1b: {  	s9 =	sadd.s32 $0xFFFFFEF7, lr;
	s5 =	simm.s32 $0xFFFFFFFF;
	p2 =	slt.u32 s8, $0xFFFFF086  }
0x1c: {  	p1 =	slt.u32 s9, $0xF7A;
	s5 =	simm.s32 @!p2 $0x0  }
0x1d: {  	s5 =	simm.s32 @p1 $0x1;
	p0 =	seq.s32 s7, s2  }
0x1e: {  	s7 =	smul.u32 @!p0 $0xF7A, s2;
	p2 =	seq.s32 @!p0 s5, $0x0  }
0x1f: {  	s9 =	smul.u32 $0xF7A, s1;
	s8 =	simm.s32 @!p0 $0x1BF5;
	p2 =	por !p2, p0  }
0x20: {  	[sflag:s8] =	ssyncset.s32 @!p0 $0xFFFFF086;
	s6 =	sadd.s32 @!p0 s3, s7;
	s7 =	simm.s32 @!p0 $0x108  }
0x21: {  	s3 =	sadd.s32 s3, s9;
	s6 =	sadd.s32 @!p0 $0x88, s6;
	s7 =	simm.s32 @p2 $0x1082  }
0x22: {  	[simem:s7], [sflag:s8] =	dma.local @!p0 [hbm:s6], $0xF7A  }
0x23: {  	s9 =	sor.u32 $0xD0000000, s2;
	s6 =	simm.s32 $0x108;
	_ =	swait.ge @!p0 [sflag:s8], $0x0  }
0x24: {  	s3 =	sadd.s32 $0x88, s3;
	s6 =	simm.s32 @!p1 $0x1082;
	[sflag:s4] =	ssyncset.s32 $0xFFFFF086  }
0x25: {  	[simem:s6], [sflag:s4] =	dma.local [hbm:s3], $0xF7A  }
0x26: {  	[smem:$0x3F94] =	sst s1;
	(tag) =	ssettag s2;
	_ =	strace s9  }
0x27: {  	s1 =	sld [smem:$0x3FA4]  }
0x28: {  	s2 =	sld [smem:$0x3FA5]  }
0x29: {  	s4 =	sld [smem:$0x3FA7]  }
0x2a: {  	p0 =	seq.s32 s5, $0x0;
	s5 =	sld [smem:$0x3FA8]  }
0x2b: {  	s6 =	sld [smem:$0x3FA9]  }
0x2c: {  	s7 =	sld [smem:$0x3FAA]  }
0x2d: {  	s3 =	simm.s32 $0x108;
	s8 =	sld [smem:$0x3FAB]  }
0x2e: {  	s3 =	simm.s32 @!p0 $0x1082;
	s9 =	sld [smem:$0x3FAC]  }
0x2f: {  	lr =	sadd.s32 s0, s3;
	s0 =	sld [smem:$0x3FA3]  }
0x30: {  	s3 =	sld [smem:$0x3FA6]  }
0x31: {  	[smem:$0x3FAF] =	sst s10  }
0x32: {  	s10 =	sld [smem:$0x3FAD];
	_ =	sdelay $0x3  }
0x33: {  	p0 =	seq.s32 s10, $0x1;
	s10 =	sld [smem:$0x3FAF];
	_ =	sdelay $0x3  }
0x34: {  	[smem:$0x3FAF] =	sst s10  }
0x35: {  	s10 =	sld [smem:$0x3FAE];
	_ =	sdelay $0x3  }
0x36: {  	p1 =	seq.s32 s10, $0x1;
	s10 =	sld [smem:$0x3FAF];
	_ =	sdelay $0x3  }
0x37: {  	[smem:$0x3FAF] =	sst s10  }
0x38: {  	s10 =	sld [smem:$0x3FB0]  }
0x39: {  	_ = 	snop;
	(pc) =	sbr.ind lr, $3  }
0x3a: {  	_ = 	snop  }
0x3b: {  	_ = 	snop  }
0x3c: {  	p2 =	seq.s32 s10, $0x1;
	s10 =	sld [smem:$0x3FAF]  }
0x3d: {  	_ =	shalt  }
0x3e: {  	_ =	shalt  }
0x3f: {  	_ =	shalt  }
0x40: {  	_ =	shalt  }
0x41: {  	_ =	shalt  }
0x42: {  	_ =	shalt  }
0x43: {  	_ =	shalt  }
0x44: {  	_ =	shalt  }
0x45: {  	_ =	shalt  }
0x46: {  	_ =	shalt  }
0x47: {  	_ =	shalt  }
0x48: {  	_ =	shalt  }
0x49: {  	_ =	shalt  }
0x4a: {  	_ =	shalt  }
0x4b: {  	_ =	shalt  }
0x4c: {  	_ =	shalt  }
0x4d: {  	_ =	shalt  }
0x4e: {  	_ =	shalt  }
0x4f: {  	_ =	shalt  }
0x50: {  	_ =	shalt  }
0x51: {  	_ =	shalt  }
0x52: {  	_ =	shalt  }
0x53: {  	_ =	shalt  }
0x54: {  	_ =	shalt  }
0x55: {  	_ =	shalt  }
0x56: {  	_ =	shalt  }
0x57: {  	_ =	shalt  }
0x58: {  	_ =	shalt  }
0x59: {  	_ =	shalt  }
0x5a: {  	_ =	shalt  }
0x5b: {  	_ =	shalt  }
0x5c: {  	_ =	shalt  }
0x5d: {  	_ =	shalt  }
0x5e: {  	_ =	shalt  }
0x5f: {  	_ =	shalt  }
0x60: {  	_ =	shalt  }
0x61: {  	_ =	shalt  }
0x62: {  	_ =	shalt  }
0x63: {  	_ =	shalt  }
0x64: {  	_ =	shalt  }
0x65: {  	_ =	shalt  }
0x66: {  	_ =	shalt  }
0x67: {  	_ =	shalt  }
0x68: {  	_ =	shalt  }
0x69: {  	_ =	shalt  }
0x6a: {  	_ =	shalt  }
0x6b: {  	_ =	shalt  }
0x6c: {  	_ =	shalt  }
0x6d: {  	_ =	shalt  }
0x6e: {  	_ =	shalt  }
0x6f: {  	_ =	shalt  }
0x70: {  	_ =	shalt  }
0x71: {  	_ =	shalt  }
0x72: {  	_ =	shalt  }
0x73: {  	_ =	shalt  }
0x74: {  	_ =	shalt  }
0x75: {  	_ =	shalt  }
0x76: {  	_ =	shalt  }
0x77: {  	_ =	shalt  }
0x78: {  	_ =	shalt  }
0x79: {  	_ =	shalt  }
0x7a: {  	_ =	shalt  }
0x7b: {  	_ =	shalt  }
0x7c: {  	_ =	shalt  }
0x7d: {  	_ =	shalt  }
0x7e: {  	_ =	shalt  }
0x7f: {  	_ =	shalt  }
0x80: {  	_ =	shalt  }
0x81: {  	_ =	shalt  }
0x82: {  	_ =	shalt  }
0x83: {  	_ =	shalt  }
0x84: {  	_ =	shalt  }
0x85: {  	_ =	shalt  }
0x86: {  	_ =	shalt  }
0x87: {  	_ =	shalt  }
.Lfunc_end0:
.L_simem_size_0:
called_computation_lowered:
.L_overlay_start_0:
0x88: {  	s2 =	sld [smem:$0x3FD9]  }
0x89: {  	s3 =	sld [smem:$0x3FFE];
	_ =	sdelay $0x1  }
0x8a: {  	s1 =	srdreg.scid  }
0x8b: {  	s0 =	sand.u32 $0x1, s1  }
0x8c: {  	s22 =	sshll.u32 s0, $0xA;
	s2 =	sadd.s32 s3, s2  }
0x8d: {  	s2 =	sadd.s32 s2, s22  }
0x8e: {  	[smem:$0x3FBB] =	sst s2  }
0x8f: {  	_ = 	snop  }
0x90: {  	s6 =	sld [smem:$0x3FC9]  }
0x91: {  	s7 =	sld [smem:$0x3FC8]  }
0x92: {  	s4 =	sld [smem:$0x3FC6]  }
0x93: {  	s5 =	sld [smem:$0x3FC5]  }
0x94: {  	s2 =	sld [smem:$0x3FC4]  }
0x95: {  	s8 =	sld [smem:$0x3FD0]  }
0x96: {  	s3 =	sld [smem:$0x3FC3]  }
0x97: {  	s9 =	sld [smem:$0x3FC2]  }
0x98: {  	s15 =	simm.s32 $0xA;
	s11 =	simm.s32 $0x10;
	s10 =	sld [smem:$0x3FC1]  }
0x99: {  	[smem:s11], [sflag:s15] =	dma.local [hbm:s8], $0x1  }
0x9a: {  	_ =	swait.eq [sflag:s15], $0x1  }
0x9b: {  	s17 =	sld [smem:$0x10]  }
0x9c: {  	s8 =	sld [smem:$0x11]  }
0x9d: {  	s11 =	sld [smem:$0x12]  }
0x9e: {  	s12 =	sld [smem:$0x13]  }
0x9f: {  	s13 =	sld [smem:$0x14]  }
0xa0: {  	s14 =	sld [smem:$0x15];
	[sflag:s15] =	ssyncset.done $0x0  }
0xa1: {  	s16 =	sld [smem:$0x16];
	[sflag:s15] =	ssyncadd.s32 $0xFFFFFFFF  }
0xa2: {  	s18 =	sld [smem:$0x17];
	(tm) =	ssettm $0x1  }
0xa3: {  	s23 =	sld [smem:$0x3FFB];
	_ =	sdelay $0x3  }
0xa4: {  	_ =	strace s23  }
0xa5: {  	s15 =	sld [smem:$0x3FFC];
	_ =	sdelay $0x3  }
0xa6: {  	_ =	strace s15  }
0xa7: {  	s15 =	sld [smem:$0x3FFD];
	_ =	sdelay $0x3  }
0xa8: {  	_ =	strace s15  }
0xa9: {  	_ =	strace $0x8FFFFFFF  }
0xaa: {  	s24 =	sld [smem:$0x3FDB];
	_ =	sdelay $0x1  }
0xab: {  	s19 =	simm.s32 $_scs_section_size  }
0xac: {  	s20 =	simm.s32 $_size__tile_task_arg_handler_lowered;
	s21 =	simm.s32 $_tile_task_arg_handler_lowered  }
0xad: {  	s28 =	simm.s32 $0x1BFF;
	s26 =	sshll.u32 s21, $0x1;
	s19 =	sadd.s32 s19, s24  }
0xae: {  	s25 =	sshll.u32 s20, $0x1;
	s22 =	simm.s32 $0x60;
	s20 =	sadd.s32 s26, s19  }
0xaf: {  	[timem:s22], [sflag:s28] =	dma.local [hbm:s20], s25  }
0xb0: {  	_ =	swait.ge [sflag:s28], s25  }
0xb1: {  	s29 =	simm.s32 $_tile_overlayer_lowered;
	s15 =	ssub.s32 $0x0, s25;
	[sflag:s28] =	ssyncset.done $0x0  }
0xb2: {  	s30 =	simm.s32 $_size__tile_overlayer_lowered;
	s20 =	sshll.u32 s29, $0x1;
	[sflag:s28] =	ssyncadd.s32 s15  }
0xb3: {  	s31 =	sshll.u32 s30, $0x1;
	s20 =	sadd.s32 s20, s19;
	s15 =	simm.s32 $0x0  }
0xb4: {  	[timem:s15], [sflag:s28] =	dma.local [hbm:s20], s31  }
0xb5: {  	_ =	swait.ge [sflag:s28], s31  }
0xb6: {  	s22 =	ssub.s32 $0x0, s31;
	[sflag:s28] =	ssyncset.done $0x0  }
0xb7: {  	[sflag:s28] =	ssyncadd.s32 s22;
	_ =	sdelay $0x1  }
0xb8: {  	s23 =	simm.s32 $0x1B8B  }
0xb9: {  	_ =	swait.ge [sflag:s23], $0x1  }
0xba: {  	[sflag:s23] =	ssyncset.done $0x0  }
0xbb: {  	s25 =	simm.s32 $0x1B8E;
	s24 =	sld [smem:$0x3FFE];
	[sflag:s23] =	ssyncadd.s32 $0xFFFFFFFF  }
0xbc: {  	s26 =	simm.s32 $execute0_lowered;
	[smem:$0x3FD2] =	sst s25  }
0xbd: {  	s21 =	sshll.u32 s26, $0x1;
	_ =	strace $0x80000046;
	[dreg:$0x1] =	wrdreg $0xFFFFFFFF  }
0xbe: {  	s19 =	sadd.s32 s19, s21;
	s28 =	simm.s32 $_size_execute0_lowered;
	[dreg:$0x0] =	wrdreg $0x0  }
0xbf: {  	s21 =	sshll.u32 s28, $0x1;
	[dreg:$0x2] =	wrdreg s19  }
0xc0: {  	[dreg:$0x3] =	wrdreg s21  }
0xc1: {  	[dreg:$0x4] =	wrdreg $0xC0  }
0xc2: {  	_ =	task [dreg:s15], $0x5FFFF  }
0xc3: {  	[dreg:$0x1] =	wrdreg $0xFFFFFFFF  }
0xc4: {  	[dreg:$0x0] =	wrdreg $0x30  }
0xc5: {  	[dreg:$0x2] =	wrdreg $0x0  }
0xc6: {  	[dreg:$0x3] =	wrdreg s17  }
0xc7: {  	[dreg:$0x4] =	wrdreg s24  }
0xc8: {  	[dreg:$0x5] =	wrdreg s18  }
0xc9: {  	[dreg:$0x6] =	wrdreg $0x9  }
0xca: {  	_ =	task [dreg:s15], $0x7FFFF  }
0xcb: {  	[dreg:$0x1] =	wrdreg $0xFFFFFFFF  }
0xcc: {  	[dreg:$0x0] =	wrdreg $0x60  }
0xcd: {  	[dreg:$0x2] =	wrdreg s6  }
0xce: {  	[dreg:$0x3] =	wrdreg s7  }
0xcf: {  	[dreg:$0x4] =	wrdreg s16  }
0xd0: {  	[dreg:$0x5] =	wrdreg s4  }
0xd1: {  	[dreg:$0x6] =	wrdreg s5  }
0xd2: {  	[dreg:$0x7] =	wrdreg s9  }
0xd3: {  	[dreg:$0x8] =	wrdreg s10  }
0xd4: {  	[dreg:$0x9] =	wrdreg s2  }
0xd5: {  	[dreg:$0xa] =	wrdreg s3  }
0xd6: {  	[dreg:$0xb] =	wrdreg s11  }
0xd7: {  	[dreg:$0xc] =	wrdreg s12  }
0xd8: {  	[dreg:$0xd] =	wrdreg s13  }
0xd9: {  	[dreg:$0xe] =	wrdreg s14  }
0xda: {  	[dreg:$0xf] =	wrdreg s8  }
0xdb: {  	_ =	task.clear_ibuf [dreg:s15], $0x10FFFF;
	_ =	strace $0x90000046  }
0xdc: {  	s29 =	simm.s32 $0x9;
	_ =	strace $0x80000048  }
0xdd: {  	_ =	swait.ge [sflag:s29], $0x1  }
0xde: {  	[sflag:s29] =	ssyncadd.s32 $0xFFFFFFFF  }
0xdf: {  	_ =	strace $0x90000048  }
0xe0: {  	_ =	sfence  }
0xe1: {  	s30 =	sld [smem:$0x0];
	_ =	sdelay $0x2  }
0xe2: {  	s31 =	sshll.u32 s1, $0xD;
	s1 =	sshrl.u32 s1, $0x2  }
0xe3: {  	s3 =	sand.u32 $0x4000, s31;
	s1 =	sadd.s32 s1, s30  }
0xe4: {  	s0 =	sor.u32 s3, s0;
	s1 =	sshll.u32 s1, $0x11  }
0xe5: {  	s0 =	sor.u32 s1, s0  }
0xe6: {  	s0 =	sadd.s32 $0x8F2B, s0  }
0xe7: {  	[sflag:s0] =	ssyncadd.remote.s32 $0x1  }
0xe8: {  	_ =	sfence.sel $0xFFFF  }
0xe9: {  	[dreg:$0x0] =	wrdreg $0xFFFFFFFF;
	(pc) =	sbr.abs _section_cstart, $3  }
0xea: {  	[dreg:$0x1] =	wrdreg $0xFFFFFFFF  }
0xeb: {  	_ =	task.clear_ibuf [dreg:s15], $0x2FFFF;
	_ =	strace $0x9FFFFFFF  }
0xec: {  	(tm) =	ssettm $0x7FFFFFFF  }
0xed: {  	_ =	shalt  }
tec
_tile_task_arg_handler_lowered:
.L_overlay_start_1:
0x0: {  	(tag) =	ssettag $0x1  }
0x1: {  	s0 =	rddreg [dreg:$0x0]  }
0x2: {  	s1 =	rddreg [dreg:$0x1]  }
0x3: {  	s2 =	rddreg [dreg:$0x2]  }
0x4: {  	s3 =	rddreg [dreg:$0x3]  }
0x5: {  	s4 =	rddreg [dreg:$0x4]  }
0x6: {  	s5 =	rddreg [dreg:$0x5]  }
0x7: {  	s6 =	rddreg [dreg:$0x6]  }
0x8: {  	s7 =	rddreg [dreg:$0x7]  }
0x9: {  	s8 =	rddreg [dreg:$0x8]  }
0xa: {  	s9 =	rddreg [dreg:$0x9]  }
0xb: {  	s10 =	rddreg [dreg:$0xa]  }
0xc: {  	s11 =	rddreg [dreg:$0xb]  }
0xd: {  	s12 =	rddreg [dreg:$0xc]  }
0xe: {  	s13 =	rddreg [dreg:$0xd]  }
0xf: {  	[smem:s0] =	sst s1  }
0x10: {  	[smem:s0+$0x1] =	sst s2  }
0x11: {  	[smem:s0+$0x2] =	sst s3  }
0x12: {  	[smem:s0+$0x3] =	sst s4  }
0x13: {  	[smem:s0+$0x4] =	sst s5  }
0x14: {  	[smem:s0+$0x5] =	sst s6  }
0x15: {  	[smem:s0+$0x6] =	sst s7  }
0x16: {  	[smem:s0+$0x7] =	sst s8  }
0x17: {  	[smem:s0+$0x8] =	sst s9  }
0x18: {  	[smem:s0+$0x9] =	sst s10  }
0x19: {  	[smem:s0+$0xA] =	sst s11  }
0x1a: {  	[smem:s0+$0xB] =	sst s12  }
0x1b: {  	[smem:s0+$0xC] =	sst s13;
	_ =	shalt  }
.Lfunc_end2:
execute0_lowered:
.L_overlay_start_2:
0x1c: {  	(tag) =	ssettag $0x2  }
0x1d: {  	s0 =	rddreg [dreg:$0x0]  }
0x1e: {  	s1 =	rddreg [dreg:$0x1]  }
0x1f: {  	s2 =	rddreg [dreg:$0x2]  }
0x20: {  	s4 =	rddreg [dreg:$0x7]  }
0x21: {  	s5 =	rddreg [dreg:$0x8]  }
0x22: {  	s3 =	rddreg [dreg:$0x9]  }
0x23: {  	s6 =	rddreg [dreg:$0xa]  }
0x24: {  	s8 =	rddreg [dreg:$0xb];
	s7 =	simm.s32 $0x0  }
0x25: {  	[smem:$0x7FF] =	sst s7  }
0x26: {  	s11 =	sld [smem:$0x3]  }
0x27: {  	s12 =	rddreg [dreg:$0xc]  }
0x28: {  	s13 =	rddreg [dreg:$0xd];
	s25 =	srdreg.scid  }
0x29: {  	s16 =	stileid.u32;
	[dreg:$0xe] =	wrdreg s11;
	s11 =	sand.u32 $0x1, s25  }
0x2a: {  	s16 =	sshll.u32 s16, $0x8;
	s15 =	ssub.s32 $0x2, s11;
	s11 =	sshll.u32 s11, $0x7  }
0x2b: {  	s14 =	sld [smem:$0x0];
	s11 =	sor.u32 s11, s16  }
0x2c: {  	s10 =	sld [smem:$0x1];
	s16 =	sshrl.u32 s11, $0x3  }
0x2d: {  	s9 =	sld [smem:$0x2];
	_ =	strace $0x80000047;
	s0 =	sadd.s32 s0, s16  }
0x2e: {  	s11 =	sshll.u32 s11, $0x4;
	s26 =	sadd.s32 s1, s16;
	[dreg:$0xf] =	wrdreg s0  }
0x2f: {  	s1 =	sadd.s32 s3, s11;
	[dreg:$0x10] =	wrdreg s26  }
0x30: {  	s3 =	sadd.s32 s6, s11;
	[dreg:$0x11] =	wrdreg s1  }
0x31: {  	s6 =	sadd.s32 s8, s11;
	[dreg:$0x12] =	wrdreg s3  }
0x32: {  	s8 =	sadd.s32 s12, s11;
	[dreg:$0x13] =	wrdreg s6  }
0x33: {  	s17 =	sshrl.u32 s15, $0x1;
	s12 =	sadd.s32 s13, s11;
	[dreg:$0x14] =	wrdreg s8  }
0x34: {  	s15 =	ssub.s32 s15, s17;
	s13 =	sadd.s32 s14, s11;
	[dreg:$0x15] =	wrdreg s12  }
0x35: {  	s20 =	sadd.s32 s2, s16;
	s19 =	smax.u32 s15, $0x1;
	[dreg:$0x16] =	wrdreg s13  }
0x36: {  	s14 =	sadd.s32 $0x200, s20;
	[dreg:$0x1b] =	wrdreg s19  }
0x37: {  	s16 =	sadd.s32 $0x400, s20;
	[dreg:$0x17] =	wrdreg s14  }
0x38: {  	s17 =	sadd.s32 $0x600, s20;
	[dreg:$0x18] =	wrdreg s16  }
0x39: {  	s18 =	sadd.s32 $0x800, s20;
	[dreg:$0x19] =	wrdreg s17  }
0x3a: {  	s21 =	sadd.s32 $0xA00, s20;
	[dreg:$0x1a] =	wrdreg s18  }
0x3b: {  	s22 =	sadd.s32 $0xC00, s20;
	[dreg:$0x1c] =	wrdreg s21  }
0x3c: {  	s23 =	sadd.s32 $0xE00, s20;
	[dreg:$0x1d] =	wrdreg s22  }
0x3d: {  	s24 =	sadd.s32 $0x1000, s20;
	[dreg:$0x1e] =	wrdreg s23  }
0x3e: {  	s25 =	sadd.s32 $0x1200, s20;
	[dreg:$0x1f] =	wrdreg s24  }
0x3f: {  	s26 =	sadd.s32 $0x1400, s20;
	[smem:$0x7D6] =	sst s25  }
0x40: {  	s1 =	sadd.s32 $0x1600, s20;
	[smem:$0x7D7] =	sst s26  }
0x41: {  	s2 =	sadd.s32 $0x1800, s20;
	[smem:$0x7D8] =	sst s1  }
0x42: {  	s3 =	sadd.s32 $0x1A00, s20;
	[smem:$0x7D9] =	sst s2  }
0x43: {  	s6 =	sadd.s32 $0x1C00, s20;
	[smem:$0x7DA] =	sst s3  }
0x44: {  	s8 =	sadd.s32 $0x1E00, s20;
	[smem:$0x7DB] =	sst s6  }
0x45: {  	s12 =	sadd.s32 $0x2000, s20;
	[smem:$0x7DC] =	sst s8  }
0x46: {  	s13 =	sadd.s32 $0x2200, s20;
	[smem:$0x7DD] =	sst s12  }
0x47: {  	s15 =	sadd.s32 $0x2600, s20;
	[smem:$0x7DE] =	sst s13  }
0x48: {  	s19 =	sadd.s32 $0x2E00, s20;
	[smem:$0x7E0] =	sst s15  }
0x49: {  	s14 =	sadd.s32 $0x2400, s20;
	[smem:$0x7E4] =	sst s19  }
0x4a: {  	s16 =	sadd.s32 $0x2800, s20;
	[smem:$0x7DF] =	sst s14  }
0x4b: {  	s17 =	sadd.s32 $0x2A00, s20;
	[smem:$0x7E1] =	sst s16  }
0x4c: {  	s18 =	sadd.s32 $0x2C00, s20;
	[smem:$0x7E2] =	sst s17  }
0x4d: {  	s21 =	sadd.s32 $0x3000, s20;
	[smem:$0x7E3] =	sst s18  }
0x4e: {  	s22 =	sadd.s32 $0x3200, s20;
	[smem:$0x7E5] =	sst s21  }
0x4f: {  	s23 =	sadd.s32 $0x3400, s20;
	[smem:$0x7E6] =	sst s22  }
0x50: {  	s24 =	sadd.s32 $0x3600, s20;
	[smem:$0x7E7] =	sst s23  }
0x51: {  	s25 =	sadd.s32 $0x3800, s20;
	[smem:$0x7E8] =	sst s24  }
0x52: {  	s26 =	sadd.s32 $0x3A00, s20;
	[smem:$0x7E9] =	sst s25  }
0x53: {  	s1 =	sadd.s32 $0x3C00, s20;
	[smem:$0x7EA] =	sst s26  }
0x54: {  	s2 =	sadd.s32 $0x3E00, s20;
	[smem:$0x7EB] =	sst s1  }
0x55: {  	s3 =	sadd.s32 $0x4000, s20;
	[smem:$0x7EC] =	sst s2  }
0x56: {  	s6 =	sadd.s32 $0x4200, s20;
	[smem:$0x7ED] =	sst s3  }
0x57: {  	s8 =	sadd.s32 $0x4400, s20;
	[smem:$0x7EE] =	sst s6  }
0x58: {  	s12 =	sadd.s32 $0x4600, s20;
	[smem:$0x7EF] =	sst s8  }
0x59: {  	s13 =	sadd.s32 $0x4800, s20;
	[smem:$0x7F0] =	sst s12  }
0x5a: {  	s15 =	sadd.s32 $0x4C00, s20;
	[smem:$0x7F1] =	sst s13  }
0x5b: {  	s28 =	simm.s32 $0xDA00;
	s19 =	sadd.s32 $0x5400, s20;
	[smem:$0x7F3] =	sst s15  }
0x5c: {  	s29 =	simm.s32 $0x11A00;
	s14 =	sadd.s32 $0x4A00, s20;
	[smem:$0x7F7] =	sst s19  }
0x5d: {  	s30 =	simm.s32 $0x1;
	s16 =	sadd.s32 $0x4E00, s20;
	[smem:$0x7F2] =	sst s14  }
0x5e: {  	s31 =	simm.s32 $0x2;
	s17 =	sadd.s32 $0x5000, s20;
	[smem:$0x7F4] =	sst s16  }
0x5f: {  	s10 =	sadd.s32 $0x1C00, s10;
	s18 =	sadd.s32 $0x5200, s20;
	[smem:$0x7F5] =	sst s17  }
0x60: {  	s0 =	simm.s32 $0x9;
	s21 =	sadd.s32 $0x5600, s20;
	[smem:$0x7F6] =	sst s18  }
0x61: {  	s22 =	sadd.s32 $0x5800, s20;
	s23 =	sadd.s32 $0x5A00, s20;
	[smem:$0x7F8] =	sst s21  }
0x62: {  	s24 =	sadd.s32 $0x5C00, s20;
	s25 =	sadd.s32 $0x5E00, s20;
	[smem:$0x7F9] =	sst s22  }
0x63: {  	s26 =	sadd.s32 $0x6000, s20;
	s8 =	simm.s32 $0x3;
	[smem:$0x7FA] =	sst s23  }
0x64: {  	s6 =	simm.s32 $0x4;
	s2 =	simm.s32 $0x100;
	[smem:$0x7FB] =	sst s24  }
0x65: {  	s3 =	simm.s32 $0x5;
	s1 =	simm.s32 $0x7;
	[smem:$0x7FC] =	sst s25  }
0x66: {  	s12 =	simm.s32 $0x6;
	s13 =	simm.s32 $0x8;
	[smem:$0x7FD] =	sst s26  }
0x67: {  	s22 =	sadd.s32 $0x6200, s20;
	s23 =	simm.s32 $0xA;
	s24 =	simm.s32 $0x80  }
0x68: {  	s25 =	simm.s32 $0x5A00;
	s26 =	simm.s32 $0x9A00;
	s14 =	simm.s32 $0x0  }
.LBB3_1:
0x69: {  	s15 =	rddreg [dreg:$0xf]  }
0x6a: {  	[tilespmem:s7], [sflag:$0xA] =	stream.linear.gather [hbm4b:s15+s7], $0x80, $0x38;
	[tilespmem:$0x15A00] =	vst v63  }
0x6b: {  	_ =	swait.ge [sflag:s23], $0x80  }
0x6c: {  	[sflag:s23] =	ssyncset.done $0x0  }
0x6d: {  	s16 =	rddreg [dreg:$0x10];
	[sflag:s23] =	ssyncadd.s32 $0xFFFFFF80  }
0x6e: {  	[tilespmem:s24], [sflag:$0xA] =	stream.linear.gather [hbm4b:s16+s7], $0x80, $0x38;
	[tilespmem:$0x15A00] =	vst v63  }
0x6f: {  	_ =	swait.ge [sflag:s23], $0x80  }
0x70: {  	[sflag:s23] =	ssyncset.done $0x0  }
0x71: {  	[sflag:s23] =	ssyncadd.s32 $0xFFFFFF80  }
0x72: {  	s17 =	simm.s32 $0x1A00;
	s16 =	rddreg [dreg:$0x4]  }
0x73: {  	[tilespmem:s17], [sflag:$0x9] =	stream.indirect.gather [hbm4b:s16+s24], $0x80, s7, s24, $0xb8;
	[tilespmem:$0x15A00] =	vst v63  }
0x74: {  	s18 =	rddreg [dreg:$0x3]  }
0x75: {  	[tilespmem:s25], [sflag:$0x1] =	stream.indirect.gather [hbm4b:s18+s24], $0x80, s7, s24, $0xb8;
	[tilespmem:$0x15A00] =	vst v63  }
0x76: {  	_ = 	snop  }
0x77: {  	[tilespmem:s26], [sflag:$0x2] =	stream.indirect.gather [hbm4b:s16+s24], $0x80, s7, s24, $0xb8;
	[tilespmem:$0x15A00] =	vst v63  }
0x78: {  	s19 =	rddreg [dreg:$0x5]  }
0x79: {  	[tilespmem:s28], [sflag:$0x3] =	stream.indirect.gather [hbm4b:s19+s24], $0x80, s7, s24, $0xb8;
	[tilespmem:$0x15A00] =	vst v63  }
0x7a: {  	s21 =	rddreg [dreg:$0x6]  }
0x7b: {  	[tilespmem:s29], [sflag:$0x4] =	stream.indirect.gather [hbm4b:s21+s24], $0x80, s7, s24, $0xb8;
	[tilespmem:$0x15A00] =	vst v63  }
0x7c: {  	_ =	swait.ge [sflag:s30], $0x4000  }
0x7d: {  	[sflag:s30] =	ssyncset.done $0x0  }
0x7e: {  	[sflag:s30] =	ssyncadd.s32 $0xFFFFC000  }
0x7f: {  	_ =	swait.ge [sflag:s31], $0x4000  }
0x80: {  	[sflag:s31] =	ssyncset.done $0x0  }
0x81: {  	[sflag:s31] =	ssyncadd.s32 $0xFFFFC000  }
0x82: {  	_ =	swait.ge [sflag:s8], $0x4000  }
0x83: {  	[sflag:s8] =	ssyncset.done $0x0  }
0x84: {  	[sflag:s8] =	ssyncadd.s32 $0xFFFFC000  }
0x85: {  	_ =	swait.ge [sflag:s6], $0x4000  }
0x86: {  	[sflag:s6] =	ssyncset.done $0x0  }
0x87: {  	s16 =	rddreg [dreg:$0x11];
	[sflag:s6] =	ssyncadd.s32 $0xFFFFC000  }
0x88: {  	[hbm4b:s16+s7] =	stream.linear.scatter [tilespmem:s25], [sflag:$0x1], $0x4000, $0x38;
	[tilespmem:$0x15A00] =	vst v63  }
0x89: {  	s17 =	rddreg [dreg:$0x12]  }
0x8a: {  	[hbm4b:s17+s7] =	stream.linear.scatter [tilespmem:s26], [sflag:$0x2], $0x4000, $0x38;
	[tilespmem:$0x15A00] =	vst v63  }
0x8b: {  	s18 =	rddreg [dreg:$0x13]  }
0x8c: {  	[hbm4b:s18+s7] =	stream.linear.scatter [tilespmem:s28], [sflag:$0x3], $0x4000, $0x38;
	[tilespmem:$0x15A00] =	vst v63  }
0x8d: {  	s19 =	rddreg [dreg:$0x14]  }
0x8e: {  	[hbm4b:s19+s7] =	stream.linear.scatter [tilespmem:s29], [sflag:$0x4], $0x4000, $0x38;
	[tilespmem:$0x15A00] =	vst v63  }
0x8f: {  	_ =	swait.ge [sflag:s30], $0x4000  }
0x90: {  	[sflag:s30] =	ssyncset.done $0x0  }
0x91: {  	[sflag:s30] =	ssyncadd.s32 $0xFFFFC000  }
0x92: {  	_ =	swait.ge [sflag:s31], $0x4000  }
0x93: {  	[sflag:s31] =	ssyncset.done $0x0  }
0x94: {  	[sflag:s31] =	ssyncadd.s32 $0xFFFFC000  }
0x95: {  	_ =	swait.ge [sflag:s8], $0x4000  }
0x96: {  	[sflag:s8] =	ssyncset.done $0x0  }
0x97: {  	[sflag:s8] =	ssyncadd.s32 $0xFFFFC000  }
0x98: {  	_ =	swait.ge [sflag:s6], $0x4000  }
0x99: {  	[sflag:s6] =	ssyncset.done $0x0  }
0x9a: {  	[sflag:s6] =	ssyncadd.s32 $0xFFFFC000  }
0x9b: {  	[tilespmem:s25], [sflag:$0x1] =	stream.indirect.gather [hbm4b:s4+s24], $0x80, s24, s24, $0xb8;
	[tilespmem:$0x15A00] =	vst v63  }
0x9c: {  	_ = 	snop  }
0x9d: {  	[tilespmem:s26], [sflag:$0x2] =	stream.indirect.gather [hbm4b:s5+s24], $0x80, s24, s24, $0xb8;
	[tilespmem:$0x15A00] =	vst v63  }
0x9e: {  	_ =	swait.ge [sflag:s30], $0x4000  }
0x9f: {  	[sflag:s30] =	ssyncset.done $0x0  }
0xa0: {  	[sflag:s30] =	ssyncadd.s32 $0xFFFFC000  }
0xa1: {  	_ =	swait.ge [sflag:s31], $0x4000  }
0xa2: {  	[sflag:s31] =	ssyncset.done $0x0  }
0xa3: {  	s21 =	rddreg [dreg:$0x15];
	[sflag:s31] =	ssyncadd.s32 $0xFFFFC000  }
0xa4: {  	[hbm4b:s21+s7] =	stream.linear.scatter [tilespmem:s25], [sflag:$0x1], $0x4000, $0x38;
	[tilespmem:$0x15A00] =	vst v63  }
0xa5: {  	s16 =	rddreg [dreg:$0x16]  }
0xa6: {  	[hbm4b:s16+s7] =	stream.linear.scatter [tilespmem:s26], [sflag:$0x2], $0x4000, $0x38;
	[tilespmem:$0x15A00] =	vst v63  }
0xa7: {  	_ =	swait.ge [sflag:s30], $0x4000  }
0xa8: {  	[sflag:s30] =	ssyncset.done $0x0  }
0xa9: {  	[sflag:s30] =	ssyncadd.s32 $0xFFFFC000  }
0xaa: {  	_ =	swait.ge [sflag:s31], $0x4000  }
0xab: {  	[sflag:s31] =	ssyncset.done $0x0  }
0xac: {  	[sflag:s31] =	ssyncadd.s32 $0xFFFFC000  }
0xad: {  	_ =	swait.ge [sflag:s0], $0x4000  }
0xae: {  	[sflag:s0] =	ssyncset.done $0x0  }
0xaf: {  	s17 =	rddreg [dreg:$0x17];
	[sflag:s0] =	ssyncadd.s32 $0xFFFFC000  }
0xb0: {  	[tilespmem:s2], [sflag:$0x9] =	stream.linear.gather [hbm4b:s20+s7], $0x80, $0x38;
	[tilespmem:$0x15A00] =	vst v63  }
0xb1: {  	s18 =	simm.s32 $0x180;
	s19 =	rddreg [dreg:$0x18]  }
0xb2: {  	[tilespmem:s18], [sflag:$0x9] =	stream.linear.gather [hbm4b:s17+s7], $0x80, $0x38;
	[tilespmem:$0x15A00] =	vst v63  }
0xb3: {  	s21 =	simm.s32 $0x200;
	s17 =	rddreg [dreg:$0x19]  }
0xb4: {  	[tilespmem:s21], [sflag:$0x9] =	stream.linear.gather [hbm4b:s19+s7], $0x80, $0x38;
	[tilespmem:$0x15A00] =	vst v63  }
0xb5: {  	s18 =	simm.s32 $0x280;
	s19 =	rddreg [dreg:$0x1a]  }
0xb6: {  	[tilespmem:s18], [sflag:$0x9] =	stream.linear.gather [hbm4b:s17+s7], $0x80, $0x38;
	[tilespmem:$0x15A00] =	vst v63  }
0xb7: {  	s21 =	simm.s32 $0x300;
	s17 =	rddreg [dreg:$0x1c]  }
0xb8: {  	[tilespmem:s21], [sflag:$0x9] =	stream.linear.gather [hbm4b:s19+s7], $0x80, $0x38;
	[tilespmem:$0x15A00] =	vst v63  }
0xb9: {  	s18 =	simm.s32 $0x380;
	s19 =	rddreg [dreg:$0x1d]  }
0xba: {  	[tilespmem:s18], [sflag:$0x9] =	stream.linear.gather [hbm4b:s17+s7], $0x80, $0x38;
	[tilespmem:$0x15A00] =	vst v63  }
0xbb: {  	s21 =	simm.s32 $0x400;
	s17 =	rddreg [dreg:$0x1e]  }
0xbc: {  	[tilespmem:s21], [sflag:$0x9] =	stream.linear.gather [hbm4b:s19+s7], $0x80, $0x38;
	[tilespmem:$0x15A00] =	vst v63  }
0xbd: {  	s18 =	simm.s32 $0x480;
	s19 =	rddreg [dreg:$0x1f]  }
0xbe: {  	[tilespmem:s18], [sflag:$0x9] =	stream.linear.gather [hbm4b:s17+s7], $0x80, $0x38;
	[tilespmem:$0x15A00] =	vst v63  }
0xbf: {  	s21 =	simm.s32 $0x500;
	s17 =	sld [smem:$0x7D6]  }
0xc0: {  	[tilespmem:s21], [sflag:$0x9] =	stream.linear.gather [hbm4b:s19+s7], $0x80, $0x38;
	[tilespmem:$0x15A00] =	vst v63  }
0xc1: {  	s18 =	simm.s32 $0x580;
	s19 =	sld [smem:$0x7D7]  }
0xc2: {  	[tilespmem:s18], [sflag:$0x9] =	stream.linear.gather [hbm4b:s17+s7], $0x80, $0x38;
	[tilespmem:$0x15A00] =	vst v63  }
0xc3: {  	s21 =	simm.s32 $0x600;
	s17 =	sld [smem:$0x7D8]  }
0xc4: {  	[tilespmem:s21], [sflag:$0x9] =	stream.linear.gather [hbm4b:s19+s7], $0x80, $0x38;
	[tilespmem:$0x15A00] =	vst v63  }
0xc5: {  	s18 =	simm.s32 $0x680;
	s19 =	sld [smem:$0x7D9]  }
0xc6: {  	[tilespmem:s18], [sflag:$0x9] =	stream.linear.gather [hbm4b:s17+s7], $0x80, $0x38;
	[tilespmem:$0x15A00] =	vst v63  }
0xc7: {  	s21 =	simm.s32 $0x700;
	s17 =	sld [smem:$0x7DA]  }
0xc8: {  	[tilespmem:s21], [sflag:$0x9] =	stream.linear.gather [hbm4b:s19+s7], $0x80, $0x38;
	[tilespmem:$0x15A00] =	vst v63  }
0xc9: {  	s18 =	simm.s32 $0x780;
	s19 =	sld [smem:$0x7DB]  }
0xca: {  	[tilespmem:s18], [sflag:$0x9] =	stream.linear.gather [hbm4b:s17+s7], $0x80, $0x38;
	[tilespmem:$0x15A00] =	vst v63  }
0xcb: {  	s21 =	simm.s32 $0x800;
	s17 =	sld [smem:$0x7DC]  }
0xcc: {  	[tilespmem:s21], [sflag:$0x9] =	stream.linear.gather [hbm4b:s19+s7], $0x80, $0x38;
	[tilespmem:$0x15A00] =	vst v63  }
0xcd: {  	s18 =	simm.s32 $0x880;
	s19 =	sld [smem:$0x7DD]  }
0xce: {  	[tilespmem:s18], [sflag:$0x9] =	stream.linear.gather [hbm4b:s17+s7], $0x80, $0x38;
	[tilespmem:$0x15A00] =	vst v63  }
0xcf: {  	s21 =	simm.s32 $0x900;
	s17 =	sld [smem:$0x7DE]  }
0xd0: {  	[tilespmem:s21], [sflag:$0x9] =	stream.linear.gather [hbm4b:s19+s7], $0x80, $0x38;
	[tilespmem:$0x15A00] =	vst v63  }
0xd1: {  	s18 =	simm.s32 $0x980;
	s19 =	sld [smem:$0x7DF]  }
0xd2: {  	[tilespmem:s18], [sflag:$0x9] =	stream.linear.gather [hbm4b:s17+s7], $0x80, $0x38;
	[tilespmem:$0x15A00] =	vst v63  }
0xd3: {  	s21 =	simm.s32 $0xA00;
	s17 =	sld [smem:$0x7E0]  }
0xd4: {  	[tilespmem:s21], [sflag:$0x9] =	stream.linear.gather [hbm4b:s19+s7], $0x80, $0x38;
	[tilespmem:$0x15A00] =	vst v63  }
0xd5: {  	s18 =	simm.s32 $0xA80;
	s19 =	sld [smem:$0x7E1]  }
0xd6: {  	[tilespmem:s18], [sflag:$0x9] =	stream.linear.gather [hbm4b:s17+s7], $0x80, $0x38;
	[tilespmem:$0x15A00] =	vst v63  }
0xd7: {  	s21 =	simm.s32 $0xB00;
	s17 =	sld [smem:$0x7E2]  }
0xd8: {  	[tilespmem:s21], [sflag:$0x9] =	stream.linear.gather [hbm4b:s19+s7], $0x80, $0x38;
	[tilespmem:$0x15A00] =	vst v63  }
0xd9: {  	s18 =	simm.s32 $0xB80;
	s19 =	sld [smem:$0x7E3]  }
0xda: {  	[tilespmem:s18], [sflag:$0x9] =	stream.linear.gather [hbm4b:s17+s7], $0x80, $0x38;
	[tilespmem:$0x15A00] =	vst v63  }
0xdb: {  	s21 =	simm.s32 $0xC00;
	s17 =	sld [smem:$0x7E4]  }
0xdc: {  	[tilespmem:s21], [sflag:$0x9] =	stream.linear.gather [hbm4b:s19+s7], $0x80, $0x38;
	[tilespmem:$0x15A00] =	vst v63  }
0xdd: {  	s18 =	simm.s32 $0xC80;
	s19 =	sld [smem:$0x7E5]  }
0xde: {  	[tilespmem:s18], [sflag:$0x9] =	stream.linear.gather [hbm4b:s17+s7], $0x80, $0x38;
	[tilespmem:$0x15A00] =	vst v63  }
0xdf: {  	s21 =	simm.s32 $0xD00;
	s17 =	sld [smem:$0x7E6]  }
0xe0: {  	[tilespmem:s21], [sflag:$0x9] =	stream.linear.gather [hbm4b:s19+s7], $0x80, $0x38;
	[tilespmem:$0x15A00] =	vst v63  }
0xe1: {  	s18 =	simm.s32 $0xD80;
	s19 =	sld [smem:$0x7E7]  }
0xe2: {  	[tilespmem:s18], [sflag:$0x9] =	stream.linear.gather [hbm4b:s17+s7], $0x80, $0x38;
	[tilespmem:$0x15A00] =	vst v63  }
0xe3: {  	s21 =	simm.s32 $0xE00;
	s17 =	sld [smem:$0x7E8]  }
0xe4: {  	[tilespmem:s21], [sflag:$0x9] =	stream.linear.gather [hbm4b:s19+s7], $0x80, $0x38;
	[tilespmem:$0x15A00] =	vst v63  }
0xe5: {  	s18 =	simm.s32 $0xE80;
	s19 =	sld [smem:$0x7E9]  }
0xe6: {  	[tilespmem:s18], [sflag:$0x9] =	stream.linear.gather [hbm4b:s17+s7], $0x80, $0x38;
	[tilespmem:$0x15A00] =	vst v63  }
0xe7: {  	s21 =	simm.s32 $0xF00;
	s17 =	sld [smem:$0x7EA]  }
0xe8: {  	[tilespmem:s21], [sflag:$0x9] =	stream.linear.gather [hbm4b:s19+s7], $0x80, $0x38;
	[tilespmem:$0x15A00] =	vst v63  }
0xe9: {  	s18 =	simm.s32 $0xF80;
	s19 =	sld [smem:$0x7EB]  }
0xea: {  	[tilespmem:s18], [sflag:$0x9] =	stream.linear.gather [hbm4b:s17+s7], $0x80, $0x38;
	[tilespmem:$0x15A00] =	vst v63  }
0xeb: {  	s21 =	simm.s32 $0x1000;
	s17 =	sld [smem:$0x7EC]  }
0xec: {  	[tilespmem:s21], [sflag:$0x9] =	stream.linear.gather [hbm4b:s19+s7], $0x80, $0x38;
	[tilespmem:$0x15A00] =	vst v63  }
0xed: {  	s18 =	simm.s32 $0x1080;
	s19 =	sld [smem:$0x7ED]  }
0xee: {  	[tilespmem:s18], [sflag:$0x9] =	stream.linear.gather [hbm4b:s17+s7], $0x80, $0x38;
	[tilespmem:$0x15A00] =	vst v63  }
0xef: {  	s21 =	simm.s32 $0x1100;
	s17 =	sld [smem:$0x7EE]  }
0xf0: {  	[tilespmem:s21], [sflag:$0x9] =	stream.linear.gather [hbm4b:s19+s7], $0x80, $0x38;
	[tilespmem:$0x15A00] =	vst v63  }
0xf1: {  	s18 =	simm.s32 $0x1180;
	s19 =	sld [smem:$0x7EF]  }
0xf2: {  	[tilespmem:s18], [sflag:$0x9] =	stream.linear.gather [hbm4b:s17+s7], $0x80, $0x38;
	[tilespmem:$0x15A00] =	vst v63  }
0xf3: {  	s21 =	simm.s32 $0x1200;
	s17 =	sld [smem:$0x7F0]  }
0xf4: {  	[tilespmem:s21], [sflag:$0x9] =	stream.linear.gather [hbm4b:s19+s7], $0x80, $0x38;
	[tilespmem:$0x15A00] =	vst v63  }
0xf5: {  	s18 =	simm.s32 $0x1280;
	s19 =	sld [smem:$0x7F1]  }
0xf6: {  	[tilespmem:s18], [sflag:$0x9] =	stream.linear.gather [hbm4b:s17+s7], $0x80, $0x38;
	[tilespmem:$0x15A00] =	vst v63  }
0xf7: {  	s21 =	simm.s32 $0x1300;
	s17 =	sld [smem:$0x7F2]  }
0xf8: {  	[tilespmem:s21], [sflag:$0x9] =	stream.linear.gather [hbm4b:s19+s7], $0x80, $0x38;
	[tilespmem:$0x15A00] =	vst v63  }
0xf9: {  	s18 =	simm.s32 $0x1380;
	s19 =	sld [smem:$0x7F3]  }
0xfa: {  	[tilespmem:s18], [sflag:$0x9] =	stream.linear.gather [hbm4b:s17+s7], $0x80, $0x38;
	[tilespmem:$0x15A00] =	vst v63  }
0xfb: {  	s21 =	simm.s32 $0x1400;
	s17 =	sld [smem:$0x7F4]  }
0xfc: {  	[tilespmem:s21], [sflag:$0x9] =	stream.linear.gather [hbm4b:s19+s7], $0x80, $0x38;
	[tilespmem:$0x15A00] =	vst v63  }
0xfd: {  	s18 =	simm.s32 $0x1480;
	s19 =	sld [smem:$0x7F5]  }
0xfe: {  	[tilespmem:s18], [sflag:$0x9] =	stream.linear.gather [hbm4b:s17+s7], $0x80, $0x38;
	[tilespmem:$0x15A00] =	vst v63  }
0xff: {  	s21 =	simm.s32 $0x1500;
	s17 =	sld [smem:$0x7F6]  }
0x100: {  	[tilespmem:s21], [sflag:$0x9] =	stream.linear.gather [hbm4b:s19+s7], $0x80, $0x38;
	[tilespmem:$0x15A00] =	vst v63  }
0x101: {  	s18 =	simm.s32 $0x1580;
	s19 =	sld [smem:$0x7F7]  }
0x102: {  	[tilespmem:s18], [sflag:$0x9] =	stream.linear.gather [hbm4b:s17+s7], $0x80, $0x38;
	[tilespmem:$0x15A00] =	vst v63  }
0x103: {  	s21 =	simm.s32 $0x1600;
	s17 =	sld [smem:$0x7F8]  }
0x104: {  	[tilespmem:s21], [sflag:$0x9] =	stream.linear.gather [hbm4b:s19+s7], $0x80, $0x38;
	[tilespmem:$0x15A00] =	vst v63  }
0x105: {  	s18 =	simm.s32 $0x1680;
	s19 =	sld [smem:$0x7F9]  }
0x106: {  	[tilespmem:s18], [sflag:$0x9] =	stream.linear.gather [hbm4b:s17+s7], $0x80, $0x38;
	[tilespmem:$0x15A00] =	vst v63  }
0x107: {  	s21 =	simm.s32 $0x1700;
	s17 =	sld [smem:$0x7FA]  }
0x108: {  	[tilespmem:s21], [sflag:$0x9] =	stream.linear.gather [hbm4b:s19+s7], $0x80, $0x38;
	[tilespmem:$0x15A00] =	vst v63  }
0x109: {  	s18 =	simm.s32 $0x1780;
	s19 =	sld [smem:$0x7FB]  }
0x10a: {  	[tilespmem:s18], [sflag:$0x9] =	stream.linear.gather [hbm4b:s17+s7], $0x80, $0x38;
	[tilespmem:$0x15A00] =	vst v63  }
0x10b: {  	s16 =	sld [smem:$0x7FC];
	s21 =	simm.s32 $0x1800  }
0x10c: {  	[tilespmem:s21], [sflag:$0x9] =	stream.linear.gather [hbm4b:s19+s7], $0x80, $0x38;
	[tilespmem:$0x15A00] =	vst v63  }
0x10d: {  	s17 =	simm.s32 $0x1880;
	s18 =	sld [smem:$0x7FD]  }
0x10e: {  	[tilespmem:s17], [sflag:$0x9] =	stream.linear.gather [hbm4b:s16+s7], $0x80, $0x38;
	[tilespmem:$0x15A00] =	vst v63  }
0x10f: {  	s19 =	simm.s32 $0x1900  }
0x110: {  	[tilespmem:s19], [sflag:$0x9] =	stream.linear.gather [hbm4b:s18+s7], $0x80, $0x38;
	[tilespmem:$0x15A00] =	vst v63  }
0x111: {  	s21 =	simm.s32 $0x1980  }
0x112: {  	[tilespmem:s21], [sflag:$0x9] =	stream.linear.gather [hbm4b:s22+s7], $0x80, $0x38;
	[tilespmem:$0x15A00] =	vst v63  }
0x113: {  	_ =	swait.ge [sflag:s0], $0x80  }
0x114: {  	[sflag:s0] =	ssyncset.done $0x0  }
0x115: {  	[sflag:s0] =	ssyncadd.s32 $0xFFFFFF80  }
0x116: {  	_ =	swait.ge [sflag:s0], $0x80  }
0x117: {  	[sflag:s0] =	ssyncset.done $0x0  }
0x118: {  	[sflag:s0] =	ssyncadd.s32 $0xFFFFFF80  }
0x119: {  	_ =	swait.ge [sflag:s0], $0x80  }
0x11a: {  	[sflag:s0] =	ssyncset.done $0x0  }
0x11b: {  	[sflag:s0] =	ssyncadd.s32 $0xFFFFFF80  }
0x11c: {  	_ =	swait.ge [sflag:s0], $0x80  }
0x11d: {  	[sflag:s0] =	ssyncset.done $0x0  }
0x11e: {  	[sflag:s0] =	ssyncadd.s32 $0xFFFFFF80  }
0x11f: {  	_ =	swait.ge [sflag:s0], $0x80  }
0x120: {  	[sflag:s0] =	ssyncset.done $0x0  }
0x121: {  	[sflag:s0] =	ssyncadd.s32 $0xFFFFFF80  }
0x122: {  	_ =	swait.ge [sflag:s0], $0x80  }
0x123: {  	[sflag:s0] =	ssyncset.done $0x0  }
0x124: {  	[sflag:s0] =	ssyncadd.s32 $0xFFFFFF80  }
0x125: {  	_ =	swait.ge [sflag:s0], $0x80  }
0x126: {  	[sflag:s0] =	ssyncset.done $0x0  }
0x127: {  	[sflag:s0] =	ssyncadd.s32 $0xFFFFFF80  }
0x128: {  	_ =	swait.ge [sflag:s0], $0x80  }
0x129: {  	[sflag:s0] =	ssyncset.done $0x0  }
0x12a: {  	[sflag:s0] =	ssyncadd.s32 $0xFFFFFF80  }
0x12b: {  	_ =	swait.ge [sflag:s0], $0x80  }
0x12c: {  	[sflag:s0] =	ssyncset.done $0x0  }
0x12d: {  	[sflag:s0] =	ssyncadd.s32 $0xFFFFFF80  }
0x12e: {  	_ =	swait.ge [sflag:s0], $0x80  }
0x12f: {  	[sflag:s0] =	ssyncset.done $0x0  }
0x130: {  	[sflag:s0] =	ssyncadd.s32 $0xFFFFFF80  }
0x131: {  	_ =	swait.ge [sflag:s0], $0x80  }
0x132: {  	[sflag:s0] =	ssyncset.done $0x0  }
0x133: {  	[sflag:s0] =	ssyncadd.s32 $0xFFFFFF80  }
0x134: {  	_ =	swait.ge [sflag:s0], $0x80  }
0x135: {  	[sflag:s0] =	ssyncset.done $0x0  }
0x136: {  	[sflag:s0] =	ssyncadd.s32 $0xFFFFFF80  }
0x137: {  	_ =	swait.ge [sflag:s0], $0x80  }
0x138: {  	[sflag:s0] =	ssyncset.done $0x0  }
0x139: {  	[sflag:s0] =	ssyncadd.s32 $0xFFFFFF80  }
0x13a: {  	_ =	swait.ge [sflag:s0], $0x80  }
0x13b: {  	[sflag:s0] =	ssyncset.done $0x0  }
0x13c: {  	[sflag:s0] =	ssyncadd.s32 $0xFFFFFF80  }
0x13d: {  	_ =	swait.ge [sflag:s0], $0x80  }
0x13e: {  	[sflag:s0] =	ssyncset.done $0x0  }
0x13f: {  	[sflag:s0] =	ssyncadd.s32 $0xFFFFFF80  }
0x140: {  	_ =	swait.ge [sflag:s0], $0x80  }
0x141: {  	[sflag:s0] =	ssyncset.done $0x0  }
0x142: {  	[sflag:s0] =	ssyncadd.s32 $0xFFFFFF80  }
0x143: {  	_ =	swait.ge [sflag:s0], $0x80  }
0x144: {  	[sflag:s0] =	ssyncset.done $0x0  }
0x145: {  	[sflag:s0] =	ssyncadd.s32 $0xFFFFFF80  }
0x146: {  	_ =	swait.ge [sflag:s0], $0x80  }
0x147: {  	[sflag:s0] =	ssyncset.done $0x0  }
0x148: {  	[sflag:s0] =	ssyncadd.s32 $0xFFFFFF80  }
0x149: {  	_ =	swait.ge [sflag:s0], $0x80  }
0x14a: {  	[sflag:s0] =	ssyncset.done $0x0  }
0x14b: {  	[sflag:s0] =	ssyncadd.s32 $0xFFFFFF80  }
0x14c: {  	_ =	swait.ge [sflag:s0], $0x80  }
0x14d: {  	[sflag:s0] =	ssyncset.done $0x0  }
0x14e: {  	[sflag:s0] =	ssyncadd.s32 $0xFFFFFF80  }
0x14f: {  	_ =	swait.ge [sflag:s0], $0x80  }
0x150: {  	[sflag:s0] =	ssyncset.done $0x0  }
0x151: {  	[sflag:s0] =	ssyncadd.s32 $0xFFFFFF80  }
0x152: {  	_ =	swait.ge [sflag:s0], $0x80  }
0x153: {  	[sflag:s0] =	ssyncset.done $0x0  }
0x154: {  	[sflag:s0] =	ssyncadd.s32 $0xFFFFFF80  }
0x155: {  	_ =	swait.ge [sflag:s0], $0x80  }
0x156: {  	[sflag:s0] =	ssyncset.done $0x0  }
0x157: {  	[sflag:s0] =	ssyncadd.s32 $0xFFFFFF80  }
0x158: {  	_ =	swait.ge [sflag:s0], $0x80  }
0x159: {  	[sflag:s0] =	ssyncset.done $0x0  }
0x15a: {  	[sflag:s0] =	ssyncadd.s32 $0xFFFFFF80  }
0x15b: {  	_ =	swait.ge [sflag:s0], $0x80  }
0x15c: {  	[sflag:s0] =	ssyncset.done $0x0  }
0x15d: {  	[sflag:s0] =	ssyncadd.s32 $0xFFFFFF80  }
0x15e: {  	_ =	swait.ge [sflag:s0], $0x80  }
0x15f: {  	[sflag:s0] =	ssyncset.done $0x0  }
0x160: {  	[sflag:s0] =	ssyncadd.s32 $0xFFFFFF80  }
0x161: {  	_ =	swait.ge [sflag:s0], $0x80  }
0x162: {  	[sflag:s0] =	ssyncset.done $0x0  }
0x163: {  	[sflag:s0] =	ssyncadd.s32 $0xFFFFFF80  }
0x164: {  	_ =	swait.ge [sflag:s0], $0x80  }
0x165: {  	[sflag:s0] =	ssyncset.done $0x0  }
0x166: {  	[sflag:s0] =	ssyncadd.s32 $0xFFFFFF80  }
0x167: {  	_ =	swait.ge [sflag:s0], $0x80  }
0x168: {  	[sflag:s0] =	ssyncset.done $0x0  }
0x169: {  	[sflag:s0] =	ssyncadd.s32 $0xFFFFFF80  }
0x16a: {  	_ =	swait.ge [sflag:s0], $0x80  }
0x16b: {  	[sflag:s0] =	ssyncset.done $0x0  }
0x16c: {  	[sflag:s0] =	ssyncadd.s32 $0xFFFFFF80  }
0x16d: {  	_ =	swait.ge [sflag:s0], $0x80  }
0x16e: {  	[sflag:s0] =	ssyncset.done $0x0  }
0x16f: {  	[sflag:s0] =	ssyncadd.s32 $0xFFFFFF80  }
0x170: {  	_ =	swait.ge [sflag:s0], $0x80  }
0x171: {  	[sflag:s0] =	ssyncset.done $0x0  }
0x172: {  	[sflag:s0] =	ssyncadd.s32 $0xFFFFFF80  }
0x173: {  	_ =	swait.ge [sflag:s0], $0x80  }
0x174: {  	[sflag:s0] =	ssyncset.done $0x0  }
0x175: {  	[sflag:s0] =	ssyncadd.s32 $0xFFFFFF80  }
0x176: {  	_ =	swait.ge [sflag:s0], $0x80  }
0x177: {  	[sflag:s0] =	ssyncset.done $0x0  }
0x178: {  	[sflag:s0] =	ssyncadd.s32 $0xFFFFFF80  }
0x179: {  	_ =	swait.ge [sflag:s0], $0x80  }
0x17a: {  	[sflag:s0] =	ssyncset.done $0x0  }
0x17b: {  	[sflag:s0] =	ssyncadd.s32 $0xFFFFFF80  }
0x17c: {  	_ =	swait.ge [sflag:s0], $0x80  }
0x17d: {  	[sflag:s0] =	ssyncset.done $0x0  }
0x17e: {  	[sflag:s0] =	ssyncadd.s32 $0xFFFFFF80  }
0x17f: {  	_ =	swait.ge [sflag:s0], $0x80  }
0x180: {  	[sflag:s0] =	ssyncset.done $0x0  }
0x181: {  	[sflag:s0] =	ssyncadd.s32 $0xFFFFFF80  }
0x182: {  	_ =	swait.ge [sflag:s0], $0x80  }
0x183: {  	[sflag:s0] =	ssyncset.done $0x0  }
0x184: {  	[sflag:s0] =	ssyncadd.s32 $0xFFFFFF80  }
0x185: {  	_ =	swait.ge [sflag:s0], $0x80  }
0x186: {  	[sflag:s0] =	ssyncset.done $0x0  }
0x187: {  	[sflag:s0] =	ssyncadd.s32 $0xFFFFFF80  }
0x188: {  	_ =	swait.ge [sflag:s0], $0x80  }
0x189: {  	[sflag:s0] =	ssyncset.done $0x0  }
0x18a: {  	[sflag:s0] =	ssyncadd.s32 $0xFFFFFF80  }
0x18b: {  	_ =	swait.ge [sflag:s0], $0x80  }
0x18c: {  	[sflag:s0] =	ssyncset.done $0x0  }
0x18d: {  	[sflag:s0] =	ssyncadd.s32 $0xFFFFFF80  }
0x18e: {  	_ =	swait.ge [sflag:s0], $0x80  }
0x18f: {  	[sflag:s0] =	ssyncset.done $0x0  }
0x190: {  	[sflag:s0] =	ssyncadd.s32 $0xFFFFFF80  }
0x191: {  	_ =	swait.ge [sflag:s0], $0x80  }
0x192: {  	[sflag:s0] =	ssyncset.done $0x0  }
0x193: {  	[sflag:s0] =	ssyncadd.s32 $0xFFFFFF80  }
0x194: {  	_ =	swait.ge [sflag:s0], $0x80  }
0x195: {  	[sflag:s0] =	ssyncset.done $0x0  }
0x196: {  	[sflag:s0] =	ssyncadd.s32 $0xFFFFFF80  }
0x197: {  	_ =	swait.ge [sflag:s0], $0x80  }
0x198: {  	[sflag:s0] =	ssyncset.done $0x0  }
0x199: {  	[sflag:s0] =	ssyncadd.s32 $0xFFFFFF80  }
0x19a: {  	_ =	swait.ge [sflag:s0], $0x80  }
0x19b: {  	[sflag:s0] =	ssyncset.done $0x0  }
0x19c: {  	[sflag:s0] =	ssyncadd.s32 $0xFFFFFF80  }
0x19d: {  	_ =	swait.ge [sflag:s0], $0x80  }
0x19e: {  	[sflag:s0] =	ssyncset.done $0x0  }
0x19f: {  	[sflag:s0] =	ssyncadd.s32 $0xFFFFFF80  }
0x1a0: {  	_ =	swait.ge [sflag:s0], $0x80  }
0x1a1: {  	[sflag:s0] =	ssyncset.done $0x0  }
0x1a2: {  	[sflag:s0] =	ssyncadd.s32 $0xFFFFFF80  }
0x1a3: {  	_ =	swait.ge [sflag:s0], $0x80  }
0x1a4: {  	[sflag:s0] =	ssyncset.done $0x0  }
0x1a5: {  	[sflag:s0] =	ssyncadd.s32 $0xFFFFFF80  }
0x1a6: {  	_ =	swait.ge [sflag:s0], $0x80  }
0x1a7: {  	[sflag:s0] =	ssyncset.done $0x0  }
0x1a8: {  	[sflag:s0] =	ssyncadd.s32 $0xFFFFFF80  }
0x1a9: {  	[tilespmem:s25], [sflag:$0x1] =	stream.indirect.gather [hbm4b:s4+s24], $0x80, s2, s24, $0xb8;
	[tilespmem:$0x15A00] =	vst v63  }
0x1aa: {  	s15 =	simm.s32 $0x0  }
0x1ab: {  	[tilespmem:s28], [sflag:$0x3] =	stream.indirect.gather [hbm4b:s5+s24], $0x80, s2, s24, $0xb8;
	[tilespmem:$0x15A00] =	vst v63  }
.LBB3_2:
0x1ac: {  	_ =	swait.ge [sflag:s30], $0x4000;
	s16 =	sshll.u32 s15, $0x11  }
0x1ad: {  	[sflag:s30] =	ssyncset.done $0x0;
	s16 =	sor.u32 s11, s16  }
0x1ae: {  	[sflag:s30] =	ssyncadd.s32 $0xFFFFC000;
	s17 =	sadd.s32 s10, s16  }
0x1af: {  	[hbm4b:s17+s7] =	stream.linear.scatter [tilespmem:s25], [sflag:$0x5], $0x4000, $0x38;
	[tilespmem:$0x15A00] =	vst v63  }
0x1b0: {  	_ =	swait.ge [sflag:s8], $0x4000  }
0x1b1: {  	p0 =	seq.s32 s15, $0x0;
	[sflag:s8] =	ssyncset.done $0x0  }
0x1b2: {  	s17 =	simm.s32 @!p0 $0x6;
	[sflag:s8] =	ssyncadd.s32 $0xFFFFC000  }
0x1b3: {  	_ =	swait.ge @!p0 [sflag:s17], $0x4000  }
0x1b4: {  	s18 =	sshll.u32 s15, $0x1;
	[sflag:s17] =	ssyncset.done @!p0 $0x0  }
0x1b5: {  	s19 =	simm.s32 @!p0 $0x8;
	[sflag:s17] =	ssyncadd.s32 @!p0 $0xFFFFC000;
	s17 =	sor.u32 $0x1, s18  }
0x1b6: {  	_ =	swait.ge @!p0 [sflag:s19], $0x4000;
	s18 =	sshll.u32 s17, $0x7  }
0x1b7: {  	[sflag:s19] =	ssyncset.done @!p0 $0x0;
	s18 =	sand.u32 $0x3FFFFF80, s18  }
0x1b8: {  	[sflag:s19] =	ssyncadd.s32 @!p0 $0xFFFFC000;
	s18 =	sadd.s32 $0x100, s18  }
0x1b9: {  	[tilespmem:s26], [sflag:$0x2] =	stream.indirect.gather [hbm4b:s4+s24], $0x80, s18, s24, $0xb8;
	[tilespmem:$0x15A00] =	vst v63  }
0x1ba: {  	_ = 	snop  }
0x1bb: {  	[tilespmem:s29], [sflag:$0x4] =	stream.indirect.gather [hbm4b:s5+s24], $0x80, s18, s24, $0xb8;
	[tilespmem:$0x15A00] =	vst v63  }
0x1bc: {  	s18 =	simm.s32 $0x0  }
0x1bd: {  	v7 =	vld [tilespmem:s18+$0x1A00]  }
0x1be: {  	v11 =	vld [tilespmem:s18+$0x1A10]  }
0x1bf: {  	v5 =	vld [tilespmem:s18+$0x1A20]  }
0x1c0: {  	v4 =	vld [tilespmem:s18+$0x1A30]  }
0x1c1: {  	v3 =	vld [tilespmem:s18+$0x1A40]  }
0x1c2: {  	v2 =	vld [tilespmem:s18+$0x1A50]  }
0x1c3: {  	v1 =	vld [tilespmem:s18+$0x1A60]  }
0x1c4: {  	v0 =	vld [tilespmem:s18+$0x1A70]  }
0x1c5: {  	v12 =	vld [tilespmem:s18+$0xDA00]  }
0x1c6: {  	v13 =	vld [tilespmem:s18+$0xDA10]  }
0x1c7: {  	v10 =	vld [tilespmem:s18+$0xDA20]  }
0x1c8: {  	v9 =	vld [tilespmem:s18+$0xDA30]  }
0x1c9: {  	v8 =	vld [tilespmem:s18+$0xDA40]  }
0x1ca: {  	v6 =	vld [tilespmem:s18+$0xDA50];
	v12 =	vmul.f32 v7, v12  }
0x1cb: {  	s19 =	simm.s32 $0x200;
	v11 =	vmul.f32 v11, v13;
	v7 =	vld [tilespmem:s18+$0xDA60]  }
.LBB3_3:
0x1cc: {  	s21 =	sshra.s32 s19, $0x2;
	p0 =	sne.s32 s19, $0xFE00;
	[tilespmem:s18+$0xDA00] =	vst v12;
	v5 =	vmul.f32 v5, v10;
	v10 =	vld [tilespmem:s18+$0xDA70]  }
0x1cd: {  	v12 =	vld [tilespmem:s21+$0x1A00];
	[tilespmem:s18+$0xDA10] =	vst v11;
	v4 =	vmul.f32 v4, v9  }
0x1ce: {  	v11 =	vld [tilespmem:s21+$0x1A10];
	[tilespmem:s18+$0xDA20] =	vst v5;
	v3 =	vmul.f32 v3, v8  }
0x1cf: {  	v5 =	vld [tilespmem:s21+$0x1A20];
	[tilespmem:s18+$0xDA30] =	vst v4;
	v2 =	vmul.f32 v2, v6  }
0x1d0: {  	v4 =	vld [tilespmem:s21+$0x1A30];
	[tilespmem:s18+$0xDA40] =	vst v3;
	v1 =	vmul.f32 v1, v7  }
0x1d1: {  	v3 =	vld [tilespmem:s21+$0x1A40];
	[tilespmem:s18+$0xDA50] =	vst v2;
	v0 =	vmul.f32 v0, v10  }
0x1d2: {  	v2 =	vld [tilespmem:s21+$0x1A50];
	[tilespmem:s18+$0xDA60] =	vst v1  }
0x1d3: {  	v1 =	vld [tilespmem:s21+$0x1A60];
	[tilespmem:s18+$0xDA70] =	vst v0;
	s18 =	smov.u32 s21  }
0x1d4: {  	v0 =	vld [tilespmem:s18+$0x1A70]  }
0x1d5: {  	v6 =	vld [tilespmem:s18+$0xDA00]  }
0x1d6: {  	v7 =	vld [tilespmem:s18+$0xDA10]  }
.Ltmp0:
0x1d7: {  	v10 =	vld [tilespmem:s18+$0xDA20];
	(pc) =	sbr.rel @p0 .LBB3_3-.Ltmp0, $4  }
0x1d8: {  	v9 =	vld [tilespmem:s18+$0xDA30]  }
0x1d9: {  	v8 =	vld [tilespmem:s18+$0xDA40]  }
0x1da: {  	v12 =	vmul.f32 v12, v6;
	v6 =	vld [tilespmem:s18+$0xDA50]  }
0x1db: {  	s19 =	sadd.s32 $0x200, s19;
	v11 =	vmul.f32 v11, v7;
	v7 =	vld [tilespmem:s18+$0xDA60]  }
0x1dc: {  	[tilespmem:s18+$0xDA00] =	vst v12;
	v5 =	vmul.f32 v5, v10;
	v10 =	vld [tilespmem:s18+$0xDA70]  }
0x1dd: {  	[tilespmem:s18+$0xDA10] =	vst v11;
	v4 =	vmul.f32 v4, v9  }
0x1de: {  	[tilespmem:s18+$0xDA20] =	vst v5;
	v3 =	vmul.f32 v3, v8  }
0x1df: {  	[tilespmem:s18+$0xDA30] =	vst v4;
	v2 =	vmul.f32 v2, v6  }
0x1e0: {  	[tilespmem:s18+$0xDA40] =	vst v3;
	v1 =	vmul.f32 v1, v7  }
0x1e1: {  	[tilespmem:s18+$0xDA50] =	vst v2;
	v0 =	vmul.f32 v0, v10  }
0x1e2: {  	[tilespmem:s18+$0xDA60] =	vst v1  }
0x1e3: {  	s16 =	sadd.s32 s9, s16;
	[tilespmem:s18+$0xDA70] =	vst v0  }
0x1e4: {  	[hbm4b:s16+s7] =	stream.linear.scatter [tilespmem:s28], [sflag:$0x7], $0x4000, $0x38;
	[tilespmem:$0x15A00] =	vst v63  }
0x1e5: {  	s19 =	sshll.u32 s17, $0x10;
	_ =	swait.ge [sflag:s31], $0x4000  }
0x1e6: {  	s16 =	sor.u32 s11, s19;
	[sflag:s31] =	ssyncset.done $0x0  }
0x1e7: {  	s21 =	sadd.s32 s10, s16;
	[sflag:s31] =	ssyncadd.s32 $0xFFFFC000  }
0x1e8: {  	[hbm4b:s21+s7] =	stream.linear.scatter [tilespmem:s26], [sflag:$0x6], $0x4000, $0x38;
	[tilespmem:$0x15A00] =	vst v63  }
0x1e9: {  	_ =	swait.ge [sflag:s6], $0x4000  }
0x1ea: {  	[sflag:s6] =	ssyncset.done $0x0  }
0x1eb: {  	[sflag:s6] =	ssyncadd.s32 $0xFFFFC000  }
0x1ec: {  	_ =	swait.ge [sflag:s3], $0x4000  }
0x1ed: {  	p0 =	seq.s32 s15, $0x18;
	[sflag:s3] =	ssyncset.done $0x0  }
0x1ee: {  	s17 =	sshll.u32 @!p0 s15, $0x8;
	[sflag:s3] =	ssyncadd.s32 $0xFFFFC000  }
0x1ef: {  	s17 =	sand.u32 @!p0 $0x3FFFFF00, s17;
	_ =	swait.ge [sflag:s1], $0x4000  }
0x1f0: {  	s17 =	sadd.s32 @!p0 $0x200, s17;
	[sflag:s1] =	ssyncset.done $0x0  }
0x1f1: {  	s18 =	simm.s32 @!p0 $0x80;
	s19 =	simm.s32 @!p0 $0x5A00;
	[sflag:s1] =	ssyncadd.s32 $0xFFFFC000  }
0x1f2: {  	[tilespmem:s19], [sflag:$0x1] =	stream.indirect.gather @!p0 [hbm4b:s4+s18], $0x80, s17, s18, $0xb8;
	[tilespmem:$0x15A00] =	vst v63  }
0x1f3: {  	s19 =	simm.s32 @!p0 $0xDA00  }
0x1f4: {  	[tilespmem:s19], [sflag:$0x3] =	stream.indirect.gather @!p0 [hbm4b:s5+s18], $0x80, s17, s18, $0xb8;
	[tilespmem:$0x15A00] =	vst v63  }
0x1f5: {  	s17 =	simm.s32 $0x0  }
0x1f6: {  	v7 =	vld [tilespmem:s17+$0x1A00]  }
0x1f7: {  	v11 =	vld [tilespmem:s17+$0x1A10]  }
0x1f8: {  	v5 =	vld [tilespmem:s17+$0x1A20]  }
0x1f9: {  	v4 =	vld [tilespmem:s17+$0x1A30]  }
0x1fa: {  	v3 =	vld [tilespmem:s17+$0x1A40]  }
0x1fb: {  	v2 =	vld [tilespmem:s17+$0x1A50]  }
0x1fc: {  	v1 =	vld [tilespmem:s17+$0x1A60]  }
0x1fd: {  	v0 =	vld [tilespmem:s17+$0x1A70]  }
0x1fe: {  	v12 =	vld [tilespmem:s17+$0x11A00]  }
0x1ff: {  	v13 =	vld [tilespmem:s17+$0x11A10]  }
0x200: {  	v10 =	vld [tilespmem:s17+$0x11A20]  }
0x201: {  	v9 =	vld [tilespmem:s17+$0x11A30]  }
0x202: {  	v8 =	vld [tilespmem:s17+$0x11A40]  }
0x203: {  	v6 =	vld [tilespmem:s17+$0x11A50];
	v12 =	vmul.f32 v7, v12  }
0x204: {  	s18 =	simm.s32 $0x200;
	v11 =	vmul.f32 v11, v13;
	v7 =	vld [tilespmem:s17+$0x11A60]  }
.LBB3_5:
0x205: {  	s19 =	sshra.s32 s18, $0x2;
	p0 =	sne.s32 s18, $0xFE00;
	[tilespmem:s17+$0x11A00] =	vst v12;
	v5 =	vmul.f32 v5, v10;
	v10 =	vld [tilespmem:s17+$0x11A70]  }
0x206: {  	v12 =	vld [tilespmem:s19+$0x1A00];
	[tilespmem:s17+$0x11A10] =	vst v11;
	v4 =	vmul.f32 v4, v9  }
0x207: {  	v11 =	vld [tilespmem:s19+$0x1A10];
	[tilespmem:s17+$0x11A20] =	vst v5;
	v3 =	vmul.f32 v3, v8  }
0x208: {  	v5 =	vld [tilespmem:s19+$0x1A20];
	[tilespmem:s17+$0x11A30] =	vst v4;
	v2 =	vmul.f32 v2, v6  }
0x209: {  	v4 =	vld [tilespmem:s19+$0x1A30];
	[tilespmem:s17+$0x11A40] =	vst v3;
	v1 =	vmul.f32 v1, v7  }
0x20a: {  	v3 =	vld [tilespmem:s19+$0x1A40];
	[tilespmem:s17+$0x11A50] =	vst v2;
	v0 =	vmul.f32 v0, v10  }
0x20b: {  	v2 =	vld [tilespmem:s19+$0x1A50];
	[tilespmem:s17+$0x11A60] =	vst v1  }
0x20c: {  	v1 =	vld [tilespmem:s19+$0x1A60];
	[tilespmem:s17+$0x11A70] =	vst v0;
	s17 =	smov.u32 s19  }
0x20d: {  	v0 =	vld [tilespmem:s17+$0x1A70]  }
0x20e: {  	v6 =	vld [tilespmem:s17+$0x11A00]  }
0x20f: {  	v7 =	vld [tilespmem:s17+$0x11A10]  }
.Ltmp1:
0x210: {  	v10 =	vld [tilespmem:s17+$0x11A20];
	(pc) =	sbr.rel @p0 .LBB3_5-.Ltmp1, $4  }
0x211: {  	v9 =	vld [tilespmem:s17+$0x11A30]  }
0x212: {  	v8 =	vld [tilespmem:s17+$0x11A40]  }
0x213: {  	v12 =	vmul.f32 v12, v6;
	v6 =	vld [tilespmem:s17+$0x11A50]  }
0x214: {  	s18 =	sadd.s32 $0x200, s18;
	v11 =	vmul.f32 v11, v7;
	v7 =	vld [tilespmem:s17+$0x11A60]  }
0x215: {  	[tilespmem:s17+$0x11A00] =	vst v12;
	v5 =	vmul.f32 v5, v10;
	v63 =	vld [tilespmem:s17+$0x11A70]  }
0x216: {  	[tilespmem:s17+$0x11A10] =	vst v11;
	v4 =	vmul.f32 v4, v9  }
0x217: {  	s15 =	sadd.s32 $0x1, s15;
	[tilespmem:s17+$0x11A20] =	vst v5;
	v3 =	vmul.f32 v3, v8  }
0x218: {  	p0 =	sne.s32 s15, $0x19;
	[tilespmem:s17+$0x11A30] =	vst v4;
	v2 =	vmul.f32 v2, v6  }
.Ltmp2:
0x219: {  	[tilespmem:s17+$0x11A40] =	vst v3;
	v1 =	vmul.f32 v1, v7;
	(pc) =	sbr.rel @p0 .LBB3_2-.Ltmp2, $4  }
0x21a: {  	[tilespmem:s17+$0x11A50] =	vst v2;
	v0 =	vmul.f32 v0, v63  }
0x21b: {  	[tilespmem:s17+$0x11A60] =	vst v1  }
0x21c: {  	s16 =	sadd.s32 s9, s16;
	[tilespmem:s17+$0x11A70] =	vst v0  }
0x21d: {  	[hbm4b:s16+s7] =	stream.linear.scatter [tilespmem:s29], [sflag:$0x8], $0x4000, $0x38;
	[tilespmem:$0x15A00] =	vst v63  }
0x21e: {  	_ =	swait.ge [sflag:s12], $0x4000  }
0x21f: {  	[sflag:s12] =	ssyncset.done $0x0  }
0x220: {  	[sflag:s12] =	ssyncadd.s32 $0xFFFFC000  }
0x221: {  	_ =	swait.ge [sflag:s13], $0x4000  }
0x222: {  	s14 =	sadd.s32 $0x1, s14;
	s15 =	rddreg [dreg:$0x1b]  }
0x223: {  	p0 =	sne.s32 s14, s15  }
.Ltmp3:
0x224: {  	_ = 	snop;
	(pc) =	sbr.rel @p0 .LBB3_1-.Ltmp3, $3  }
0x225: {  	_ =	sdelay $0x1  }
0x226: {  	[sflag:s13] =	ssyncset.done $0x0  }
0x227: {  	[sflag:s13] =	ssyncadd.s32 $0xFFFFC000  }
0x228: {  	_ =	sfence.sel $0x180000  }
0x229: {  	[bflag:$0x0] =	sbarrier.arrive $0xFFFF  }
0x22a: {  	_ =	strace $0x90000047  }
0x22b: {  	s0 =	stileid.u32;
	[bflag:$0x2] =	sbarrier.arrive $0xFFFF  }
0x22c: {  	p0 =	sne.s32 s0, $0x0;
	s0 =	rddreg [dreg:$0xe]  }
0x22d: {  	s0 =	sadd.s32 @!p0 $0x100000, s0  }
0x22e: {  	[sflag:s0] =	ssyncadd.tile.s32 @!p0 $0x1;
	_ =	shalt  }
.Lfunc_end3:
_tile_overlayer_lowered:
.L_overlay_start_3:
0x22f: {  	(tag) =	ssettag $0x3  }
0x230: {  	s0 =	rddreg [dreg:$0x0];
	s2 =	stileid.u32  }
0x231: {  	s1 =	rddreg [dreg:$0x1];
	p0 =	sne.s32 s2, $0x0  }
0x232: {  	s3 =	rddreg [dreg:$0x2];
	[bflag:$0x3] =	sbarrier.arrive $0xFFFF;
	s2 =	simm.s32 @!p0 $0x1C0A  }
0x233: {  	[timem:s3], [sflag:s2] =	dma.local @!p0 [hbm:s0], s1  }
0x234: {  	s0 =	simm.s32 @!p0 $0xA  }
0x235: {  	_ =	swait.ge @!p0 [sflag:s0], s1  }
0x236: {  	s1 =	ssub.s32 @!p0 $0x0, s1;
	[sflag:s0] =	ssyncset.done @!p0 $0x0  }
0x237: {  	[sflag:s0] =	ssyncadd.s32 @!p0 s1  }
0x238: {  	[bflag:$0x3] =	sbarrier.arrive $0xFFFF  }
0x239: {  	_ =	shalt  }

</sc_bundles>
